<compile_context>
chip_gen: v7x
topology: tpu7x:2x2x1
jax: 0.10.2.dev20260603
libtpu: 0.0.44.dev20260713+nightly
codegen_flags: <defaults>
</compile_context>

<pallas_src>
import functools

import jax
import jax.numpy as jnp
from jax import lax
from jax.experimental import pallas as pl
from jax.experimental.pallas import tpu as pltpu
from jax.experimental.pallas import tpu_sc as plsc

B, V, C, P, D = 64, 10, 8, 3, 128
NCODE = B * V * C
NPAR = NCODE * P
NK = B * C * P
N_IDX = 2 * NCODE + 2 * NPAR + NCODE + 2 * NK
NWORK = 32
IPW = N_IDX // NWORK

ROW_EMB_C = 0
ROW_EMB_P = NCODE
ROW_CPAR = 2 * NCODE
ROW_PPAR = ROW_CPAR + NPAR
ROW_DRUG = ROW_PPAR + NPAR
ROW_KC = ROW_DRUG + NCODE
ROW_KP = ROW_KC + NK

_PLAN = [
    (0, 0, 0, 128, ROW_EMB_C, 160, 0),
    (0, 1, 0, 32, ROW_EMB_C, 160, 128),
    (1, 1, 32, 96, ROW_EMB_P, 160, 0),
    (1, 2, 0, 64, ROW_EMB_P, 160, 96),
    (2, 2, 64, 64, ROW_CPAR, 480, 0),
    (2, 3, 0, 128, ROW_CPAR, 480, 64),
    (2, 4, 0, 128, ROW_CPAR, 480, 192),
    (2, 5, 0, 128, ROW_CPAR, 480, 320),
    (2, 6, 0, 32, ROW_CPAR, 480, 448),
    (3, 6, 32, 96, ROW_PPAR, 480, 0),
    (3, 7, 0, 128, ROW_PPAR, 480, 96),
    (3, 8, 0, 128, ROW_PPAR, 480, 224),
    (3, 9, 0, 128, ROW_PPAR, 480, 352),
    (4, 10, 0, 128, ROW_DRUG, 160, 0),
    (4, 11, 0, 32, ROW_DRUG, 160, 128),
    (2, 11, 32, 48, ROW_KC, 48, 0),
    (3, 11, 80, 48, ROW_KP, 48, 0),
]

GRID1 = 4
EBLK = NCODE // GRID1
VBLK = EBLK // C


def _dotT(a, b):
    return lax.dot_general(a, b, (((1,), (1,)), ((), ())),
                           preferred_element_type=jnp.float32)



@functools.cache
def _make_sc_gather():
    @functools.partial(
        pl.kernel,
        mesh=plsc.VectorSubcoreMesh(core_axis_name="c", subcore_axis_name="s"),
        out_type=jax.ShapeDtypeStruct((N_IDX, D), jnp.float32),
        scratch_types=[
            pltpu.VMEM((IPW // 128, 128), jnp.int32),
            pltpu.VMEM((128, D), jnp.float32),
            pltpu.VMEM((128, D), jnp.float32),
            pltpu.VMEM((128, D), jnp.float32),
            pltpu.VMEM((128, D), jnp.float32),
            pltpu.SemaphoreType.DMA,
            pltpu.SemaphoreType.DMA,
            pltpu.SemaphoreType.DMA,
            pltpu.SemaphoreType.DMA,
            pltpu.SemaphoreType.DMA,
            pltpu.SemaphoreType.DMA,
            pltpu.SemaphoreType.DMA,
            pltpu.SemaphoreType.DMA,
        ],
    )
    def _sc_gather(t0, t1, t2, t3, t4, idx_hbm, out_hbm,
                   idx_v, rowA, rowB, rowC, rowD,
                   gsA, gsB, gsC, gsD, wsA, wsB, wsC, wsD):
        wid = lax.axis_index("s") * 2 + lax.axis_index("c")
        tbls = (t0, t1, t2, t3, t4)
        bufs = (rowA, rowB, rowC, rowD)
        gsems = (gsA, gsB, gsC, gsD)
        wsems = (wsA, wsB, wsC, wsD)
        pltpu.sync_copy(idx_hbm.at[wid], idx_v)
        NP = len(_PLAN)

        def fire(k):
            t, r, off, n, base, per_w, rel = _PLAN[k]
            return pltpu.async_copy(
                tbls[t].at[idx_v.at[r, pl.ds(off, n)]],
                bufs[k % 4].at[pl.ds(0, n)], gsems[k % 4])

        gath = {}
        writ = {}
        for k in range(3):
            gath[k] = fire(k)
        for k in range(NP):
            if k + 3 < NP:
                if k - 1 >= 0:
                    writ[k - 1].wait()
                gath[k + 3] = fire(k + 3)
            elif k - 1 >= 0:
                writ[k - 1].wait()
            gath[k].wait()
            t, r, off, n, base, per_w, rel = _PLAN[k]
            writ[k] = pltpu.async_copy(
                bufs[k % 4].at[pl.ds(0, n)],
                out_hbm.at[pl.ds(base + wid * per_w + rel, n)],
                wsems[k % 4])
        writ[NP - 1].wait()
    return _sc_gather



def _attn_slab(emb, p0, p1, p2, W1a, W1b, b1, w2):
    Ha = _dotT(emb, W1a) + b1
    hs = jnp.tanh(Ha + _dotT(emb, W1b))
    ss = _dotT(hs, w2)
    scs = []
    for p in (p0, p1, p2):
        hj = jnp.tanh(Ha + _dotT(p, W1b))
        scs.append(_dotT(hj, w2))
    m = jnp.maximum(jnp.maximum(scs[0], scs[1]), jnp.maximum(scs[2], ss))
    es = jnp.exp(ss - m)
    num = es * emb
    den = es
    for p, s in zip((p0, p1, p2), scs):
        e = jnp.exp(s - m)
        num = num + e * p
        den = den + e
    ce = num / den
    return jnp.sum(ce.reshape(VBLK, C, D), axis=1)


def _attn_body(ec_ref, ep_ref, cp0_ref, cp1_ref, cp2_ref,
               pp0_ref, pp1_ref, pp2_ref, drug_ref,
               W1_ref, b1_ref, W2_ref, vc_ref, vp_ref, vd_ref):
    W1 = W1_ref[...]
    W1a = W1[:, :D]
    W1b = W1[:, D:]
    b1 = b1_ref[...]
    w2 = W2_ref[...]
    vc_ref[...] = _attn_slab(ec_ref[...], cp0_ref[...], cp1_ref[...],
                             cp2_ref[...], W1a, W1b, b1, w2)
    vp_ref[...] = _attn_slab(ep_ref[...], pp0_ref[...], pp1_ref[...],
                             pp2_ref[...], W1a, W1b, b1, w2)
    vd_ref[...] = jnp.sum(drug_ref[...].reshape(VBLK, C, D), axis=1)


_TC1_IN_SPECS = [
    pl.BlockSpec((EBLK, D), lambda i: (i, 0)),
    pl.BlockSpec((EBLK, D), lambda i: (ROW_EMB_P // EBLK + i, 0)),
] + [
    pl.BlockSpec((EBLK, D),
                 lambda i, j=j: (ROW_CPAR // EBLK + j * GRID1 + i, 0))
    for j in range(P)
] + [
    pl.BlockSpec((EBLK, D),
                 lambda i, j=j: (ROW_PPAR // EBLK + j * GRID1 + i, 0))
    for j in range(P)
] + [
    pl.BlockSpec((EBLK, D), lambda i: (ROW_DRUG // EBLK + i, 0)),
    pl.BlockSpec((D, 2 * D), lambda i: (0, 0)),
    pl.BlockSpec((1, D), lambda i: (0, 0)),
    pl.BlockSpec((1, D), lambda i: (0, 0)),
]
_TC1_OUT_SPECS = [
    pl.BlockSpec((VBLK, D), lambda i: (i, 0)),
    pl.BlockSpec((VBLK, D), lambda i: (i, 0)),
    pl.BlockSpec((VBLK, D), lambda i: (i, 0)),
]
_TC1_OUT_SHAPE = [
    jax.ShapeDtypeStruct((B * V, D), jnp.float32),
    jax.ShapeDtypeStruct((B * V, D), jnp.float32),
    jax.ShapeDtypeStruct((B * V, D), jnp.float32),
]



def _seq_body(vc_ref, vp_ref, vd_ref, k_ref,
              Wi_c, Wh_c, bi_c, bh_c, Wi_p, Wh_p, bi_p, bh_p,
              Wi_d, Wh_d, bi_d, bh_d, Kc_ref, Kp_ref, Wfc_ref, bfc_ref,
              out_ref):
    def gru(x, Wi_r, Wh_r, bi_r, bh_r):
        Wi = Wi_r[...]
        Wh = Wh_r[...]
        gi = _dotT(x, Wi) + bi_r[...]
        h = jnp.zeros((B, D), jnp.float32)
        bh = bh_r[...]
        for t in range(V):
            git = gi[t * B:(t + 1) * B]
            gh = _dotT(h, Wh) + bh
            r = jax.nn.sigmoid(git[:, :D] + gh[:, :D])
            z = jax.nn.sigmoid(git[:, D:2 * D] + gh[:, D:2 * D])
            n = jnp.tanh(git[:, 2 * D:] + r * gh[:, 2 * D:])
            h = (1.0 - z) * n + z * h
        return h

    h_c = gru(vc_ref[...], Wi_c, Wh_c, bi_c, bh_c)
    h_p = gru(vp_ref[...], Wi_p, Wh_p, bi_p, bh_p)
    h_d = gru(vd_ref[...], Wi_d, Wh_d, bi_d, bh_d)
    tmp = h_c + h_p + h_d

    krows = k_ref[...]

    def knowledge(rows, K_r):
        kp = _dotT(rows, K_r[...])
        kp3 = kp.reshape(B, C * P, D)
        w = jnp.sum(kp3 * tmp.reshape(B, 1, D), axis=2)
        m = jnp.max(w, axis=1, keepdims=True)
        e = jnp.exp(w - m)
        a = e / jnp.sum(e, axis=1, keepdims=True)
        return jnp.sum(a[:, :, None] * kp3, axis=1)

    k_c = knowledge(krows[:NK], Kc_ref)
    k_p = knowledge(krows[NK:], Kp_ref)
    patient = jnp.concatenate([h_c, h_p, h_d, k_c, k_p], axis=1)
    out_ref[...] = _dotT(patient, Wfc_ref[...]) + bfc_ref[...]


_TC2_IN_SPECS = [
    pl.BlockSpec((B * V, D), lambda i: (0, 0)),
    pl.BlockSpec((B * V, D), lambda i: (0, 0)),
    pl.BlockSpec((B * V, D), lambda i: (0, 0)),
    pl.BlockSpec((2 * NK, D), lambda i: (ROW_KC // (2 * NK), 0)),
] + [pl.BlockSpec((3 * D, D), lambda i: (0, 0)),
     pl.BlockSpec((3 * D, D), lambda i: (0, 0)),
     pl.BlockSpec((1, 3 * D), lambda i: (0, 0)),
     pl.BlockSpec((1, 3 * D), lambda i: (0, 0)),
     ] * 3 + [
    pl.BlockSpec((D, D), lambda i: (0, 0)),
    pl.BlockSpec((D, D), lambda i: (0, 0)),
    pl.BlockSpec((D, 5 * D), lambda i: (0, 0)),
    pl.BlockSpec((1, D), lambda i: (0, 0)),
]
_TC2_OUT_SPECS = pl.BlockSpec((B, D), lambda i: (0, 0))
_TC2_OUT_SHAPE = jax.ShapeDtypeStruct((B, D), jnp.float32)


def _flat_indices(cond_codes, cond_parents, proc_codes, proc_parents,
                  drug_codes, cond_last_parents, proc_last_parents):
    s1 = cond_codes.transpose(1, 0, 2).reshape(NWORK, -1)
    s2 = proc_codes.transpose(1, 0, 2).reshape(NWORK, -1)
    s3 = cond_parents.transpose(3, 1, 0, 2).reshape(NWORK, -1)
    s4 = proc_parents.transpose(3, 1, 0, 2).reshape(NWORK, -1)
    s5 = drug_codes.transpose(1, 0, 2).reshape(NWORK, -1)
    s6 = cond_last_parents.reshape(NWORK, -1)
    s7 = proc_last_parents.reshape(NWORK, -1)
    idx = jnp.concatenate([s1, s2, s3, s4, s5, s6, s7], axis=1)
    return idx.astype(jnp.int32).reshape(NWORK, IPW // 128, 128)


def kernel(cond_codes, cond_parents, proc_codes, proc_parents, drug_codes,
           cond_last_parents, proc_last_parents, E_cond, E_cond_parent,
           E_proc, E_proc_parent, E_drug, W1, b1, W2, K_cond, K_proc,
           Wi_cond, Wh_cond, bi_cond, bh_cond, Wi_proc, Wh_proc, bi_proc,
           bh_proc, Wi_drug, Wh_drug, bi_drug, bh_drug, W_fc, b_fc):
    idx3 = _flat_indices(cond_codes, cond_parents, proc_codes, proc_parents,
                         drug_codes, cond_last_parents, proc_last_parents)
    G = _make_sc_gather()(E_cond, E_proc, E_cond_parent, E_proc_parent,
                          E_drug, idx3)

    vc, vp, vd = pl.pallas_call(
        _attn_body,
        grid=(GRID1,),
        in_specs=_TC1_IN_SPECS,
        out_specs=_TC1_OUT_SPECS,
        out_shape=_TC1_OUT_SHAPE,
    )(G, G, G, G, G, G, G, G, G, W1, b1.reshape(1, D), W2)

    out = pl.pallas_call(
        _seq_body,
        grid=(1,),
        in_specs=_TC2_IN_SPECS,
        out_specs=_TC2_OUT_SPECS,
        out_shape=_TC2_OUT_SHAPE,
    )(vc, vp, vd, G,
      Wi_cond, Wh_cond, bi_cond.reshape(1, 3 * D), bh_cond.reshape(1, 3 * D),
      Wi_proc, Wh_proc, bi_proc.reshape(1, 3 * D), bh_proc.reshape(1, 3 * D),
      Wi_drug, Wh_drug, bi_drug.reshape(1, 3 * D), bh_drug.reshape(1, 3 * D),
      K_cond, K_proc, W_fc, b_fc.reshape(1, D))
    return out

# --- scband reference (transcript-rebuilt; emitter-appended) ---
"""Pipeline reference for scband-kame-10153302688434 (READ-ONLY COPY).

The authoritative reference and input builder live on the scoring server;
editing this copy changes nothing except your own understanding.
"""

import jax, jax.numpy as jnp
import numpy as np

B, V, C, P, D = 64, 10, 8, 3, 128
VOC_COND, VOC_CONDP = 10000, 1000
VOC_PROC, VOC_PROCP = 8000, 800
VOC_DRUG = 600
OUT = 128

def _gru_last(x, Wi, Wh, bi, bh):
    def step(h, xt):
        gi = xt @ Wi.T + bi
        gh = h @ Wh.T + bh
        i_r, i_z, i_n = jnp.split(gi, 3, axis=-1)
        h_r, h_z, h_n = jnp.split(gh, 3, axis=-1)
        r = jax.nn.sigmoid(i_r + h_r)
        z = jax.nn.sigmoid(i_z + h_z)
        n = jnp.tanh(i_n + r * h_n)
        return (1.0 - z) * n + z * h, None
    h0 = jnp.zeros((x.shape[0], x.shape[2]), dtype=x.dtype)
    h_last, _ = jax.lax.scan(step, h0, jnp.swapaxes(x, 0, 1))
    return h_last

def _embed_with_parent(codes, parents, E, Ep, W1, b1, W2):
    emb = jnp.take(E, codes, axis=0)
    pemb = jnp.take(Ep, parents, axis=0)
    allp = jnp.concatenate([pemb, emb[..., None, :]], axis=-2)
    embb = jnp.broadcast_to(emb[..., None, :], allp.shape)
    cat = jnp.concatenate([embb, allp], axis=-1)
    h = jnp.tanh(cat @ W1.T + b1)
    score = h @ W2.T
    a = jax.nn.softmax(score, axis=-2)
    code_emb = jnp.sum(a * allp, axis=-2)
    return jnp.sum(code_emb, axis=2)

def _knowledge(pidx, Ep, K, tmp):
    kp = jnp.take(Ep, pidx, axis=0) @ K.T
    w = jnp.einsum('bnd,bd->bn', kp, tmp)
    a = jax.nn.softmax(w, axis=-1)
    return jnp.einsum('bn,bnd->bd', a, kp)

def setup_inputs(seed: int = 0):
    key = jax.random.key(seed)
    ks = jax.random.split(key, 40)
    def nrm(k, shape):
        return jax.random.normal(k, shape, dtype=jnp.float32) * 0.02
    inp = {}
    inp['cond_codes'] = jax.random.randint(ks[0], (B, V, C), 0, VOC_COND)
    inp['cond_parents'] = jax.random.randint(ks[1], (B, V, C, P), 0, VOC_CONDP)
    inp['proc_codes'] = jax.random.randint(ks[2], (B, V, C), 0, VOC_PROC)
    inp['proc_parents'] = jax.random.randint(ks[3], (B, V, C, P), 0, VOC_PROCP)
    inp['drug_codes'] = jax.random.randint(ks[4], (B, V, C), 0, VOC_DRUG)
    inp['cond_last_parents'] = jax.random.randint(ks[5], (B, C * P), 0, VOC_CONDP)
    inp['proc_last_parents'] = jax.random.randint(ks[6], (B, C * P), 0, VOC_PROCP)
    inp['E_cond'] = nrm(ks[7], (VOC_COND, D))
    inp['E_cond_parent'] = nrm(ks[8], (VOC_CONDP, D))
    inp['E_proc'] = nrm(ks[9], (VOC_PROC, D))
    inp['E_proc_parent'] = nrm(ks[10], (VOC_PROCP, D))
    inp['E_drug'] = nrm(ks[11], (VOC_DRUG, D))
    inp['W1'] = nrm(ks[12], (D, 2 * D))
    inp['b1'] = jnp.zeros((D,), dtype=jnp.float32)
    inp['W2'] = nrm(ks[13], (1, D))
    inp['K_cond'] = nrm(ks[14], (D, D))
    inp['K_proc'] = nrm(ks[15], (D, D))
    i = 16
    for name in ['cond', 'proc', 'drug']:
        inp['Wi_' + name] = nrm(ks[i], (3 * D, D)); i += 1
        inp['Wh_' + name] = nrm(ks[i], (3 * D, D)); i += 1
        inp['bi_' + name] = jnp.zeros((3 * D,), dtype=jnp.float32)
        inp['bh_' + name] = jnp.zeros((3 * D,), dtype=jnp.float32)
    inp['W_fc'] = nrm(ks[i], (OUT, 5 * D))
    inp['b_fc'] = jnp.zeros((OUT,), dtype=jnp.float32)
    return inp

def reference(cond_codes, cond_parents, proc_codes, proc_parents, drug_codes, cond_last_parents, proc_last_parents, E_cond, E_cond_parent, E_proc, E_proc_parent, E_drug, W1, b1, W2, K_cond, K_proc, Wi_cond, Wh_cond, bi_cond, bh_cond, Wi_proc, Wh_proc, bi_proc, bh_proc, Wi_drug, Wh_drug, bi_drug, bh_drug, W_fc, b_fc):
    v_cond = _embed_with_parent(cond_codes, cond_parents, E_cond, E_cond_parent, W1, b1, W2)
    v_proc = _embed_with_parent(proc_codes, proc_parents, E_proc, E_proc_parent, W1, b1, W2)
    v_drug = jnp.sum(jnp.take(E_drug, drug_codes, axis=0), axis=2)
    h_cond = _gru_last(v_cond, Wi_cond, Wh_cond, bi_cond, bh_cond)
    h_proc = _gru_last(v_proc, Wi_proc, Wh_proc, bi_proc, bh_proc)
    h_drug = _gru_last(v_drug, Wi_drug, Wh_drug, bi_drug, bh_drug)
    tmp = h_cond + h_proc + h_drug
    k_cond = _knowledge(cond_last_parents, E_cond_parent, K_cond, tmp)
    k_proc = _knowledge(proc_last_parents, E_proc_parent, K_proc, tmp)
    patient = jnp.concatenate([h_cond, h_proc, h_drug, k_cond, k_proc], axis=-1)
    return patient @ W_fc.T + b_fc

if __name__ == "__main__":
    import jax
    _d = setup_inputs()
    print(jax.jit(kernel)(*tuple(_d.values())))

</pallas_src>

<mosaic_0001>
#map = affine_map<(d0, d1) -> (0, 0)>
#map1 = affine_map<(d0, d1) -> (0, 0, 0)>
module attributes {stable_mosaic.version = 14 : i64} {
  func.func @_sc_gather(%arg0: i32, %arg1: i32, %arg2: memref<10000x128xf32, #tpu.memory_space<hbm>>, %arg3: memref<8000x128xf32, #tpu.memory_space<hbm>>, %arg4: memref<1000x128xf32, #tpu.memory_space<hbm>>, %arg5: memref<800x128xf32, #tpu.memory_space<hbm>>, %arg6: memref<600x128xf32, #tpu.memory_space<hbm>>, %arg7: memref<32x12x128xi32, #tpu.memory_space<hbm>>, %arg8: memref<49152x128xf32, #tpu.memory_space<hbm>>, %arg9: memref<12x128xi32, #tpu.memory_space<vmem>>, %arg10: memref<128x128xf32, #tpu.memory_space<vmem>>, %arg11: memref<128x128xf32, #tpu.memory_space<vmem>>, %arg12: memref<128x128xf32, #tpu.memory_space<vmem>>, %arg13: memref<128x128xf32, #tpu.memory_space<vmem>>, %arg14: memref<!tpu.dma_semaphore, #tpu.memory_space<semaphore_mem>>, %arg15: memref<!tpu.dma_semaphore, #tpu.memory_space<semaphore_mem>>, %arg16: memref<!tpu.dma_semaphore, #tpu.memory_space<semaphore_mem>>, %arg17: memref<!tpu.dma_semaphore, #tpu.memory_space<semaphore_mem>>, %arg18: memref<!tpu.dma_semaphore, #tpu.memory_space<semaphore_mem>>, %arg19: memref<!tpu.dma_semaphore, #tpu.memory_space<semaphore_mem>>, %arg20: memref<!tpu.dma_semaphore, #tpu.memory_space<semaphore_mem>>, %arg21: memref<!tpu.dma_semaphore, #tpu.memory_space<semaphore_mem>>) attributes {dimension_semantics = [#tpu.dimension_semantics<core_parallel>, #tpu.dimension_semantics<subcore_parallel>], iteration_bounds = array<i64: 2, 16>, scalar_prefetch = 0 : i64, scratch_operands = 13 : i64, tpu.core_type = #tpu.core_type<sc_vector_subcore>, window_params = [{transform_indices = #map}, {transform_indices = #map}, {transform_indices = #map}, {transform_indices = #map}, {transform_indices = #map}, {transform_indices = #map1}, {transform_indices = #map}]} {
    %mul3A = arith.constant 2 : i32
    %mul3A_0 = arith.muli %arg1, %mul3A : i32
    %add3A = arith.addi %mul3A_0, %arg0 : i32
    "tpu.region"() ({
      %run_scoped3A = tpu.sem_alloc : memref<!tpu.dma_semaphore, #tpu.memory_space<semaphore_mem>>
      %dma_start3A_781 = arith.constant 0 : i32
      %dma_start3A_782 = arith.constant 0 : i32
      %dma_start3A_783 = tpu.memref_slice %arg7[%add3A, %dma_start3A_781, %dma_start3A_782] : memref<32x12x128xi32, #tpu.memory_space<hbm>> -> memref<1x12x128xi32, #tpu.memory_space<hbm>>
      %dma_start3A_784 = tpu.memref_squeeze %dma_start3A_783 : memref<1x12x128xi32, #tpu.memory_space<hbm>> -> memref<12x128xi32, #tpu.memory_space<hbm>>
      %dma_start3A_785 = arith.constant 0 : i32
      %dma_start3A_786 = arith.constant 0 : i32
      %dma_start3A_787 = tpu.memref_slice %arg7[%add3A, %dma_start3A_785, %dma_start3A_786] : memref<32x12x128xi32, #tpu.memory_space<hbm>> -> memref<1x12x128xi32, #tpu.memory_space<hbm>>
      %dma_start3A_788 = tpu.memref_squeeze %dma_start3A_787 : memref<1x12x128xi32, #tpu.memory_space<hbm>> -> memref<12x128xi32, #tpu.memory_space<hbm>>
      tpu.enqueue_dma source(%dma_start3A_788 : memref<12x128xi32, #tpu.memory_space<hbm>>) target(%arg9 : memref<12x128xi32, #tpu.memory_space<vmem>>) target_semaphore(%run_scoped3A : memref<!tpu.dma_semaphore, #tpu.memory_space<semaphore_mem>>)
      %dma_wait3A_789 = arith.constant 0 : i32
      %dma_wait3A_790 = arith.constant 0 : i32
      %dma_wait3A_791 = tpu.memref_slice %arg7[%add3A, %dma_wait3A_789, %dma_wait3A_790] : memref<32x12x128xi32, #tpu.memory_space<hbm>> -> memref<1x12x128xi32, #tpu.memory_space<hbm>>
      %dma_wait3A_792 = tpu.memref_squeeze %dma_wait3A_791 : memref<1x12x128xi32, #tpu.memory_space<hbm>> -> memref<12x128xi32, #tpu.memory_space<hbm>>
      %dma_wait3A_793 = arith.constant 0 : i32
      %dma_wait3A_794 = arith.constant 0 : i32
      %dma_wait3A_795 = tpu.memref_slice %arg7[%add3A, %dma_wait3A_793, %dma_wait3A_794] : memref<32x12x128xi32, #tpu.memory_space<hbm>> -> memref<1x12x128xi32, #tpu.memory_space<hbm>>
      %dma_wait3A_796 = tpu.memref_squeeze %dma_wait3A_795 : memref<1x12x128xi32, #tpu.memory_space<hbm>> -> memref<12x128xi32, #tpu.memory_space<hbm>>
      tpu.wait_dma2 semaphore(%run_scoped3A : memref<!tpu.dma_semaphore, #tpu.memory_space<semaphore_mem>>) src(%dma_wait3A_796 : memref<12x128xi32, #tpu.memory_space<hbm>>) dst(%arg9 : memref<12x128xi32, #tpu.memory_space<vmem>>)
      tpu.yield
    }) : () -> ()
    %dma_start3A = arith.constant 0 : i32
    %dma_start3A_1 = arith.constant 0 : i32
    %dma_start3A_2 = arith.constant 0 : i32
    %dma_start3A_3 = tpu.memref_slice %arg10[%dma_start3A_1, %dma_start3A_2] : memref<128x128xf32, #tpu.memory_space<vmem>> -> memref<128x128xf32, #tpu.memory_space<vmem>>
    %dma_start3A_4 = arith.constant 0 : i32
    %dma_start3A_5 = tpu.memref_slice %arg9[%dma_start3A, %dma_start3A_4] : memref<12x128xi32, #tpu.memory_space<vmem>> -> memref<1x128xi32, #tpu.memory_space<vmem>>
    %dma_start3A_6 = tpu.memref_squeeze %dma_start3A_5 : memref<1x128xi32, #tpu.memory_space<vmem>> -> memref<128xi32, #tpu.memory_space<vmem>>
    %dma_start3A_7 = arith.constant 0 : i32
    %dma_start3A_8 = arith.constant 0 : i32
    %dma_start3A_9 = tpu.memref_slice %arg2[%dma_start3A_7, %dma_start3A_8] : memref<10000x128xf32, #tpu.memory_space<hbm>> -> memref<10000x128xf32, #tpu.memory_space<hbm>>
    tpu.enqueue_indirect_dma source(%dma_start3A_9 : memref<10000x128xf32, #tpu.memory_space<hbm>>) target(%dma_start3A_3 : memref<128x128xf32, #tpu.memory_space<vmem>>) offsets(%dma_start3A_6 : memref<128xi32, #tpu.memory_space<vmem>>) semaphore(%arg14 : memref<!tpu.dma_semaphore, #tpu.memory_space<semaphore_mem>>)
    %dma_start3A_10 = arith.constant 1 : i32
    %dma_start3A_11 = arith.constant 0 : i32
    %dma_start3A_12 = arith.constant 0 : i32
    %dma_start3A_13 = tpu.memref_slice %arg11[%dma_start3A_11, %dma_start3A_12] : memref<128x128xf32, #tpu.memory_space<vmem>> -> memref<32x128xf32, #tpu.memory_space<vmem>>
    %dma_start3A_14 = arith.constant 0 : i32
    %dma_start3A_15 = tpu.memref_slice %arg9[%dma_start3A_10, %dma_start3A_14] : memref<12x128xi32, #tpu.memory_space<vmem>> -> memref<1x32xi32, #tpu.memory_space<vmem>>
    %dma_start3A_16 = tpu.memref_squeeze %dma_start3A_15 : memref<1x32xi32, #tpu.memory_space<vmem>> -> memref<32xi32, #tpu.memory_space<vmem>>
    %dma_start3A_17 = arith.constant 0 : i32
    %dma_start3A_18 = arith.constant 0 : i32
    %dma_start3A_19 = tpu.memref_slice %arg2[%dma_start3A_17, %dma_start3A_18] : memref<10000x128xf32, #tpu.memory_space<hbm>> -> memref<10000x128xf32, #tpu.memory_space<hbm>>
    tpu.enqueue_indirect_dma source(%dma_start3A_19 : memref<10000x128xf32, #tpu.memory_space<hbm>>) target(%dma_start3A_13 : memref<32x128xf32, #tpu.memory_space<vmem>>) offsets(%dma_start3A_16 : memref<32xi32, #tpu.memory_space<vmem>>) semaphore(%arg15 : memref<!tpu.dma_semaphore, #tpu.memory_space<semaphore_mem>>)
    %dma_start3A_20 = arith.constant 1 : i32
    %dma_start3A_21 = arith.constant 0 : i32
    %dma_start3A_22 = arith.constant 0 : i32
    %dma_start3A_23 = tpu.memref_slice %arg12[%dma_start3A_21, %dma_start3A_22] : memref<128x128xf32, #tpu.memory_space<vmem>> -> memref<96x128xf32, #tpu.memory_space<vmem>>
    %dma_start3A_24 = arith.constant 32 : i32
    %dma_start3A_25 = tpu.memref_slice %arg9[%dma_start3A_20, %dma_start3A_24] : memref<12x128xi32, #tpu.memory_space<vmem>> -> memref<1x96xi32, #tpu.memory_space<vmem>>
    %dma_start3A_26 = tpu.memref_squeeze %dma_start3A_25 : memref<1x96xi32, #tpu.memory_space<vmem>> -> memref<96xi32, #tpu.memory_space<vmem>>
    %dma_start3A_27 = arith.constant 0 : i32
    %dma_start3A_28 = arith.constant 0 : i32
    %dma_start3A_29 = tpu.memref_slice %arg3[%dma_start3A_27, %dma_start3A_28] : memref<8000x128xf32, #tpu.memory_space<hbm>> -> memref<8000x128xf32, #tpu.memory_space<hbm>>
    tpu.enqueue_indirect_dma source(%dma_start3A_29 : memref<8000x128xf32, #tpu.memory_space<hbm>>) target(%dma_start3A_23 : memref<96x128xf32, #tpu.memory_space<vmem>>) offsets(%dma_start3A_26 : memref<96xi32, #tpu.memory_space<vmem>>) semaphore(%arg16 : memref<!tpu.dma_semaphore, #tpu.memory_space<semaphore_mem>>)
    %dma_start3A_30 = arith.constant 2 : i32
    %dma_start3A_31 = arith.constant 0 : i32
    %dma_start3A_32 = arith.constant 0 : i32
    %dma_start3A_33 = tpu.memref_slice %arg13[%dma_start3A_31, %dma_start3A_32] : memref<128x128xf32, #tpu.memory_space<vmem>> -> memref<64x128xf32, #tpu.memory_space<vmem>>
    %dma_start3A_34 = arith.constant 0 : i32
    %dma_start3A_35 = tpu.memref_slice %arg9[%dma_start3A_30, %dma_start3A_34] : memref<12x128xi32, #tpu.memory_space<vmem>> -> memref<1x64xi32, #tpu.memory_space<vmem>>
    %dma_start3A_36 = tpu.memref_squeeze %dma_start3A_35 : memref<1x64xi32, #tpu.memory_space<vmem>> -> memref<64xi32, #tpu.memory_space<vmem>>
    %dma_start3A_37 = arith.constant 0 : i32
    %dma_start3A_38 = arith.constant 0 : i32
    %dma_start3A_39 = tpu.memref_slice %arg3[%dma_start3A_37, %dma_start3A_38] : memref<8000x128xf32, #tpu.memory_space<hbm>> -> memref<8000x128xf32, #tpu.memory_space<hbm>>
    tpu.enqueue_indirect_dma source(%dma_start3A_39 : memref<8000x128xf32, #tpu.memory_space<hbm>>) target(%dma_start3A_33 : memref<64x128xf32, #tpu.memory_space<vmem>>) offsets(%dma_start3A_36 : memref<64xi32, #tpu.memory_space<vmem>>) semaphore(%arg17 : memref<!tpu.dma_semaphore, #tpu.memory_space<semaphore_mem>>)
    %dma_wait3A = arith.constant 0 : i32
    %dma_wait3A_40 = arith.constant 0 : i32
    %dma_wait3A_41 = arith.constant 0 : i32
    %dma_wait3A_42 = tpu.memref_slice %arg10[%dma_wait3A_40, %dma_wait3A_41] : memref<128x128xf32, #tpu.memory_space<vmem>> -> memref<128x128xf32, #tpu.memory_space<vmem>>
    %dma_wait3A_43 = arith.constant 0 : i32
    %dma_wait3A_44 = tpu.memref_slice %arg9[%dma_wait3A, %dma_wait3A_43] : memref<12x128xi32, #tpu.memory_space<vmem>> -> memref<1x128xi32, #tpu.memory_space<vmem>>
    %dma_wait3A_45 = tpu.memref_squeeze %dma_wait3A_44 : memref<1x128xi32, #tpu.memory_space<vmem>> -> memref<128xi32, #tpu.memory_space<vmem>>
    %dma_wait3A_46 = arith.constant 0 : i32
    %dma_wait3A_47 = arith.constant 0 : i32
    %dma_wait3A_48 = tpu.memref_slice %arg2[%dma_wait3A_46, %dma_wait3A_47] : memref<10000x128xf32, #tpu.memory_space<hbm>> -> memref<10000x128xf32, #tpu.memory_space<hbm>>
    tpu.wait_indirect_dma semaphore(%arg14 : memref<!tpu.dma_semaphore, #tpu.memory_space<semaphore_mem>>) src(%dma_wait3A_48 : memref<10000x128xf32, #tpu.memory_space<hbm>>) dst(%dma_wait3A_42 : memref<128x128xf32, #tpu.memory_space<vmem>>)
    %mul3A_49 = arith.constant 160 : i32
    %mul3A_50 = arith.muli %add3A, %mul3A_49 : i32
    %add3A_51 = arith.constant 0 : i32
    %add3A_52 = arith.addi %add3A_51, %mul3A_50 : i32
    %add3A_53 = arith.constant 0 : i32
    %add3A_54 = arith.addi %add3A_52, %add3A_53 : i32
    %dma_start3A_55 = arith.constant 0 : i32
    %dma_start3A_56 = arith.constant 0 : i32
    %dma_start3A_57 = tpu.memref_slice %arg10[%dma_start3A_55, %dma_start3A_56] : memref<128x128xf32, #tpu.memory_space<vmem>> -> memref<128x128xf32, #tpu.memory_space<vmem>>
    %dma_start3A_58 = arith.constant 0 : i32
    %dma_start3A_59 = tpu.memref_slice %arg8[%add3A_54, %dma_start3A_58] : memref<49152x128xf32, #tpu.memory_space<hbm>> -> memref<128x128xf32, #tpu.memory_space<hbm>>
    %dma_start3A_60 = arith.constant 0 : i32
    %dma_start3A_61 = tpu.memref_slice %arg8[%add3A_54, %dma_start3A_60] : memref<49152x128xf32, #tpu.memory_space<hbm>> -> memref<128x128xf32, #tpu.memory_space<hbm>>
    %dma_start3A_62 = arith.constant 0 : i32
    %dma_start3A_63 = arith.constant 0 : i32
    %dma_start3A_64 = tpu.memref_slice %arg10[%dma_start3A_62, %dma_start3A_63] : memref<128x128xf32, #tpu.memory_space<vmem>> -> memref<128x128xf32, #tpu.memory_space<vmem>>
    tpu.enqueue_dma source(%dma_start3A_64 : memref<128x128xf32, #tpu.memory_space<vmem>>) target(%dma_start3A_61 : memref<128x128xf32, #tpu.memory_space<hbm>>) target_semaphore(%arg18 : memref<!tpu.dma_semaphore, #tpu.memory_space<semaphore_mem>>)
    %dma_wait3A_65 = arith.constant 0 : i32
    %dma_wait3A_66 = arith.constant 0 : i32
    %dma_wait3A_67 = tpu.memref_slice %arg10[%dma_wait3A_65, %dma_wait3A_66] : memref<128x128xf32, #tpu.memory_space<vmem>> -> memref<128x128xf32, #tpu.memory_space<vmem>>
    %dma_wait3A_68 = arith.constant 0 : i32
    %dma_wait3A_69 = tpu.memref_slice %arg8[%add3A_54, %dma_wait3A_68] : memref<49152x128xf32, #tpu.memory_space<hbm>> -> memref<128x128xf32, #tpu.memory_space<hbm>>
    %dma_wait3A_70 = arith.constant 0 : i32
    %dma_wait3A_71 = tpu.memref_slice %arg8[%add3A_54, %dma_wait3A_70] : memref<49152x128xf32, #tpu.memory_space<hbm>> -> memref<128x128xf32, #tpu.memory_space<hbm>>
    %dma_wait3A_72 = arith.constant 0 : i32
    %dma_wait3A_73 = arith.constant 0 : i32
    %dma_wait3A_74 = tpu.memref_slice %arg10[%dma_wait3A_72, %dma_wait3A_73] : memref<128x128xf32, #tpu.memory_space<vmem>> -> memref<128x128xf32, #tpu.memory_space<vmem>>
    tpu.wait_dma2 semaphore(%arg18 : memref<!tpu.dma_semaphore, #tpu.memory_space<semaphore_mem>>) src(%dma_wait3A_74 : memref<128x128xf32, #tpu.memory_space<vmem>>) dst(%dma_wait3A_71 : memref<128x128xf32, #tpu.memory_space<hbm>>)
    %dma_start3A_75 = arith.constant 2 : i32
    %dma_start3A_76 = arith.constant 0 : i32
    %dma_start3A_77 = arith.constant 0 : i32
    %dma_start3A_78 = tpu.memref_slice %arg10[%dma_start3A_76, %dma_start3A_77] : memref<128x128xf32, #tpu.memory_space<vmem>> -> memref<64x128xf32, #tpu.memory_space<vmem>>
    %dma_start3A_79 = arith.constant 64 : i32
    %dma_start3A_80 = tpu.memref_slice %arg9[%dma_start3A_75, %dma_start3A_79] : memref<12x128xi32, #tpu.memory_space<vmem>> -> memref<1x64xi32, #tpu.memory_space<vmem>>
    %dma_start3A_81 = tpu.memref_squeeze %dma_start3A_80 : memref<1x64xi32, #tpu.memory_space<vmem>> -> memref<64xi32, #tpu.memory_space<vmem>>
    %dma_start3A_82 = arith.constant 0 : i32
    %dma_start3A_83 = arith.constant 0 : i32
    %dma_start3A_84 = tpu.memref_slice %arg4[%dma_start3A_82, %dma_start3A_83] : memref<1000x128xf32, #tpu.memory_space<hbm>> -> memref<1000x128xf32, #tpu.memory_space<hbm>>
    tpu.enqueue_indirect_dma source(%dma_start3A_84 : memref<1000x128xf32, #tpu.memory_space<hbm>>) target(%dma_start3A_78 : memref<64x128xf32, #tpu.memory_space<vmem>>) offsets(%dma_start3A_81 : memref<64xi32, #tpu.memory_space<vmem>>) semaphore(%arg14 : memref<!tpu.dma_semaphore, #tpu.memory_space<semaphore_mem>>)
    %dma_wait3A_85 = arith.constant 1 : i32
    %dma_wait3A_86 = arith.constant 0 : i32
    %dma_wait3A_87 = arith.constant 0 : i32
    %dma_wait3A_88 = tpu.memref_slice %arg11[%dma_wait3A_86, %dma_wait3A_87] : memref<128x128xf32, #tpu.memory_space<vmem>> -> memref<32x128xf32, #tpu.memory_space<vmem>>
    %dma_wait3A_89 = arith.constant 0 : i32
    %dma_wait3A_90 = tpu.memref_slice %arg9[%dma_wait3A_85, %dma_wait3A_89] : memref<12x128xi32, #tpu.memory_space<vmem>> -> memref<1x32xi32, #tpu.memory_space<vmem>>
    %dma_wait3A_91 = tpu.memref_squeeze %dma_wait3A_90 : memref<1x32xi32, #tpu.memory_space<vmem>> -> memref<32xi32, #tpu.memory_space<vmem>>
    %dma_wait3A_92 = arith.constant 0 : i32
    %dma_wait3A_93 = arith.constant 0 : i32
    %dma_wait3A_94 = tpu.memref_slice %arg2[%dma_wait3A_92, %dma_wait3A_93] : memref<10000x128xf32, #tpu.memory_space<hbm>> -> memref<10000x128xf32, #tpu.memory_space<hbm>>
    tpu.wait_indirect_dma semaphore(%arg15 : memref<!tpu.dma_semaphore, #tpu.memory_space<semaphore_mem>>) src(%dma_wait3A_94 : memref<10000x128xf32, #tpu.memory_space<hbm>>) dst(%dma_wait3A_88 : memref<32x128xf32, #tpu.memory_space<vmem>>)
    %mul3A_95 = arith.constant 160 : i32
    %mul3A_96 = arith.muli %add3A, %mul3A_95 : i32
    %add3A_97 = arith.constant 0 : i32
    %add3A_98 = arith.addi %add3A_97, %mul3A_96 : i32
    %add3A_99 = arith.constant 128 : i32
    %add3A_100 = arith.addi %add3A_98, %add3A_99 : i32
    %dma_start3A_101 = arith.constant 0 : i32
    %dma_start3A_102 = arith.constant 0 : i32
    %dma_start3A_103 = tpu.memref_slice %arg11[%dma_start3A_101, %dma_start3A_102] : memref<128x128xf32, #tpu.memory_space<vmem>> -> memref<32x128xf32, #tpu.memory_space<vmem>>
    %dma_start3A_104 = arith.constant 0 : i32
    %dma_start3A_105 = tpu.memref_slice %arg8[%add3A_100, %dma_start3A_104] : memref<49152x128xf32, #tpu.memory_space<hbm>> -> memref<32x128xf32, #tpu.memory_space<hbm>>
    %dma_start3A_106 = arith.constant 0 : i32
    %dma_start3A_107 = tpu.memref_slice %arg8[%add3A_100, %dma_start3A_106] : memref<49152x128xf32, #tpu.memory_space<hbm>> -> memref<32x128xf32, #tpu.memory_space<hbm>>
    %dma_start3A_108 = arith.constant 0 : i32
    %dma_start3A_109 = arith.constant 0 : i32
    %dma_start3A_110 = tpu.memref_slice %arg11[%dma_start3A_108, %dma_start3A_109] : memref<128x128xf32, #tpu.memory_space<vmem>> -> memref<32x128xf32, #tpu.memory_space<vmem>>
    tpu.enqueue_dma source(%dma_start3A_110 : memref<32x128xf32, #tpu.memory_space<vmem>>) target(%dma_start3A_107 : memref<32x128xf32, #tpu.memory_space<hbm>>) target_semaphore(%arg19 : memref<!tpu.dma_semaphore, #tpu.memory_space<semaphore_mem>>)
    %dma_wait3A_111 = arith.constant 0 : i32
    %dma_wait3A_112 = arith.constant 0 : i32
    %dma_wait3A_113 = tpu.memref_slice %arg11[%dma_wait3A_111, %dma_wait3A_112] : memref<128x128xf32, #tpu.memory_space<vmem>> -> memref<32x128xf32, #tpu.memory_space<vmem>>
    %dma_wait3A_114 = arith.constant 0 : i32
    %dma_wait3A_115 = tpu.memref_slice %arg8[%add3A_100, %dma_wait3A_114] : memref<49152x128xf32, #tpu.memory_space<hbm>> -> memref<32x128xf32, #tpu.memory_space<hbm>>
    %dma_wait3A_116 = arith.constant 0 : i32
    %dma_wait3A_117 = tpu.memref_slice %arg8[%add3A_100, %dma_wait3A_116] : memref<49152x128xf32, #tpu.memory_space<hbm>> -> memref<32x128xf32, #tpu.memory_space<hbm>>
    %dma_wait3A_118 = arith.constant 0 : i32
    %dma_wait3A_119 = arith.constant 0 : i32
    %dma_wait3A_120 = tpu.memref_slice %arg11[%dma_wait3A_118, %dma_wait3A_119] : memref<128x128xf32, #tpu.memory_space<vmem>> -> memref<32x128xf32, #tpu.memory_space<vmem>>
    tpu.wait_dma2 semaphore(%arg19 : memref<!tpu.dma_semaphore, #tpu.memory_space<semaphore_mem>>) src(%dma_wait3A_120 : memref<32x128xf32, #tpu.memory_space<vmem>>) dst(%dma_wait3A_117 : memref<32x128xf32, #tpu.memory_space<hbm>>)
    %dma_start3A_121 = arith.constant 3 : i32
    %dma_start3A_122 = arith.constant 0 : i32
    %dma_start3A_123 = arith.constant 0 : i32
    %dma_start3A_124 = tpu.memref_slice %arg11[%dma_start3A_122, %dma_start3A_123] : memref<128x128xf32, #tpu.memory_space<vmem>> -> memref<128x128xf32, #tpu.memory_space<vmem>>
    %dma_start3A_125 = arith.constant 0 : i32
    %dma_start3A_126 = tpu.memref_slice %arg9[%dma_start3A_121, %dma_start3A_125] : memref<12x128xi32, #tpu.memory_space<vmem>> -> memref<1x128xi32, #tpu.memory_space<vmem>>
    %dma_start3A_127 = tpu.memref_squeeze %dma_start3A_126 : memref<1x128xi32, #tpu.memory_space<vmem>> -> memref<128xi32, #tpu.memory_space<vmem>>
    %dma_start3A_128 = arith.constant 0 : i32
    %dma_start3A_129 = arith.constant 0 : i32
    %dma_start3A_130 = tpu.memref_slice %arg4[%dma_start3A_128, %dma_start3A_129] : memref<1000x128xf32, #tpu.memory_space<hbm>> -> memref<1000x128xf32, #tpu.memory_space<hbm>>
    tpu.enqueue_indirect_dma source(%dma_start3A_130 : memref<1000x128xf32, #tpu.memory_space<hbm>>) target(%dma_start3A_124 : memref<128x128xf32, #tpu.memory_space<vmem>>) offsets(%dma_start3A_127 : memref<128xi32, #tpu.memory_space<vmem>>) semaphore(%arg15 : memref<!tpu.dma_semaphore, #tpu.memory_space<semaphore_mem>>)
    %dma_wait3A_131 = arith.constant 1 : i32
    %dma_wait3A_132 = arith.constant 0 : i32
    %dma_wait3A_133 = arith.constant 0 : i32
    %dma_wait3A_134 = tpu.memref_slice %arg12[%dma_wait3A_132, %dma_wait3A_133] : memref<128x128xf32, #tpu.memory_space<vmem>> -> memref<96x128xf32, #tpu.memory_space<vmem>>
    %dma_wait3A_135 = arith.constant 32 : i32
    %dma_wait3A_136 = tpu.memref_slice %arg9[%dma_wait3A_131, %dma_wait3A_135] : memref<12x128xi32, #tpu.memory_space<vmem>> -> memref<1x96xi32, #tpu.memory_space<vmem>>
    %dma_wait3A_137 = tpu.memref_squeeze %dma_wait3A_136 : memref<1x96xi32, #tpu.memory_space<vmem>> -> memref<96xi32, #tpu.memory_space<vmem>>
    %dma_wait3A_138 = arith.constant 0 : i32
    %dma_wait3A_139 = arith.constant 0 : i32
    %dma_wait3A_140 = tpu.memref_slice %arg3[%dma_wait3A_138, %dma_wait3A_139] : memref<8000x128xf32, #tpu.memory_space<hbm>> -> memref<8000x128xf32, #tpu.memory_space<hbm>>
    tpu.wait_indirect_dma semaphore(%arg16 : memref<!tpu.dma_semaphore, #tpu.memory_space<semaphore_mem>>) src(%dma_wait3A_140 : memref<8000x128xf32, #tpu.memory_space<hbm>>) dst(%dma_wait3A_134 : memref<96x128xf32, #tpu.memory_space<vmem>>)
    %mul3A_141 = arith.constant 160 : i32
    %mul3A_142 = arith.muli %add3A, %mul3A_141 : i32
    %add3A_143 = arith.constant 5120 : i32
    %add3A_144 = arith.addi %add3A_143, %mul3A_142 : i32
    %add3A_145 = arith.constant 0 : i32
    %add3A_146 = arith.addi %add3A_144, %add3A_145 : i32
    %dma_start3A_147 = arith.constant 0 : i32
    %dma_start3A_148 = arith.constant 0 : i32
    %dma_start3A_149 = tpu.memref_slice %arg12[%dma_start3A_147, %dma_start3A_148] : memref<128x128xf32, #tpu.memory_space<vmem>> -> memref<96x128xf32, #tpu.memory_space<vmem>>
    %dma_start3A_150 = arith.constant 0 : i32
    %dma_start3A_151 = tpu.memref_slice %arg8[%add3A_146, %dma_start3A_150] : memref<49152x128xf32, #tpu.memory_space<hbm>> -> memref<96x128xf32, #tpu.memory_space<hbm>>
    %dma_start3A_152 = arith.constant 0 : i32
    %dma_start3A_153 = tpu.memref_slice %arg8[%add3A_146, %dma_start3A_152] : memref<49152x128xf32, #tpu.memory_space<hbm>> -> memref<96x128xf32, #tpu.memory_space<hbm>>
    %dma_start3A_154 = arith.constant 0 : i32
    %dma_start3A_155 = arith.constant 0 : i32
    %dma_start3A_156 = tpu.memref_slice %arg12[%dma_start3A_154, %dma_start3A_155] : memref<128x128xf32, #tpu.memory_space<vmem>> -> memref<96x128xf32, #tpu.memory_space<vmem>>
    tpu.enqueue_dma source(%dma_start3A_156 : memref<96x128xf32, #tpu.memory_space<vmem>>) target(%dma_start3A_153 : memref<96x128xf32, #tpu.memory_space<hbm>>) target_semaphore(%arg20 : memref<!tpu.dma_semaphore, #tpu.memory_space<semaphore_mem>>)
    %dma_wait3A_157 = arith.constant 0 : i32
    %dma_wait3A_158 = arith.constant 0 : i32
    %dma_wait3A_159 = tpu.memref_slice %arg12[%dma_wait3A_157, %dma_wait3A_158] : memref<128x128xf32, #tpu.memory_space<vmem>> -> memref<96x128xf32, #tpu.memory_space<vmem>>
    %dma_wait3A_160 = arith.constant 0 : i32
    %dma_wait3A_161 = tpu.memref_slice %arg8[%add3A_146, %dma_wait3A_160] : memref<49152x128xf32, #tpu.memory_space<hbm>> -> memref<96x128xf32, #tpu.memory_space<hbm>>
    %dma_wait3A_162 = arith.constant 0 : i32
    %dma_wait3A_163 = tpu.memref_slice %arg8[%add3A_146, %dma_wait3A_162] : memref<49152x128xf32, #tpu.memory_space<hbm>> -> memref<96x128xf32, #tpu.memory_space<hbm>>
    %dma_wait3A_164 = arith.constant 0 : i32
    %dma_wait3A_165 = arith.constant 0 : i32
    %dma_wait3A_166 = tpu.memref_slice %arg12[%dma_wait3A_164, %dma_wait3A_165] : memref<128x128xf32, #tpu.memory_space<vmem>> -> memref<96x128xf32, #tpu.memory_space<vmem>>
    tpu.wait_dma2 semaphore(%arg20 : memref<!tpu.dma_semaphore, #tpu.memory_space<semaphore_mem>>) src(%dma_wait3A_166 : memref<96x128xf32, #tpu.memory_space<vmem>>) dst(%dma_wait3A_163 : memref<96x128xf32, #tpu.memory_space<hbm>>)
    %dma_start3A_167 = arith.constant 4 : i32
    %dma_start3A_168 = arith.constant 0 : i32
    %dma_start3A_169 = arith.constant 0 : i32
    %dma_start3A_170 = tpu.memref_slice %arg12[%dma_start3A_168, %dma_start3A_169] : memref<128x128xf32, #tpu.memory_space<vmem>> -> memref<128x128xf32, #tpu.memory_space<vmem>>
    %dma_start3A_171 = arith.constant 0 : i32
    %dma_start3A_172 = tpu.memref_slice %arg9[%dma_start3A_167, %dma_start3A_171] : memref<12x128xi32, #tpu.memory_space<vmem>> -> memref<1x128xi32, #tpu.memory_space<vmem>>
    %dma_start3A_173 = tpu.memref_squeeze %dma_start3A_172 : memref<1x128xi32, #tpu.memory_space<vmem>> -> memref<128xi32, #tpu.memory_space<vmem>>
    %dma_start3A_174 = arith.constant 0 : i32
    %dma_start3A_175 = arith.constant 0 : i32
    %dma_start3A_176 = tpu.memref_slice %arg4[%dma_start3A_174, %dma_start3A_175] : memref<1000x128xf32, #tpu.memory_space<hbm>> -> memref<1000x128xf32, #tpu.memory_space<hbm>>
    tpu.enqueue_indirect_dma source(%dma_start3A_176 : memref<1000x128xf32, #tpu.memory_space<hbm>>) target(%dma_start3A_170 : memref<128x128xf32, #tpu.memory_space<vmem>>) offsets(%dma_start3A_173 : memref<128xi32, #tpu.memory_space<vmem>>) semaphore(%arg16 : memref<!tpu.dma_semaphore, #tpu.memory_space<semaphore_mem>>)
    %dma_wait3A_177 = arith.constant 2 : i32
    %dma_wait3A_178 = arith.constant 0 : i32
    %dma_wait3A_179 = arith.constant 0 : i32
    %dma_wait3A_180 = tpu.memref_slice %arg13[%dma_wait3A_178, %dma_wait3A_179] : memref<128x128xf32, #tpu.memory_space<vmem>> -> memref<64x128xf32, #tpu.memory_space<vmem>>
    %dma_wait3A_181 = arith.constant 0 : i32
    %dma_wait3A_182 = tpu.memref_slice %arg9[%dma_wait3A_177, %dma_wait3A_181] : memref<12x128xi32, #tpu.memory_space<vmem>> -> memref<1x64xi32, #tpu.memory_space<vmem>>
    %dma_wait3A_183 = tpu.memref_squeeze %dma_wait3A_182 : memref<1x64xi32, #tpu.memory_space<vmem>> -> memref<64xi32, #tpu.memory_space<vmem>>
    %dma_wait3A_184 = arith.constant 0 : i32
    %dma_wait3A_185 = arith.constant 0 : i32
    %dma_wait3A_186 = tpu.memref_slice %arg3[%dma_wait3A_184, %dma_wait3A_185] : memref<8000x128xf32, #tpu.memory_space<hbm>> -> memref<8000x128xf32, #tpu.memory_space<hbm>>
    tpu.wait_indirect_dma semaphore(%arg17 : memref<!tpu.dma_semaphore, #tpu.memory_space<semaphore_mem>>) src(%dma_wait3A_186 : memref<8000x128xf32, #tpu.memory_space<hbm>>) dst(%dma_wait3A_180 : memref<64x128xf32, #tpu.memory_space<vmem>>)
    %mul3A_187 = arith.constant 160 : i32
    %mul3A_188 = arith.muli %add3A, %mul3A_187 : i32
    %add3A_189 = arith.constant 5120 : i32
    %add3A_190 = arith.addi %add3A_189, %mul3A_188 : i32
    %add3A_191 = arith.constant 96 : i32
    %add3A_192 = arith.addi %add3A_190, %add3A_191 : i32
    %dma_start3A_193 = arith.constant 0 : i32
    %dma_start3A_194 = arith.constant 0 : i32
    %dma_start3A_195 = tpu.memref_slice %arg13[%dma_start3A_193, %dma_start3A_194] : memref<128x128xf32, #tpu.memory_space<vmem>> -> memref<64x128xf32, #tpu.memory_space<vmem>>
    %dma_start3A_196 = arith.constant 0 : i32
    %dma_start3A_197 = tpu.memref_slice %arg8[%add3A_192, %dma_start3A_196] : memref<49152x128xf32, #tpu.memory_space<hbm>> -> memref<64x128xf32, #tpu.memory_space<hbm>>
    %dma_start3A_198 = arith.constant 0 : i32
    %dma_start3A_199 = tpu.memref_slice %arg8[%add3A_192, %dma_start3A_198] : memref<49152x128xf32, #tpu.memory_space<hbm>> -> memref<64x128xf32, #tpu.memory_space<hbm>>
    %dma_start3A_200 = arith.constant 0 : i32
    %dma_start3A_201 = arith.constant 0 : i32
    %dma_start3A_202 = tpu.memref_slice %arg13[%dma_start3A_200, %dma_start3A_201] : memref<128x128xf32, #tpu.memory_space<vmem>> -> memref<64x128xf32, #tpu.memory_space<vmem>>
    tpu.enqueue_dma source(%dma_start3A_202 : memref<64x128xf32, #tpu.memory_space<vmem>>) target(%dma_start3A_199 : memref<64x128xf32, #tpu.memory_space<hbm>>) target_semaphore(%arg21 : memref<!tpu.dma_semaphore, #tpu.memory_space<semaphore_mem>>)
    %dma_wait3A_203 = arith.constant 0 : i32
    %dma_wait3A_204 = arith.constant 0 : i32
    %dma_wait3A_205 = tpu.memref_slice %arg13[%dma_wait3A_203, %dma_wait3A_204] : memref<128x128xf32, #tpu.memory_space<vmem>> -> memref<64x128xf32, #tpu.memory_space<vmem>>
    %dma_wait3A_206 = arith.constant 0 : i32
    %dma_wait3A_207 = tpu.memref_slice %arg8[%add3A_192, %dma_wait3A_206] : memref<49152x128xf32, #tpu.memory_space<hbm>> -> memref<64x128xf32, #tpu.memory_space<hbm>>
    %dma_wait3A_208 = arith.constant 0 : i32
    %dma_wait3A_209 = tpu.memref_slice %arg8[%add3A_192, %dma_wait3A_208] : memref<49152x128xf32, #tpu.memory_space<hbm>> -> memref<64x128xf32, #tpu.memory_space<hbm>>
    %dma_wait3A_210 = arith.constant 0 : i32
    %dma_wait3A_211 = arith.constant 0 : i32
    %dma_wait3A_212 = tpu.memref_slice %arg13[%dma_wait3A_210, %dma_wait3A_211] : memref<128x128xf32, #tpu.memory_space<vmem>> -> memref<64x128xf32, #tpu.memory_space<vmem>>
    tpu.wait_dma2 semaphore(%arg21 : memref<!tpu.dma_semaphore, #tpu.memory_space<semaphore_mem>>) src(%dma_wait3A_212 : memref<64x128xf32, #tpu.memory_space<vmem>>) dst(%dma_wait3A_209 : memref<64x128xf32, #tpu.memory_space<hbm>>)
    %dma_start3A_213 = arith.constant 5 : i32
    %dma_start3A_214 = arith.constant 0 : i32
    %dma_start3A_215 = arith.constant 0 : i32
    %dma_start3A_216 = tpu.memref_slice %arg13[%dma_start3A_214, %dma_start3A_215] : memref<128x128xf32, #tpu.memory_space<vmem>> -> memref<128x128xf32, #tpu.memory_space<vmem>>
    %dma_start3A_217 = arith.constant 0 : i32
    %dma_start3A_218 = tpu.memref_slice %arg9[%dma_start3A_213, %dma_start3A_217] : memref<12x128xi32, #tpu.memory_space<vmem>> -> memref<1x128xi32, #tpu.memory_space<vmem>>
    %dma_start3A_219 = tpu.memref_squeeze %dma_start3A_218 : memref<1x128xi32, #tpu.memory_space<vmem>> -> memref<128xi32, #tpu.memory_space<vmem>>
    %dma_start3A_220 = arith.constant 0 : i32
    %dma_start3A_221 = arith.constant 0 : i32
    %dma_start3A_222 = tpu.memref_slice %arg4[%dma_start3A_220, %dma_start3A_221] : memref<1000x128xf32, #tpu.memory_space<hbm>> -> memref<1000x128xf32, #tpu.memory_space<hbm>>
    tpu.enqueue_indirect_dma source(%dma_start3A_222 : memref<1000x128xf32, #tpu.memory_space<hbm>>) target(%dma_start3A_216 : memref<128x128xf32, #tpu.memory_space<vmem>>) offsets(%dma_start3A_219 : memref<128xi32, #tpu.memory_space<vmem>>) semaphore(%arg17 : memref<!tpu.dma_semaphore, #tpu.memory_space<semaphore_mem>>)
    %dma_wait3A_223 = arith.constant 2 : i32
    %dma_wait3A_224 = arith.constant 0 : i32
    %dma_wait3A_225 = arith.constant 0 : i32
    %dma_wait3A_226 = tpu.memref_slice %arg10[%dma_wait3A_224, %dma_wait3A_225] : memref<128x128xf32, #tpu.memory_space<vmem>> -> memref<64x128xf32, #tpu.memory_space<vmem>>
    %dma_wait3A_227 = arith.constant 64 : i32
    %dma_wait3A_228 = tpu.memref_slice %arg9[%dma_wait3A_223, %dma_wait3A_227] : memref<12x128xi32, #tpu.memory_space<vmem>> -> memref<1x64xi32, #tpu.memory_space<vmem>>
    %dma_wait3A_229 = tpu.memref_squeeze %dma_wait3A_228 : memref<1x64xi32, #tpu.memory_space<vmem>> -> memref<64xi32, #tpu.memory_space<vmem>>
    %dma_wait3A_230 = arith.constant 0 : i32
    %dma_wait3A_231 = arith.constant 0 : i32
    %dma_wait3A_232 = tpu.memref_slice %arg4[%dma_wait3A_230, %dma_wait3A_231] : memref<1000x128xf32, #tpu.memory_space<hbm>> -> memref<1000x128xf32, #tpu.memory_space<hbm>>
    tpu.wait_indirect_dma semaphore(%arg14 : memref<!tpu.dma_semaphore, #tpu.memory_space<semaphore_mem>>) src(%dma_wait3A_232 : memref<1000x128xf32, #tpu.memory_space<hbm>>) dst(%dma_wait3A_226 : memref<64x128xf32, #tpu.memory_space<vmem>>)
    %mul3A_233 = arith.constant 480 : i32
    %mul3A_234 = arith.muli %add3A, %mul3A_233 : i32
    %add3A_235 = arith.constant 10240 : i32
    %add3A_236 = arith.addi %add3A_235, %mul3A_234 : i32
    %add3A_237 = arith.constant 0 : i32
    %add3A_238 = arith.addi %add3A_236, %add3A_237 : i32
    %dma_start3A_239 = arith.constant 0 : i32
    %dma_start3A_240 = arith.constant 0 : i32
    %dma_start3A_241 = tpu.memref_slice %arg10[%dma_start3A_239, %dma_start3A_240] : memref<128x128xf32, #tpu.memory_space<vmem>> -> memref<64x128xf32, #tpu.memory_space<vmem>>
    %dma_start3A_242 = arith.constant 0 : i32
    %dma_start3A_243 = tpu.memref_slice %arg8[%add3A_238, %dma_start3A_242] : memref<49152x128xf32, #tpu.memory_space<hbm>> -> memref<64x128xf32, #tpu.memory_space<hbm>>
    %dma_start3A_244 = arith.constant 0 : i32
    %dma_start3A_245 = tpu.memref_slice %arg8[%add3A_238, %dma_start3A_244] : memref<49152x128xf32, #tpu.memory_space<hbm>> -> memref<64x128xf32, #tpu.memory_space<hbm>>
    %dma_start3A_246 = arith.constant 0 : i32
    %dma_start3A_247 = arith.constant 0 : i32
    %dma_start3A_248 = tpu.memref_slice %arg10[%dma_start3A_246, %dma_start3A_247] : memref<128x128xf32, #tpu.memory_space<vmem>> -> memref<64x128xf32, #tpu.memory_space<vmem>>
    tpu.enqueue_dma source(%dma_start3A_248 : memref<64x128xf32, #tpu.memory_space<vmem>>) target(%dma_start3A_245 : memref<64x128xf32, #tpu.memory_space<hbm>>) target_semaphore(%arg18 : memref<!tpu.dma_semaphore, #tpu.memory_space<semaphore_mem>>)
    %dma_wait3A_249 = arith.constant 0 : i32
    %dma_wait3A_250 = arith.constant 0 : i32
    %dma_wait3A_251 = tpu.memref_slice %arg10[%dma_wait3A_249, %dma_wait3A_250] : memref<128x128xf32, #tpu.memory_space<vmem>> -> memref<64x128xf32, #tpu.memory_space<vmem>>
    %dma_wait3A_252 = arith.constant 0 : i32
    %dma_wait3A_253 = tpu.memref_slice %arg8[%add3A_238, %dma_wait3A_252] : memref<49152x128xf32, #tpu.memory_space<hbm>> -> memref<64x128xf32, #tpu.memory_space<hbm>>
    %dma_wait3A_254 = arith.constant 0 : i32
    %dma_wait3A_255 = tpu.memref_slice %arg8[%add3A_238, %dma_wait3A_254] : memref<49152x128xf32, #tpu.memory_space<hbm>> -> memref<64x128xf32, #tpu.memory_space<hbm>>
    %dma_wait3A_256 = arith.constant 0 : i32
    %dma_wait3A_257 = arith.constant 0 : i32
    %dma_wait3A_258 = tpu.memref_slice %arg10[%dma_wait3A_256, %dma_wait3A_257] : memref<128x128xf32, #tpu.memory_space<vmem>> -> memref<64x128xf32, #tpu.memory_space<vmem>>
    tpu.wait_dma2 semaphore(%arg18 : memref<!tpu.dma_semaphore, #tpu.memory_space<semaphore_mem>>) src(%dma_wait3A_258 : memref<64x128xf32, #tpu.memory_space<vmem>>) dst(%dma_wait3A_255 : memref<64x128xf32, #tpu.memory_space<hbm>>)
    %dma_start3A_259 = arith.constant 6 : i32
    %dma_start3A_260 = arith.constant 0 : i32
    %dma_start3A_261 = arith.constant 0 : i32
    %dma_start3A_262 = tpu.memref_slice %arg10[%dma_start3A_260, %dma_start3A_261] : memref<128x128xf32, #tpu.memory_space<vmem>> -> memref<32x128xf32, #tpu.memory_space<vmem>>
    %dma_start3A_263 = arith.constant 0 : i32
    %dma_start3A_264 = tpu.memref_slice %arg9[%dma_start3A_259, %dma_start3A_263] : memref<12x128xi32, #tpu.memory_space<vmem>> -> memref<1x32xi32, #tpu.memory_space<vmem>>
    %dma_start3A_265 = tpu.memref_squeeze %dma_start3A_264 : memref<1x32xi32, #tpu.memory_space<vmem>> -> memref<32xi32, #tpu.memory_space<vmem>>
    %dma_start3A_266 = arith.constant 0 : i32
    %dma_start3A_267 = arith.constant 0 : i32
    %dma_start3A_268 = tpu.memref_slice %arg4[%dma_start3A_266, %dma_start3A_267] : memref<1000x128xf32, #tpu.memory_space<hbm>> -> memref<1000x128xf32, #tpu.memory_space<hbm>>
    tpu.enqueue_indirect_dma source(%dma_start3A_268 : memref<1000x128xf32, #tpu.memory_space<hbm>>) target(%dma_start3A_262 : memref<32x128xf32, #tpu.memory_space<vmem>>) offsets(%dma_start3A_265 : memref<32xi32, #tpu.memory_space<vmem>>) semaphore(%arg14 : memref<!tpu.dma_semaphore, #tpu.memory_space<semaphore_mem>>)
    %dma_wait3A_269 = arith.constant 3 : i32
    %dma_wait3A_270 = arith.constant 0 : i32
    %dma_wait3A_271 = arith.constant 0 : i32
    %dma_wait3A_272 = tpu.memref_slice %arg11[%dma_wait3A_270, %dma_wait3A_271] : memref<128x128xf32, #tpu.memory_space<vmem>> -> memref<128x128xf32, #tpu.memory_space<vmem>>
    %dma_wait3A_273 = arith.constant 0 : i32
    %dma_wait3A_274 = tpu.memref_slice %arg9[%dma_wait3A_269, %dma_wait3A_273] : memref<12x128xi32, #tpu.memory_space<vmem>> -> memref<1x128xi32, #tpu.memory_space<vmem>>
    %dma_wait3A_275 = tpu.memref_squeeze %dma_wait3A_274 : memref<1x128xi32, #tpu.memory_space<vmem>> -> memref<128xi32, #tpu.memory_space<vmem>>
    %dma_wait3A_276 = arith.constant 0 : i32
    %dma_wait3A_277 = arith.constant 0 : i32
    %dma_wait3A_278 = tpu.memref_slice %arg4[%dma_wait3A_276, %dma_wait3A_277] : memref<1000x128xf32, #tpu.memory_space<hbm>> -> memref<1000x128xf32, #tpu.memory_space<hbm>>
    tpu.wait_indirect_dma semaphore(%arg15 : memref<!tpu.dma_semaphore, #tpu.memory_space<semaphore_mem>>) src(%dma_wait3A_278 : memref<1000x128xf32, #tpu.memory_space<hbm>>) dst(%dma_wait3A_272 : memref<128x128xf32, #tpu.memory_space<vmem>>)
    %mul3A_279 = arith.constant 480 : i32
    %mul3A_280 = arith.muli %add3A, %mul3A_279 : i32
    %add3A_281 = arith.constant 10240 : i32
    %add3A_282 = arith.addi %add3A_281, %mul3A_280 : i32
    %add3A_283 = arith.constant 64 : i32
    %add3A_284 = arith.addi %add3A_282, %add3A_283 : i32
    %dma_start3A_285 = arith.constant 0 : i32
    %dma_start3A_286 = arith.constant 0 : i32
    %dma_start3A_287 = tpu.memref_slice %arg11[%dma_start3A_285, %dma_start3A_286] : memref<128x128xf32, #tpu.memory_space<vmem>> -> memref<128x128xf32, #tpu.memory_space<vmem>>
    %dma_start3A_288 = arith.constant 0 : i32
    %dma_start3A_289 = tpu.memref_slice %arg8[%add3A_284, %dma_start3A_288] : memref<49152x128xf32, #tpu.memory_space<hbm>> -> memref<128x128xf32, #tpu.memory_space<hbm>>
    %dma_start3A_290 = arith.constant 0 : i32
    %dma_start3A_291 = tpu.memref_slice %arg8[%add3A_284, %dma_start3A_290] : memref<49152x128xf32, #tpu.memory_space<hbm>> -> memref<128x128xf32, #tpu.memory_space<hbm>>
    %dma_start3A_292 = arith.constant 0 : i32
    %dma_start3A_293 = arith.constant 0 : i32
    %dma_start3A_294 = tpu.memref_slice %arg11[%dma_start3A_292, %dma_start3A_293] : memref<128x128xf32, #tpu.memory_space<vmem>> -> memref<128x128xf32, #tpu.memory_space<vmem>>
    tpu.enqueue_dma source(%dma_start3A_294 : memref<128x128xf32, #tpu.memory_space<vmem>>) target(%dma_start3A_291 : memref<128x128xf32, #tpu.memory_space<hbm>>) target_semaphore(%arg19 : memref<!tpu.dma_semaphore, #tpu.memory_space<semaphore_mem>>)
    %dma_wait3A_295 = arith.constant 0 : i32
    %dma_wait3A_296 = arith.constant 0 : i32
    %dma_wait3A_297 = tpu.memref_slice %arg11[%dma_wait3A_295, %dma_wait3A_296] : memref<128x128xf32, #tpu.memory_space<vmem>> -> memref<128x128xf32, #tpu.memory_space<vmem>>
    %dma_wait3A_298 = arith.constant 0 : i32
    %dma_wait3A_299 = tpu.memref_slice %arg8[%add3A_284, %dma_wait3A_298] : memref<49152x128xf32, #tpu.memory_space<hbm>> -> memref<128x128xf32, #tpu.memory_space<hbm>>
    %dma_wait3A_300 = arith.constant 0 : i32
    %dma_wait3A_301 = tpu.memref_slice %arg8[%add3A_284, %dma_wait3A_300] : memref<49152x128xf32, #tpu.memory_space<hbm>> -> memref<128x128xf32, #tpu.memory_space<hbm>>
    %dma_wait3A_302 = arith.constant 0 : i32
    %dma_wait3A_303 = arith.constant 0 : i32
    %dma_wait3A_304 = tpu.memref_slice %arg11[%dma_wait3A_302, %dma_wait3A_303] : memref<128x128xf32, #tpu.memory_space<vmem>> -> memref<128x128xf32, #tpu.memory_space<vmem>>
    tpu.wait_dma2 semaphore(%arg19 : memref<!tpu.dma_semaphore, #tpu.memory_space<semaphore_mem>>) src(%dma_wait3A_304 : memref<128x128xf32, #tpu.memory_space<vmem>>) dst(%dma_wait3A_301 : memref<128x128xf32, #tpu.memory_space<hbm>>)
    %dma_start3A_305 = arith.constant 6 : i32
    %dma_start3A_306 = arith.constant 0 : i32
    %dma_start3A_307 = arith.constant 0 : i32
    %dma_start3A_308 = tpu.memref_slice %arg11[%dma_start3A_306, %dma_start3A_307] : memref<128x128xf32, #tpu.memory_space<vmem>> -> memref<96x128xf32, #tpu.memory_space<vmem>>
    %dma_start3A_309 = arith.constant 32 : i32
    %dma_start3A_310 = tpu.memref_slice %arg9[%dma_start3A_305, %dma_start3A_309] : memref<12x128xi32, #tpu.memory_space<vmem>> -> memref<1x96xi32, #tpu.memory_space<vmem>>
    %dma_start3A_311 = tpu.memref_squeeze %dma_start3A_310 : memref<1x96xi32, #tpu.memory_space<vmem>> -> memref<96xi32, #tpu.memory_space<vmem>>
    %dma_start3A_312 = arith.constant 0 : i32
    %dma_start3A_313 = arith.constant 0 : i32
    %dma_start3A_314 = tpu.memref_slice %arg5[%dma_start3A_312, %dma_start3A_313] : memref<800x128xf32, #tpu.memory_space<hbm>> -> memref<800x128xf32, #tpu.memory_space<hbm>>
    tpu.enqueue_indirect_dma source(%dma_start3A_314 : memref<800x128xf32, #tpu.memory_space<hbm>>) target(%dma_start3A_308 : memref<96x128xf32, #tpu.memory_space<vmem>>) offsets(%dma_start3A_311 : memref<96xi32, #tpu.memory_space<vmem>>) semaphore(%arg15 : memref<!tpu.dma_semaphore, #tpu.memory_space<semaphore_mem>>)
    %dma_wait3A_315 = arith.constant 4 : i32
    %dma_wait3A_316 = arith.constant 0 : i32
    %dma_wait3A_317 = arith.constant 0 : i32
    %dma_wait3A_318 = tpu.memref_slice %arg12[%dma_wait3A_316, %dma_wait3A_317] : memref<128x128xf32, #tpu.memory_space<vmem>> -> memref<128x128xf32, #tpu.memory_space<vmem>>
    %dma_wait3A_319 = arith.constant 0 : i32
    %dma_wait3A_320 = tpu.memref_slice %arg9[%dma_wait3A_315, %dma_wait3A_319] : memref<12x128xi32, #tpu.memory_space<vmem>> -> memref<1x128xi32, #tpu.memory_space<vmem>>
    %dma_wait3A_321 = tpu.memref_squeeze %dma_wait3A_320 : memref<1x128xi32, #tpu.memory_space<vmem>> -> memref<128xi32, #tpu.memory_space<vmem>>
    %dma_wait3A_322 = arith.constant 0 : i32
    %dma_wait3A_323 = arith.constant 0 : i32
    %dma_wait3A_324 = tpu.memref_slice %arg4[%dma_wait3A_322, %dma_wait3A_323] : memref<1000x128xf32, #tpu.memory_space<hbm>> -> memref<1000x128xf32, #tpu.memory_space<hbm>>
    tpu.wait_indirect_dma semaphore(%arg16 : memref<!tpu.dma_semaphore, #tpu.memory_space<semaphore_mem>>) src(%dma_wait3A_324 : memref<1000x128xf32, #tpu.memory_space<hbm>>) dst(%dma_wait3A_318 : memref<128x128xf32, #tpu.memory_space<vmem>>)
    %mul3A_325 = arith.constant 480 : i32
    %mul3A_326 = arith.muli %add3A, %mul3A_325 : i32
    %add3A_327 = arith.constant 10240 : i32
    %add3A_328 = arith.addi %add3A_327, %mul3A_326 : i32
    %add3A_329 = arith.constant 192 : i32
    %add3A_330 = arith.addi %add3A_328, %add3A_329 : i32
    %dma_start3A_331 = arith.constant 0 : i32
    %dma_start3A_332 = arith.constant 0 : i32
    %dma_start3A_333 = tpu.memref_slice %arg12[%dma_start3A_331, %dma_start3A_332] : memref<128x128xf32, #tpu.memory_space<vmem>> -> memref<128x128xf32, #tpu.memory_space<vmem>>
    %dma_start3A_334 = arith.constant 0 : i32
    %dma_start3A_335 = tpu.memref_slice %arg8[%add3A_330, %dma_start3A_334] : memref<49152x128xf32, #tpu.memory_space<hbm>> -> memref<128x128xf32, #tpu.memory_space<hbm>>
    %dma_start3A_336 = arith.constant 0 : i32
    %dma_start3A_337 = tpu.memref_slice %arg8[%add3A_330, %dma_start3A_336] : memref<49152x128xf32, #tpu.memory_space<hbm>> -> memref<128x128xf32, #tpu.memory_space<hbm>>
    %dma_start3A_338 = arith.constant 0 : i32
    %dma_start3A_339 = arith.constant 0 : i32
    %dma_start3A_340 = tpu.memref_slice %arg12[%dma_start3A_338, %dma_start3A_339] : memref<128x128xf32, #tpu.memory_space<vmem>> -> memref<128x128xf32, #tpu.memory_space<vmem>>
    tpu.enqueue_dma source(%dma_start3A_340 : memref<128x128xf32, #tpu.memory_space<vmem>>) target(%dma_start3A_337 : memref<128x128xf32, #tpu.memory_space<hbm>>) target_semaphore(%arg20 : memref<!tpu.dma_semaphore, #tpu.memory_space<semaphore_mem>>)
    %dma_wait3A_341 = arith.constant 0 : i32
    %dma_wait3A_342 = arith.constant 0 : i32
    %dma_wait3A_343 = tpu.memref_slice %arg12[%dma_wait3A_341, %dma_wait3A_342] : memref<128x128xf32, #tpu.memory_space<vmem>> -> memref<128x128xf32, #tpu.memory_space<vmem>>
    %dma_wait3A_344 = arith.constant 0 : i32
    %dma_wait3A_345 = tpu.memref_slice %arg8[%add3A_330, %dma_wait3A_344] : memref<49152x128xf32, #tpu.memory_space<hbm>> -> memref<128x128xf32, #tpu.memory_space<hbm>>
    %dma_wait3A_346 = arith.constant 0 : i32
    %dma_wait3A_347 = tpu.memref_slice %arg8[%add3A_330, %dma_wait3A_346] : memref<49152x128xf32, #tpu.memory_space<hbm>> -> memref<128x128xf32, #tpu.memory_space<hbm>>
    %dma_wait3A_348 = arith.constant 0 : i32
    %dma_wait3A_349 = arith.constant 0 : i32
    %dma_wait3A_350 = tpu.memref_slice %arg12[%dma_wait3A_348, %dma_wait3A_349] : memref<128x128xf32, #tpu.memory_space<vmem>> -> memref<128x128xf32, #tpu.memory_space<vmem>>
    tpu.wait_dma2 semaphore(%arg20 : memref<!tpu.dma_semaphore, #tpu.memory_space<semaphore_mem>>) src(%dma_wait3A_350 : memref<128x128xf32, #tpu.memory_space<vmem>>) dst(%dma_wait3A_347 : memref<128x128xf32, #tpu.memory_space<hbm>>)
    %dma_start3A_351 = arith.constant 7 : i32
    %dma_start3A_352 = arith.constant 0 : i32
    %dma_start3A_353 = arith.constant 0 : i32
    %dma_start3A_354 = tpu.memref_slice %arg12[%dma_start3A_352, %dma_start3A_353] : memref<128x128xf32, #tpu.memory_space<vmem>> -> memref<128x128xf32, #tpu.memory_space<vmem>>
    %dma_start3A_355 = arith.constant 0 : i32
    %dma_start3A_356 = tpu.memref_slice %arg9[%dma_start3A_351, %dma_start3A_355] : memref<12x128xi32, #tpu.memory_space<vmem>> -> memref<1x128xi32, #tpu.memory_space<vmem>>
    %dma_start3A_357 = tpu.memref_squeeze %dma_start3A_356 : memref<1x128xi32, #tpu.memory_space<vmem>> -> memref<128xi32, #tpu.memory_space<vmem>>
    %dma_start3A_358 = arith.constant 0 : i32
    %dma_start3A_359 = arith.constant 0 : i32
    %dma_start3A_360 = tpu.memref_slice %arg5[%dma_start3A_358, %dma_start3A_359] : memref<800x128xf32, #tpu.memory_space<hbm>> -> memref<800x128xf32, #tpu.memory_space<hbm>>
    tpu.enqueue_indirect_dma source(%dma_start3A_360 : memref<800x128xf32, #tpu.memory_space<hbm>>) target(%dma_start3A_354 : memref<128x128xf32, #tpu.memory_space<vmem>>) offsets(%dma_start3A_357 : memref<128xi32, #tpu.memory_space<vmem>>) semaphore(%arg16 : memref<!tpu.dma_semaphore, #tpu.memory_space<semaphore_mem>>)
    %dma_wait3A_361 = arith.constant 5 : i32
    %dma_wait3A_362 = arith.constant 0 : i32
    %dma_wait3A_363 = arith.constant 0 : i32
    %dma_wait3A_364 = tpu.memref_slice %arg13[%dma_wait3A_362, %dma_wait3A_363] : memref<128x128xf32, #tpu.memory_space<vmem>> -> memref<128x128xf32, #tpu.memory_space<vmem>>
    %dma_wait3A_365 = arith.constant 0 : i32
    %dma_wait3A_366 = tpu.memref_slice %arg9[%dma_wait3A_361, %dma_wait3A_365] : memref<12x128xi32, #tpu.memory_space<vmem>> -> memref<1x128xi32, #tpu.memory_space<vmem>>
    %dma_wait3A_367 = tpu.memref_squeeze %dma_wait3A_366 : memref<1x128xi32, #tpu.memory_space<vmem>> -> memref<128xi32, #tpu.memory_space<vmem>>
    %dma_wait3A_368 = arith.constant 0 : i32
    %dma_wait3A_369 = arith.constant 0 : i32
    %dma_wait3A_370 = tpu.memref_slice %arg4[%dma_wait3A_368, %dma_wait3A_369] : memref<1000x128xf32, #tpu.memory_space<hbm>> -> memref<1000x128xf32, #tpu.memory_space<hbm>>
    tpu.wait_indirect_dma semaphore(%arg17 : memref<!tpu.dma_semaphore, #tpu.memory_space<semaphore_mem>>) src(%dma_wait3A_370 : memref<1000x128xf32, #tpu.memory_space<hbm>>) dst(%dma_wait3A_364 : memref<128x128xf32, #tpu.memory_space<vmem>>)
    %mul3A_371 = arith.constant 480 : i32
    %mul3A_372 = arith.muli %add3A, %mul3A_371 : i32
    %add3A_373 = arith.constant 10240 : i32
    %add3A_374 = arith.addi %add3A_373, %mul3A_372 : i32
    %add3A_375 = arith.constant 320 : i32
    %add3A_376 = arith.addi %add3A_374, %add3A_375 : i32
    %dma_start3A_377 = arith.constant 0 : i32
    %dma_start3A_378 = arith.constant 0 : i32
    %dma_start3A_379 = tpu.memref_slice %arg13[%dma_start3A_377, %dma_start3A_378] : memref<128x128xf32, #tpu.memory_space<vmem>> -> memref<128x128xf32, #tpu.memory_space<vmem>>
    %dma_start3A_380 = arith.constant 0 : i32
    %dma_start3A_381 = tpu.memref_slice %arg8[%add3A_376, %dma_start3A_380] : memref<49152x128xf32, #tpu.memory_space<hbm>> -> memref<128x128xf32, #tpu.memory_space<hbm>>
    %dma_start3A_382 = arith.constant 0 : i32
    %dma_start3A_383 = tpu.memref_slice %arg8[%add3A_376, %dma_start3A_382] : memref<49152x128xf32, #tpu.memory_space<hbm>> -> memref<128x128xf32, #tpu.memory_space<hbm>>
    %dma_start3A_384 = arith.constant 0 : i32
    %dma_start3A_385 = arith.constant 0 : i32
    %dma_start3A_386 = tpu.memref_slice %arg13[%dma_start3A_384, %dma_start3A_385] : memref<128x128xf32, #tpu.memory_space<vmem>> -> memref<128x128xf32, #tpu.memory_space<vmem>>
    tpu.enqueue_dma source(%dma_start3A_386 : memref<128x128xf32, #tpu.memory_space<vmem>>) target(%dma_start3A_383 : memref<128x128xf32, #tpu.memory_space<hbm>>) target_semaphore(%arg21 : memref<!tpu.dma_semaphore, #tpu.memory_space<semaphore_mem>>)
    %dma_wait3A_387 = arith.constant 0 : i32
    %dma_wait3A_388 = arith.constant 0 : i32
    %dma_wait3A_389 = tpu.memref_slice %arg13[%dma_wait3A_387, %dma_wait3A_388] : memref<128x128xf32, #tpu.memory_space<vmem>> -> memref<128x128xf32, #tpu.memory_space<vmem>>
    %dma_wait3A_390 = arith.constant 0 : i32
    %dma_wait3A_391 = tpu.memref_slice %arg8[%add3A_376, %dma_wait3A_390] : memref<49152x128xf32, #tpu.memory_space<hbm>> -> memref<128x128xf32, #tpu.memory_space<hbm>>
    %dma_wait3A_392 = arith.constant 0 : i32
    %dma_wait3A_393 = tpu.memref_slice %arg8[%add3A_376, %dma_wait3A_392] : memref<49152x128xf32, #tpu.memory_space<hbm>> -> memref<128x128xf32, #tpu.memory_space<hbm>>
    %dma_wait3A_394 = arith.constant 0 : i32
    %dma_wait3A_395 = arith.constant 0 : i32
    %dma_wait3A_396 = tpu.memref_slice %arg13[%dma_wait3A_394, %dma_wait3A_395] : memref<128x128xf32, #tpu.memory_space<vmem>> -> memref<128x128xf32, #tpu.memory_space<vmem>>
    tpu.wait_dma2 semaphore(%arg21 : memref<!tpu.dma_semaphore, #tpu.memory_space<semaphore_mem>>) src(%dma_wait3A_396 : memref<128x128xf32, #tpu.memory_space<vmem>>) dst(%dma_wait3A_393 : memref<128x128xf32, #tpu.memory_space<hbm>>)
    %dma_start3A_397 = arith.constant 8 : i32
    %dma_start3A_398 = arith.constant 0 : i32
    %dma_start3A_399 = arith.constant 0 : i32
    %dma_start3A_400 = tpu.memref_slice %arg13[%dma_start3A_398, %dma_start3A_399] : memref<128x128xf32, #tpu.memory_space<vmem>> -> memref<128x128xf32, #tpu.memory_space<vmem>>
    %dma_start3A_401 = arith.constant 0 : i32
    %dma_start3A_402 = tpu.memref_slice %arg9[%dma_start3A_397, %dma_start3A_401] : memref<12x128xi32, #tpu.memory_space<vmem>> -> memref<1x128xi32, #tpu.memory_space<vmem>>
    %dma_start3A_403 = tpu.memref_squeeze %dma_start3A_402 : memref<1x128xi32, #tpu.memory_space<vmem>> -> memref<128xi32, #tpu.memory_space<vmem>>
    %dma_start3A_404 = arith.constant 0 : i32
    %dma_start3A_405 = arith.constant 0 : i32
    %dma_start3A_406 = tpu.memref_slice %arg5[%dma_start3A_404, %dma_start3A_405] : memref<800x128xf32, #tpu.memory_space<hbm>> -> memref<800x128xf32, #tpu.memory_space<hbm>>
    tpu.enqueue_indirect_dma source(%dma_start3A_406 : memref<800x128xf32, #tpu.memory_space<hbm>>) target(%dma_start3A_400 : memref<128x128xf32, #tpu.memory_space<vmem>>) offsets(%dma_start3A_403 : memref<128xi32, #tpu.memory_space<vmem>>) semaphore(%arg17 : memref<!tpu.dma_semaphore, #tpu.memory_space<semaphore_mem>>)
    %dma_wait3A_407 = arith.constant 6 : i32
    %dma_wait3A_408 = arith.constant 0 : i32
    %dma_wait3A_409 = arith.constant 0 : i32
    %dma_wait3A_410 = tpu.memref_slice %arg10[%dma_wait3A_408, %dma_wait3A_409] : memref<128x128xf32, #tpu.memory_space<vmem>> -> memref<32x128xf32, #tpu.memory_space<vmem>>
    %dma_wait3A_411 = arith.constant 0 : i32
    %dma_wait3A_412 = tpu.memref_slice %arg9[%dma_wait3A_407, %dma_wait3A_411] : memref<12x128xi32, #tpu.memory_space<vmem>> -> memref<1x32xi32, #tpu.memory_space<vmem>>
    %dma_wait3A_413 = tpu.memref_squeeze %dma_wait3A_412 : memref<1x32xi32, #tpu.memory_space<vmem>> -> memref<32xi32, #tpu.memory_space<vmem>>
    %dma_wait3A_414 = arith.constant 0 : i32
    %dma_wait3A_415 = arith.constant 0 : i32
    %dma_wait3A_416 = tpu.memref_slice %arg4[%dma_wait3A_414, %dma_wait3A_415] : memref<1000x128xf32, #tpu.memory_space<hbm>> -> memref<1000x128xf32, #tpu.memory_space<hbm>>
    tpu.wait_indirect_dma semaphore(%arg14 : memref<!tpu.dma_semaphore, #tpu.memory_space<semaphore_mem>>) src(%dma_wait3A_416 : memref<1000x128xf32, #tpu.memory_space<hbm>>) dst(%dma_wait3A_410 : memref<32x128xf32, #tpu.memory_space<vmem>>)
    %mul3A_417 = arith.constant 480 : i32
    %mul3A_418 = arith.muli %add3A, %mul3A_417 : i32
    %add3A_419 = arith.constant 10240 : i32
    %add3A_420 = arith.addi %add3A_419, %mul3A_418 : i32
    %add3A_421 = arith.constant 448 : i32
    %add3A_422 = arith.addi %add3A_420, %add3A_421 : i32
    %dma_start3A_423 = arith.constant 0 : i32
    %dma_start3A_424 = arith.constant 0 : i32
    %dma_start3A_425 = tpu.memref_slice %arg10[%dma_start3A_423, %dma_start3A_424] : memref<128x128xf32, #tpu.memory_space<vmem>> -> memref<32x128xf32, #tpu.memory_space<vmem>>
    %dma_start3A_426 = arith.constant 0 : i32
    %dma_start3A_427 = tpu.memref_slice %arg8[%add3A_422, %dma_start3A_426] : memref<49152x128xf32, #tpu.memory_space<hbm>> -> memref<32x128xf32, #tpu.memory_space<hbm>>
    %dma_start3A_428 = arith.constant 0 : i32
    %dma_start3A_429 = tpu.memref_slice %arg8[%add3A_422, %dma_start3A_428] : memref<49152x128xf32, #tpu.memory_space<hbm>> -> memref<32x128xf32, #tpu.memory_space<hbm>>
    %dma_start3A_430 = arith.constant 0 : i32
    %dma_start3A_431 = arith.constant 0 : i32
    %dma_start3A_432 = tpu.memref_slice %arg10[%dma_start3A_430, %dma_start3A_431] : memref<128x128xf32, #tpu.memory_space<vmem>> -> memref<32x128xf32, #tpu.memory_space<vmem>>
    tpu.enqueue_dma source(%dma_start3A_432 : memref<32x128xf32, #tpu.memory_space<vmem>>) target(%dma_start3A_429 : memref<32x128xf32, #tpu.memory_space<hbm>>) target_semaphore(%arg18 : memref<!tpu.dma_semaphore, #tpu.memory_space<semaphore_mem>>)
    %dma_wait3A_433 = arith.constant 0 : i32
    %dma_wait3A_434 = arith.constant 0 : i32
    %dma_wait3A_435 = tpu.memref_slice %arg10[%dma_wait3A_433, %dma_wait3A_434] : memref<128x128xf32, #tpu.memory_space<vmem>> -> memref<32x128xf32, #tpu.memory_space<vmem>>
    %dma_wait3A_436 = arith.constant 0 : i32
    %dma_wait3A_437 = tpu.memref_slice %arg8[%add3A_422, %dma_wait3A_436] : memref<49152x128xf32, #tpu.memory_space<hbm>> -> memref<32x128xf32, #tpu.memory_space<hbm>>
    %dma_wait3A_438 = arith.constant 0 : i32
    %dma_wait3A_439 = tpu.memref_slice %arg8[%add3A_422, %dma_wait3A_438] : memref<49152x128xf32, #tpu.memory_space<hbm>> -> memref<32x128xf32, #tpu.memory_space<hbm>>
    %dma_wait3A_440 = arith.constant 0 : i32
    %dma_wait3A_441 = arith.constant 0 : i32
    %dma_wait3A_442 = tpu.memref_slice %arg10[%dma_wait3A_440, %dma_wait3A_441] : memref<128x128xf32, #tpu.memory_space<vmem>> -> memref<32x128xf32, #tpu.memory_space<vmem>>
    tpu.wait_dma2 semaphore(%arg18 : memref<!tpu.dma_semaphore, #tpu.memory_space<semaphore_mem>>) src(%dma_wait3A_442 : memref<32x128xf32, #tpu.memory_space<vmem>>) dst(%dma_wait3A_439 : memref<32x128xf32, #tpu.memory_space<hbm>>)
    %dma_start3A_443 = arith.constant 9 : i32
    %dma_start3A_444 = arith.constant 0 : i32
    %dma_start3A_445 = arith.constant 0 : i32
    %dma_start3A_446 = tpu.memref_slice %arg10[%dma_start3A_444, %dma_start3A_445] : memref<128x128xf32, #tpu.memory_space<vmem>> -> memref<128x128xf32, #tpu.memory_space<vmem>>
    %dma_start3A_447 = arith.constant 0 : i32
    %dma_start3A_448 = tpu.memref_slice %arg9[%dma_start3A_443, %dma_start3A_447] : memref<12x128xi32, #tpu.memory_space<vmem>> -> memref<1x128xi32, #tpu.memory_space<vmem>>
    %dma_start3A_449 = tpu.memref_squeeze %dma_start3A_448 : memref<1x128xi32, #tpu.memory_space<vmem>> -> memref<128xi32, #tpu.memory_space<vmem>>
    %dma_start3A_450 = arith.constant 0 : i32
    %dma_start3A_451 = arith.constant 0 : i32
    %dma_start3A_452 = tpu.memref_slice %arg5[%dma_start3A_450, %dma_start3A_451] : memref<800x128xf32, #tpu.memory_space<hbm>> -> memref<800x128xf32, #tpu.memory_space<hbm>>
    tpu.enqueue_indirect_dma source(%dma_start3A_452 : memref<800x128xf32, #tpu.memory_space<hbm>>) target(%dma_start3A_446 : memref<128x128xf32, #tpu.memory_space<vmem>>) offsets(%dma_start3A_449 : memref<128xi32, #tpu.memory_space<vmem>>) semaphore(%arg14 : memref<!tpu.dma_semaphore, #tpu.memory_space<semaphore_mem>>)
    %dma_wait3A_453 = arith.constant 6 : i32
    %dma_wait3A_454 = arith.constant 0 : i32
    %dma_wait3A_455 = arith.constant 0 : i32
    %dma_wait3A_456 = tpu.memref_slice %arg11[%dma_wait3A_454, %dma_wait3A_455] : memref<128x128xf32, #tpu.memory_space<vmem>> -> memref<96x128xf32, #tpu.memory_space<vmem>>
    %dma_wait3A_457 = arith.constant 32 : i32
    %dma_wait3A_458 = tpu.memref_slice %arg9[%dma_wait3A_453, %dma_wait3A_457] : memref<12x128xi32, #tpu.memory_space<vmem>> -> memref<1x96xi32, #tpu.memory_space<vmem>>
    %dma_wait3A_459 = tpu.memref_squeeze %dma_wait3A_458 : memref<1x96xi32, #tpu.memory_space<vmem>> -> memref<96xi32, #tpu.memory_space<vmem>>
    %dma_wait3A_460 = arith.constant 0 : i32
    %dma_wait3A_461 = arith.constant 0 : i32
    %dma_wait3A_462 = tpu.memref_slice %arg5[%dma_wait3A_460, %dma_wait3A_461] : memref<800x128xf32, #tpu.memory_space<hbm>> -> memref<800x128xf32, #tpu.memory_space<hbm>>
    tpu.wait_indirect_dma semaphore(%arg15 : memref<!tpu.dma_semaphore, #tpu.memory_space<semaphore_mem>>) src(%dma_wait3A_462 : memref<800x128xf32, #tpu.memory_space<hbm>>) dst(%dma_wait3A_456 : memref<96x128xf32, #tpu.memory_space<vmem>>)
    %mul3A_463 = arith.constant 480 : i32
    %mul3A_464 = arith.muli %add3A, %mul3A_463 : i32
    %add3A_465 = arith.constant 25600 : i32
    %add3A_466 = arith.addi %add3A_465, %mul3A_464 : i32
    %add3A_467 = arith.constant 0 : i32
    %add3A_468 = arith.addi %add3A_466, %add3A_467 : i32
    %dma_start3A_469 = arith.constant 0 : i32
    %dma_start3A_470 = arith.constant 0 : i32
    %dma_start3A_471 = tpu.memref_slice %arg11[%dma_start3A_469, %dma_start3A_470] : memref<128x128xf32, #tpu.memory_space<vmem>> -> memref<96x128xf32, #tpu.memory_space<vmem>>
    %dma_start3A_472 = arith.constant 0 : i32
    %dma_start3A_473 = tpu.memref_slice %arg8[%add3A_468, %dma_start3A_472] : memref<49152x128xf32, #tpu.memory_space<hbm>> -> memref<96x128xf32, #tpu.memory_space<hbm>>
    %dma_start3A_474 = arith.constant 0 : i32
    %dma_start3A_475 = tpu.memref_slice %arg8[%add3A_468, %dma_start3A_474] : memref<49152x128xf32, #tpu.memory_space<hbm>> -> memref<96x128xf32, #tpu.memory_space<hbm>>
    %dma_start3A_476 = arith.constant 0 : i32
    %dma_start3A_477 = arith.constant 0 : i32
    %dma_start3A_478 = tpu.memref_slice %arg11[%dma_start3A_476, %dma_start3A_477] : memref<128x128xf32, #tpu.memory_space<vmem>> -> memref<96x128xf32, #tpu.memory_space<vmem>>
    tpu.enqueue_dma source(%dma_start3A_478 : memref<96x128xf32, #tpu.memory_space<vmem>>) target(%dma_start3A_475 : memref<96x128xf32, #tpu.memory_space<hbm>>) target_semaphore(%arg19 : memref<!tpu.dma_semaphore, #tpu.memory_space<semaphore_mem>>)
    %dma_wait3A_479 = arith.constant 0 : i32
    %dma_wait3A_480 = arith.constant 0 : i32
    %dma_wait3A_481 = tpu.memref_slice %arg11[%dma_wait3A_479, %dma_wait3A_480] : memref<128x128xf32, #tpu.memory_space<vmem>> -> memref<96x128xf32, #tpu.memory_space<vmem>>
    %dma_wait3A_482 = arith.constant 0 : i32
    %dma_wait3A_483 = tpu.memref_slice %arg8[%add3A_468, %dma_wait3A_482] : memref<49152x128xf32, #tpu.memory_space<hbm>> -> memref<96x128xf32, #tpu.memory_space<hbm>>
    %dma_wait3A_484 = arith.constant 0 : i32
    %dma_wait3A_485 = tpu.memref_slice %arg8[%add3A_468, %dma_wait3A_484] : memref<49152x128xf32, #tpu.memory_space<hbm>> -> memref<96x128xf32, #tpu.memory_space<hbm>>
    %dma_wait3A_486 = arith.constant 0 : i32
    %dma_wait3A_487 = arith.constant 0 : i32
    %dma_wait3A_488 = tpu.memref_slice %arg11[%dma_wait3A_486, %dma_wait3A_487] : memref<128x128xf32, #tpu.memory_space<vmem>> -> memref<96x128xf32, #tpu.memory_space<vmem>>
    tpu.wait_dma2 semaphore(%arg19 : memref<!tpu.dma_semaphore, #tpu.memory_space<semaphore_mem>>) src(%dma_wait3A_488 : memref<96x128xf32, #tpu.memory_space<vmem>>) dst(%dma_wait3A_485 : memref<96x128xf32, #tpu.memory_space<hbm>>)
    %dma_start3A_489 = arith.constant 10 : i32
    %dma_start3A_490 = arith.constant 0 : i32
    %dma_start3A_491 = arith.constant 0 : i32
    %dma_start3A_492 = tpu.memref_slice %arg11[%dma_start3A_490, %dma_start3A_491] : memref<128x128xf32, #tpu.memory_space<vmem>> -> memref<128x128xf32, #tpu.memory_space<vmem>>
    %dma_start3A_493 = arith.constant 0 : i32
    %dma_start3A_494 = tpu.memref_slice %arg9[%dma_start3A_489, %dma_start3A_493] : memref<12x128xi32, #tpu.memory_space<vmem>> -> memref<1x128xi32, #tpu.memory_space<vmem>>
    %dma_start3A_495 = tpu.memref_squeeze %dma_start3A_494 : memref<1x128xi32, #tpu.memory_space<vmem>> -> memref<128xi32, #tpu.memory_space<vmem>>
    %dma_start3A_496 = arith.constant 0 : i32
    %dma_start3A_497 = arith.constant 0 : i32
    %dma_start3A_498 = tpu.memref_slice %arg6[%dma_start3A_496, %dma_start3A_497] : memref<600x128xf32, #tpu.memory_space<hbm>> -> memref<600x128xf32, #tpu.memory_space<hbm>>
    tpu.enqueue_indirect_dma source(%dma_start3A_498 : memref<600x128xf32, #tpu.memory_space<hbm>>) target(%dma_start3A_492 : memref<128x128xf32, #tpu.memory_space<vmem>>) offsets(%dma_start3A_495 : memref<128xi32, #tpu.memory_space<vmem>>) semaphore(%arg15 : memref<!tpu.dma_semaphore, #tpu.memory_space<semaphore_mem>>)
    %dma_wait3A_499 = arith.constant 7 : i32
    %dma_wait3A_500 = arith.constant 0 : i32
    %dma_wait3A_501 = arith.constant 0 : i32
    %dma_wait3A_502 = tpu.memref_slice %arg12[%dma_wait3A_500, %dma_wait3A_501] : memref<128x128xf32, #tpu.memory_space<vmem>> -> memref<128x128xf32, #tpu.memory_space<vmem>>
    %dma_wait3A_503 = arith.constant 0 : i32
    %dma_wait3A_504 = tpu.memref_slice %arg9[%dma_wait3A_499, %dma_wait3A_503] : memref<12x128xi32, #tpu.memory_space<vmem>> -> memref<1x128xi32, #tpu.memory_space<vmem>>
    %dma_wait3A_505 = tpu.memref_squeeze %dma_wait3A_504 : memref<1x128xi32, #tpu.memory_space<vmem>> -> memref<128xi32, #tpu.memory_space<vmem>>
    %dma_wait3A_506 = arith.constant 0 : i32
    %dma_wait3A_507 = arith.constant 0 : i32
    %dma_wait3A_508 = tpu.memref_slice %arg5[%dma_wait3A_506, %dma_wait3A_507] : memref<800x128xf32, #tpu.memory_space<hbm>> -> memref<800x128xf32, #tpu.memory_space<hbm>>
    tpu.wait_indirect_dma semaphore(%arg16 : memref<!tpu.dma_semaphore, #tpu.memory_space<semaphore_mem>>) src(%dma_wait3A_508 : memref<800x128xf32, #tpu.memory_space<hbm>>) dst(%dma_wait3A_502 : memref<128x128xf32, #tpu.memory_space<vmem>>)
    %mul3A_509 = arith.constant 480 : i32
    %mul3A_510 = arith.muli %add3A, %mul3A_509 : i32
    %add3A_511 = arith.constant 25600 : i32
    %add3A_512 = arith.addi %add3A_511, %mul3A_510 : i32
    %add3A_513 = arith.constant 96 : i32
    %add3A_514 = arith.addi %add3A_512, %add3A_513 : i32
    %dma_start3A_515 = arith.constant 0 : i32
    %dma_start3A_516 = arith.constant 0 : i32
    %dma_start3A_517 = tpu.memref_slice %arg12[%dma_start3A_515, %dma_start3A_516] : memref<128x128xf32, #tpu.memory_space<vmem>> -> memref<128x128xf32, #tpu.memory_space<vmem>>
    %dma_start3A_518 = arith.constant 0 : i32
    %dma_start3A_519 = tpu.memref_slice %arg8[%add3A_514, %dma_start3A_518] : memref<49152x128xf32, #tpu.memory_space<hbm>> -> memref<128x128xf32, #tpu.memory_space<hbm>>
    %dma_start3A_520 = arith.constant 0 : i32
    %dma_start3A_521 = tpu.memref_slice %arg8[%add3A_514, %dma_start3A_520] : memref<49152x128xf32, #tpu.memory_space<hbm>> -> memref<128x128xf32, #tpu.memory_space<hbm>>
    %dma_start3A_522 = arith.constant 0 : i32
    %dma_start3A_523 = arith.constant 0 : i32
    %dma_start3A_524 = tpu.memref_slice %arg12[%dma_start3A_522, %dma_start3A_523] : memref<128x128xf32, #tpu.memory_space<vmem>> -> memref<128x128xf32, #tpu.memory_space<vmem>>
    tpu.enqueue_dma source(%dma_start3A_524 : memref<128x128xf32, #tpu.memory_space<vmem>>) target(%dma_start3A_521 : memref<128x128xf32, #tpu.memory_space<hbm>>) target_semaphore(%arg20 : memref<!tpu.dma_semaphore, #tpu.memory_space<semaphore_mem>>)
    %dma_wait3A_525 = arith.constant 0 : i32
    %dma_wait3A_526 = arith.constant 0 : i32
    %dma_wait3A_527 = tpu.memref_slice %arg12[%dma_wait3A_525, %dma_wait3A_526] : memref<128x128xf32, #tpu.memory_space<vmem>> -> memref<128x128xf32, #tpu.memory_space<vmem>>
    %dma_wait3A_528 = arith.constant 0 : i32
    %dma_wait3A_529 = tpu.memref_slice %arg8[%add3A_514, %dma_wait3A_528] : memref<49152x128xf32, #tpu.memory_space<hbm>> -> memref<128x128xf32, #tpu.memory_space<hbm>>
    %dma_wait3A_530 = arith.constant 0 : i32
    %dma_wait3A_531 = tpu.memref_slice %arg8[%add3A_514, %dma_wait3A_530] : memref<49152x128xf32, #tpu.memory_space<hbm>> -> memref<128x128xf32, #tpu.memory_space<hbm>>
    %dma_wait3A_532 = arith.constant 0 : i32
    %dma_wait3A_533 = arith.constant 0 : i32
    %dma_wait3A_534 = tpu.memref_slice %arg12[%dma_wait3A_532, %dma_wait3A_533] : memref<128x128xf32, #tpu.memory_space<vmem>> -> memref<128x128xf32, #tpu.memory_space<vmem>>
    tpu.wait_dma2 semaphore(%arg20 : memref<!tpu.dma_semaphore, #tpu.memory_space<semaphore_mem>>) src(%dma_wait3A_534 : memref<128x128xf32, #tpu.memory_space<vmem>>) dst(%dma_wait3A_531 : memref<128x128xf32, #tpu.memory_space<hbm>>)
    %dma_start3A_535 = arith.constant 11 : i32
    %dma_start3A_536 = arith.constant 0 : i32
    %dma_start3A_537 = arith.constant 0 : i32
    %dma_start3A_538 = tpu.memref_slice %arg12[%dma_start3A_536, %dma_start3A_537] : memref<128x128xf32, #tpu.memory_space<vmem>> -> memref<32x128xf32, #tpu.memory_space<vmem>>
    %dma_start3A_539 = arith.constant 0 : i32
    %dma_start3A_540 = tpu.memref_slice %arg9[%dma_start3A_535, %dma_start3A_539] : memref<12x128xi32, #tpu.memory_space<vmem>> -> memref<1x32xi32, #tpu.memory_space<vmem>>
    %dma_start3A_541 = tpu.memref_squeeze %dma_start3A_540 : memref<1x32xi32, #tpu.memory_space<vmem>> -> memref<32xi32, #tpu.memory_space<vmem>>
    %dma_start3A_542 = arith.constant 0 : i32
    %dma_start3A_543 = arith.constant 0 : i32
    %dma_start3A_544 = tpu.memref_slice %arg6[%dma_start3A_542, %dma_start3A_543] : memref<600x128xf32, #tpu.memory_space<hbm>> -> memref<600x128xf32, #tpu.memory_space<hbm>>
    tpu.enqueue_indirect_dma source(%dma_start3A_544 : memref<600x128xf32, #tpu.memory_space<hbm>>) target(%dma_start3A_538 : memref<32x128xf32, #tpu.memory_space<vmem>>) offsets(%dma_start3A_541 : memref<32xi32, #tpu.memory_space<vmem>>) semaphore(%arg16 : memref<!tpu.dma_semaphore, #tpu.memory_space<semaphore_mem>>)
    %dma_wait3A_545 = arith.constant 8 : i32
    %dma_wait3A_546 = arith.constant 0 : i32
    %dma_wait3A_547 = arith.constant 0 : i32
    %dma_wait3A_548 = tpu.memref_slice %arg13[%dma_wait3A_546, %dma_wait3A_547] : memref<128x128xf32, #tpu.memory_space<vmem>> -> memref<128x128xf32, #tpu.memory_space<vmem>>
    %dma_wait3A_549 = arith.constant 0 : i32
    %dma_wait3A_550 = tpu.memref_slice %arg9[%dma_wait3A_545, %dma_wait3A_549] : memref<12x128xi32, #tpu.memory_space<vmem>> -> memref<1x128xi32, #tpu.memory_space<vmem>>
    %dma_wait3A_551 = tpu.memref_squeeze %dma_wait3A_550 : memref<1x128xi32, #tpu.memory_space<vmem>> -> memref<128xi32, #tpu.memory_space<vmem>>
    %dma_wait3A_552 = arith.constant 0 : i32
    %dma_wait3A_553 = arith.constant 0 : i32
    %dma_wait3A_554 = tpu.memref_slice %arg5[%dma_wait3A_552, %dma_wait3A_553] : memref<800x128xf32, #tpu.memory_space<hbm>> -> memref<800x128xf32, #tpu.memory_space<hbm>>
    tpu.wait_indirect_dma semaphore(%arg17 : memref<!tpu.dma_semaphore, #tpu.memory_space<semaphore_mem>>) src(%dma_wait3A_554 : memref<800x128xf32, #tpu.memory_space<hbm>>) dst(%dma_wait3A_548 : memref<128x128xf32, #tpu.memory_space<vmem>>)
    %mul3A_555 = arith.constant 480 : i32
    %mul3A_556 = arith.muli %add3A, %mul3A_555 : i32
    %add3A_557 = arith.constant 25600 : i32
    %add3A_558 = arith.addi %add3A_557, %mul3A_556 : i32
    %add3A_559 = arith.constant 224 : i32
    %add3A_560 = arith.addi %add3A_558, %add3A_559 : i32
    %dma_start3A_561 = arith.constant 0 : i32
    %dma_start3A_562 = arith.constant 0 : i32
    %dma_start3A_563 = tpu.memref_slice %arg13[%dma_start3A_561, %dma_start3A_562] : memref<128x128xf32, #tpu.memory_space<vmem>> -> memref<128x128xf32, #tpu.memory_space<vmem>>
    %dma_start3A_564 = arith.constant 0 : i32
    %dma_start3A_565 = tpu.memref_slice %arg8[%add3A_560, %dma_start3A_564] : memref<49152x128xf32, #tpu.memory_space<hbm>> -> memref<128x128xf32, #tpu.memory_space<hbm>>
    %dma_start3A_566 = arith.constant 0 : i32
    %dma_start3A_567 = tpu.memref_slice %arg8[%add3A_560, %dma_start3A_566] : memref<49152x128xf32, #tpu.memory_space<hbm>> -> memref<128x128xf32, #tpu.memory_space<hbm>>
    %dma_start3A_568 = arith.constant 0 : i32
    %dma_start3A_569 = arith.constant 0 : i32
    %dma_start3A_570 = tpu.memref_slice %arg13[%dma_start3A_568, %dma_start3A_569] : memref<128x128xf32, #tpu.memory_space<vmem>> -> memref<128x128xf32, #tpu.memory_space<vmem>>
    tpu.enqueue_dma source(%dma_start3A_570 : memref<128x128xf32, #tpu.memory_space<vmem>>) target(%dma_start3A_567 : memref<128x128xf32, #tpu.memory_space<hbm>>) target_semaphore(%arg21 : memref<!tpu.dma_semaphore, #tpu.memory_space<semaphore_mem>>)
    %dma_wait3A_571 = arith.constant 0 : i32
    %dma_wait3A_572 = arith.constant 0 : i32
    %dma_wait3A_573 = tpu.memref_slice %arg13[%dma_wait3A_571, %dma_wait3A_572] : memref<128x128xf32, #tpu.memory_space<vmem>> -> memref<128x128xf32, #tpu.memory_space<vmem>>
    %dma_wait3A_574 = arith.constant 0 : i32
    %dma_wait3A_575 = tpu.memref_slice %arg8[%add3A_560, %dma_wait3A_574] : memref<49152x128xf32, #tpu.memory_space<hbm>> -> memref<128x128xf32, #tpu.memory_space<hbm>>
    %dma_wait3A_576 = arith.constant 0 : i32
    %dma_wait3A_577 = tpu.memref_slice %arg8[%add3A_560, %dma_wait3A_576] : memref<49152x128xf32, #tpu.memory_space<hbm>> -> memref<128x128xf32, #tpu.memory_space<hbm>>
    %dma_wait3A_578 = arith.constant 0 : i32
    %dma_wait3A_579 = arith.constant 0 : i32
    %dma_wait3A_580 = tpu.memref_slice %arg13[%dma_wait3A_578, %dma_wait3A_579] : memref<128x128xf32, #tpu.memory_space<vmem>> -> memref<128x128xf32, #tpu.memory_space<vmem>>
    tpu.wait_dma2 semaphore(%arg21 : memref<!tpu.dma_semaphore, #tpu.memory_space<semaphore_mem>>) src(%dma_wait3A_580 : memref<128x128xf32, #tpu.memory_space<vmem>>) dst(%dma_wait3A_577 : memref<128x128xf32, #tpu.memory_space<hbm>>)
    %dma_start3A_581 = arith.constant 11 : i32
    %dma_start3A_582 = arith.constant 0 : i32
    %dma_start3A_583 = arith.constant 0 : i32
    %dma_start3A_584 = tpu.memref_slice %arg13[%dma_start3A_582, %dma_start3A_583] : memref<128x128xf32, #tpu.memory_space<vmem>> -> memref<48x128xf32, #tpu.memory_space<vmem>>
    %dma_start3A_585 = arith.constant 32 : i32
    %dma_start3A_586 = tpu.memref_slice %arg9[%dma_start3A_581, %dma_start3A_585] : memref<12x128xi32, #tpu.memory_space<vmem>> -> memref<1x48xi32, #tpu.memory_space<vmem>>
    %dma_start3A_587 = tpu.memref_squeeze %dma_start3A_586 : memref<1x48xi32, #tpu.memory_space<vmem>> -> memref<48xi32, #tpu.memory_space<vmem>>
    %dma_start3A_588 = arith.constant 0 : i32
    %dma_start3A_589 = arith.constant 0 : i32
    %dma_start3A_590 = tpu.memref_slice %arg4[%dma_start3A_588, %dma_start3A_589] : memref<1000x128xf32, #tpu.memory_space<hbm>> -> memref<1000x128xf32, #tpu.memory_space<hbm>>
    tpu.enqueue_indirect_dma source(%dma_start3A_590 : memref<1000x128xf32, #tpu.memory_space<hbm>>) target(%dma_start3A_584 : memref<48x128xf32, #tpu.memory_space<vmem>>) offsets(%dma_start3A_587 : memref<48xi32, #tpu.memory_space<vmem>>) semaphore(%arg17 : memref<!tpu.dma_semaphore, #tpu.memory_space<semaphore_mem>>)
    %dma_wait3A_591 = arith.constant 9 : i32
    %dma_wait3A_592 = arith.constant 0 : i32
    %dma_wait3A_593 = arith.constant 0 : i32
    %dma_wait3A_594 = tpu.memref_slice %arg10[%dma_wait3A_592, %dma_wait3A_593] : memref<128x128xf32, #tpu.memory_space<vmem>> -> memref<128x128xf32, #tpu.memory_space<vmem>>
    %dma_wait3A_595 = arith.constant 0 : i32
    %dma_wait3A_596 = tpu.memref_slice %arg9[%dma_wait3A_591, %dma_wait3A_595] : memref<12x128xi32, #tpu.memory_space<vmem>> -> memref<1x128xi32, #tpu.memory_space<vmem>>
    %dma_wait3A_597 = tpu.memref_squeeze %dma_wait3A_596 : memref<1x128xi32, #tpu.memory_space<vmem>> -> memref<128xi32, #tpu.memory_space<vmem>>
    %dma_wait3A_598 = arith.constant 0 : i32
    %dma_wait3A_599 = arith.constant 0 : i32
    %dma_wait3A_600 = tpu.memref_slice %arg5[%dma_wait3A_598, %dma_wait3A_599] : memref<800x128xf32, #tpu.memory_space<hbm>> -> memref<800x128xf32, #tpu.memory_space<hbm>>
    tpu.wait_indirect_dma semaphore(%arg14 : memref<!tpu.dma_semaphore, #tpu.memory_space<semaphore_mem>>) src(%dma_wait3A_600 : memref<800x128xf32, #tpu.memory_space<hbm>>) dst(%dma_wait3A_594 : memref<128x128xf32, #tpu.memory_space<vmem>>)
    %mul3A_601 = arith.constant 480 : i32
    %mul3A_602 = arith.muli %add3A, %mul3A_601 : i32
    %add3A_603 = arith.constant 25600 : i32
    %add3A_604 = arith.addi %add3A_603, %mul3A_602 : i32
    %add3A_605 = arith.constant 352 : i32
    %add3A_606 = arith.addi %add3A_604, %add3A_605 : i32
    %dma_start3A_607 = arith.constant 0 : i32
    %dma_start3A_608 = arith.constant 0 : i32
    %dma_start3A_609 = tpu.memref_slice %arg10[%dma_start3A_607, %dma_start3A_608] : memref<128x128xf32, #tpu.memory_space<vmem>> -> memref<128x128xf32, #tpu.memory_space<vmem>>
    %dma_start3A_610 = arith.constant 0 : i32
    %dma_start3A_611 = tpu.memref_slice %arg8[%add3A_606, %dma_start3A_610] : memref<49152x128xf32, #tpu.memory_space<hbm>> -> memref<128x128xf32, #tpu.memory_space<hbm>>
    %dma_start3A_612 = arith.constant 0 : i32
    %dma_start3A_613 = tpu.memref_slice %arg8[%add3A_606, %dma_start3A_612] : memref<49152x128xf32, #tpu.memory_space<hbm>> -> memref<128x128xf32, #tpu.memory_space<hbm>>
    %dma_start3A_614 = arith.constant 0 : i32
    %dma_start3A_615 = arith.constant 0 : i32
    %dma_start3A_616 = tpu.memref_slice %arg10[%dma_start3A_614, %dma_start3A_615] : memref<128x128xf32, #tpu.memory_space<vmem>> -> memref<128x128xf32, #tpu.memory_space<vmem>>
    tpu.enqueue_dma source(%dma_start3A_616 : memref<128x128xf32, #tpu.memory_space<vmem>>) target(%dma_start3A_613 : memref<128x128xf32, #tpu.memory_space<hbm>>) target_semaphore(%arg18 : memref<!tpu.dma_semaphore, #tpu.memory_space<semaphore_mem>>)
    %dma_wait3A_617 = arith.constant 0 : i32
    %dma_wait3A_618 = arith.constant 0 : i32
    %dma_wait3A_619 = tpu.memref_slice %arg10[%dma_wait3A_617, %dma_wait3A_618] : memref<128x128xf32, #tpu.memory_space<vmem>> -> memref<128x128xf32, #tpu.memory_space<vmem>>
    %dma_wait3A_620 = arith.constant 0 : i32
    %dma_wait3A_621 = tpu.memref_slice %arg8[%add3A_606, %dma_wait3A_620] : memref<49152x128xf32, #tpu.memory_space<hbm>> -> memref<128x128xf32, #tpu.memory_space<hbm>>
    %dma_wait3A_622 = arith.constant 0 : i32
    %dma_wait3A_623 = tpu.memref_slice %arg8[%add3A_606, %dma_wait3A_622] : memref<49152x128xf32, #tpu.memory_space<hbm>> -> memref<128x128xf32, #tpu.memory_space<hbm>>
    %dma_wait3A_624 = arith.constant 0 : i32
    %dma_wait3A_625 = arith.constant 0 : i32
    %dma_wait3A_626 = tpu.memref_slice %arg10[%dma_wait3A_624, %dma_wait3A_625] : memref<128x128xf32, #tpu.memory_space<vmem>> -> memref<128x128xf32, #tpu.memory_space<vmem>>
    tpu.wait_dma2 semaphore(%arg18 : memref<!tpu.dma_semaphore, #tpu.memory_space<semaphore_mem>>) src(%dma_wait3A_626 : memref<128x128xf32, #tpu.memory_space<vmem>>) dst(%dma_wait3A_623 : memref<128x128xf32, #tpu.memory_space<hbm>>)
    %dma_start3A_627 = arith.constant 11 : i32
    %dma_start3A_628 = arith.constant 0 : i32
    %dma_start3A_629 = arith.constant 0 : i32
    %dma_start3A_630 = tpu.memref_slice %arg10[%dma_start3A_628, %dma_start3A_629] : memref<128x128xf32, #tpu.memory_space<vmem>> -> memref<48x128xf32, #tpu.memory_space<vmem>>
    %dma_start3A_631 = arith.constant 80 : i32
    %dma_start3A_632 = tpu.memref_slice %arg9[%dma_start3A_627, %dma_start3A_631] : memref<12x128xi32, #tpu.memory_space<vmem>> -> memref<1x48xi32, #tpu.memory_space<vmem>>
    %dma_start3A_633 = tpu.memref_squeeze %dma_start3A_632 : memref<1x48xi32, #tpu.memory_space<vmem>> -> memref<48xi32, #tpu.memory_space<vmem>>
    %dma_start3A_634 = arith.constant 0 : i32
    %dma_start3A_635 = arith.constant 0 : i32
    %dma_start3A_636 = tpu.memref_slice %arg5[%dma_start3A_634, %dma_start3A_635] : memref<800x128xf32, #tpu.memory_space<hbm>> -> memref<800x128xf32, #tpu.memory_space<hbm>>
    tpu.enqueue_indirect_dma source(%dma_start3A_636 : memref<800x128xf32, #tpu.memory_space<hbm>>) target(%dma_start3A_630 : memref<48x128xf32, #tpu.memory_space<vmem>>) offsets(%dma_start3A_633 : memref<48xi32, #tpu.memory_space<vmem>>) semaphore(%arg14 : memref<!tpu.dma_semaphore, #tpu.memory_space<semaphore_mem>>)
    %dma_wait3A_637 = arith.constant 10 : i32
    %dma_wait3A_638 = arith.constant 0 : i32
    %dma_wait3A_639 = arith.constant 0 : i32
    %dma_wait3A_640 = tpu.memref_slice %arg11[%dma_wait3A_638, %dma_wait3A_639] : memref<128x128xf32, #tpu.memory_space<vmem>> -> memref<128x128xf32, #tpu.memory_space<vmem>>
    %dma_wait3A_641 = arith.constant 0 : i32
    %dma_wait3A_642 = tpu.memref_slice %arg9[%dma_wait3A_637, %dma_wait3A_641] : memref<12x128xi32, #tpu.memory_space<vmem>> -> memref<1x128xi32, #tpu.memory_space<vmem>>
    %dma_wait3A_643 = tpu.memref_squeeze %dma_wait3A_642 : memref<1x128xi32, #tpu.memory_space<vmem>> -> memref<128xi32, #tpu.memory_space<vmem>>
    %dma_wait3A_644 = arith.constant 0 : i32
    %dma_wait3A_645 = arith.constant 0 : i32
    %dma_wait3A_646 = tpu.memref_slice %arg6[%dma_wait3A_644, %dma_wait3A_645] : memref<600x128xf32, #tpu.memory_space<hbm>> -> memref<600x128xf32, #tpu.memory_space<hbm>>
    tpu.wait_indirect_dma semaphore(%arg15 : memref<!tpu.dma_semaphore, #tpu.memory_space<semaphore_mem>>) src(%dma_wait3A_646 : memref<600x128xf32, #tpu.memory_space<hbm>>) dst(%dma_wait3A_640 : memref<128x128xf32, #tpu.memory_space<vmem>>)
    %mul3A_647 = arith.constant 160 : i32
    %mul3A_648 = arith.muli %add3A, %mul3A_647 : i32
    %add3A_649 = arith.constant 40960 : i32
    %add3A_650 = arith.addi %add3A_649, %mul3A_648 : i32
    %add3A_651 = arith.constant 0 : i32
    %add3A_652 = arith.addi %add3A_650, %add3A_651 : i32
    %dma_start3A_653 = arith.constant 0 : i32
    %dma_start3A_654 = arith.constant 0 : i32
    %dma_start3A_655 = tpu.memref_slice %arg11[%dma_start3A_653, %dma_start3A_654] : memref<128x128xf32, #tpu.memory_space<vmem>> -> memref<128x128xf32, #tpu.memory_space<vmem>>
    %dma_start3A_656 = arith.constant 0 : i32
    %dma_start3A_657 = tpu.memref_slice %arg8[%add3A_652, %dma_start3A_656] : memref<49152x128xf32, #tpu.memory_space<hbm>> -> memref<128x128xf32, #tpu.memory_space<hbm>>
    %dma_start3A_658 = arith.constant 0 : i32
    %dma_start3A_659 = tpu.memref_slice %arg8[%add3A_652, %dma_start3A_658] : memref<49152x128xf32, #tpu.memory_space<hbm>> -> memref<128x128xf32, #tpu.memory_space<hbm>>
    %dma_start3A_660 = arith.constant 0 : i32
    %dma_start3A_661 = arith.constant 0 : i32
    %dma_start3A_662 = tpu.memref_slice %arg11[%dma_start3A_660, %dma_start3A_661] : memref<128x128xf32, #tpu.memory_space<vmem>> -> memref<128x128xf32, #tpu.memory_space<vmem>>
    tpu.enqueue_dma source(%dma_start3A_662 : memref<128x128xf32, #tpu.memory_space<vmem>>) target(%dma_start3A_659 : memref<128x128xf32, #tpu.memory_space<hbm>>) target_semaphore(%arg19 : memref<!tpu.dma_semaphore, #tpu.memory_space<semaphore_mem>>)
    %dma_wait3A_663 = arith.constant 0 : i32
    %dma_wait3A_664 = arith.constant 0 : i32
    %dma_wait3A_665 = tpu.memref_slice %arg11[%dma_wait3A_663, %dma_wait3A_664] : memref<128x128xf32, #tpu.memory_space<vmem>> -> memref<128x128xf32, #tpu.memory_space<vmem>>
    %dma_wait3A_666 = arith.constant 0 : i32
    %dma_wait3A_667 = tpu.memref_slice %arg8[%add3A_652, %dma_wait3A_666] : memref<49152x128xf32, #tpu.memory_space<hbm>> -> memref<128x128xf32, #tpu.memory_space<hbm>>
    %dma_wait3A_668 = arith.constant 0 : i32
    %dma_wait3A_669 = tpu.memref_slice %arg8[%add3A_652, %dma_wait3A_668] : memref<49152x128xf32, #tpu.memory_space<hbm>> -> memref<128x128xf32, #tpu.memory_space<hbm>>
    %dma_wait3A_670 = arith.constant 0 : i32
    %dma_wait3A_671 = arith.constant 0 : i32
    %dma_wait3A_672 = tpu.memref_slice %arg11[%dma_wait3A_670, %dma_wait3A_671] : memref<128x128xf32, #tpu.memory_space<vmem>> -> memref<128x128xf32, #tpu.memory_space<vmem>>
    tpu.wait_dma2 semaphore(%arg19 : memref<!tpu.dma_semaphore, #tpu.memory_space<semaphore_mem>>) src(%dma_wait3A_672 : memref<128x128xf32, #tpu.memory_space<vmem>>) dst(%dma_wait3A_669 : memref<128x128xf32, #tpu.memory_space<hbm>>)
    %dma_wait3A_673 = arith.constant 11 : i32
    %dma_wait3A_674 = arith.constant 0 : i32
    %dma_wait3A_675 = arith.constant 0 : i32
    %dma_wait3A_676 = tpu.memref_slice %arg12[%dma_wait3A_674, %dma_wait3A_675] : memref<128x128xf32, #tpu.memory_space<vmem>> -> memref<32x128xf32, #tpu.memory_space<vmem>>
    %dma_wait3A_677 = arith.constant 0 : i32
    %dma_wait3A_678 = tpu.memref_slice %arg9[%dma_wait3A_673, %dma_wait3A_677] : memref<12x128xi32, #tpu.memory_space<vmem>> -> memref<1x32xi32, #tpu.memory_space<vmem>>
    %dma_wait3A_679 = tpu.memref_squeeze %dma_wait3A_678 : memref<1x32xi32, #tpu.memory_space<vmem>> -> memref<32xi32, #tpu.memory_space<vmem>>
    %dma_wait3A_680 = arith.constant 0 : i32
    %dma_wait3A_681 = arith.constant 0 : i32
    %dma_wait3A_682 = tpu.memref_slice %arg6[%dma_wait3A_680, %dma_wait3A_681] : memref<600x128xf32, #tpu.memory_space<hbm>> -> memref<600x128xf32, #tpu.memory_space<hbm>>
    tpu.wait_indirect_dma semaphore(%arg16 : memref<!tpu.dma_semaphore, #tpu.memory_space<semaphore_mem>>) src(%dma_wait3A_682 : memref<600x128xf32, #tpu.memory_space<hbm>>) dst(%dma_wait3A_676 : memref<32x128xf32, #tpu.memory_space<vmem>>)
    %mul3A_683 = arith.constant 160 : i32
    %mul3A_684 = arith.muli %add3A, %mul3A_683 : i32
    %add3A_685 = arith.constant 40960 : i32
    %add3A_686 = arith.addi %add3A_685, %mul3A_684 : i32
    %add3A_687 = arith.constant 128 : i32
    %add3A_688 = arith.addi %add3A_686, %add3A_687 : i32
    %dma_start3A_689 = arith.constant 0 : i32
    %dma_start3A_690 = arith.constant 0 : i32
    %dma_start3A_691 = tpu.memref_slice %arg12[%dma_start3A_689, %dma_start3A_690] : memref<128x128xf32, #tpu.memory_space<vmem>> -> memref<32x128xf32, #tpu.memory_space<vmem>>
    %dma_start3A_692 = arith.constant 0 : i32
    %dma_start3A_693 = tpu.memref_slice %arg8[%add3A_688, %dma_start3A_692] : memref<49152x128xf32, #tpu.memory_space<hbm>> -> memref<32x128xf32, #tpu.memory_space<hbm>>
    %dma_start3A_694 = arith.constant 0 : i32
    %dma_start3A_695 = tpu.memref_slice %arg8[%add3A_688, %dma_start3A_694] : memref<49152x128xf32, #tpu.memory_space<hbm>> -> memref<32x128xf32, #tpu.memory_space<hbm>>
    %dma_start3A_696 = arith.constant 0 : i32
    %dma_start3A_697 = arith.constant 0 : i32
    %dma_start3A_698 = tpu.memref_slice %arg12[%dma_start3A_696, %dma_start3A_697] : memref<128x128xf32, #tpu.memory_space<vmem>> -> memref<32x128xf32, #tpu.memory_space<vmem>>
    tpu.enqueue_dma source(%dma_start3A_698 : memref<32x128xf32, #tpu.memory_space<vmem>>) target(%dma_start3A_695 : memref<32x128xf32, #tpu.memory_space<hbm>>) target_semaphore(%arg20 : memref<!tpu.dma_semaphore, #tpu.memory_space<semaphore_mem>>)
    %dma_wait3A_699 = arith.constant 0 : i32
    %dma_wait3A_700 = arith.constant 0 : i32
    %dma_wait3A_701 = tpu.memref_slice %arg12[%dma_wait3A_699, %dma_wait3A_700] : memref<128x128xf32, #tpu.memory_space<vmem>> -> memref<32x128xf32, #tpu.memory_space<vmem>>
    %dma_wait3A_702 = arith.constant 0 : i32
    %dma_wait3A_703 = tpu.memref_slice %arg8[%add3A_688, %dma_wait3A_702] : memref<49152x128xf32, #tpu.memory_space<hbm>> -> memref<32x128xf32, #tpu.memory_space<hbm>>
    %dma_wait3A_704 = arith.constant 0 : i32
    %dma_wait3A_705 = tpu.memref_slice %arg8[%add3A_688, %dma_wait3A_704] : memref<49152x128xf32, #tpu.memory_space<hbm>> -> memref<32x128xf32, #tpu.memory_space<hbm>>
    %dma_wait3A_706 = arith.constant 0 : i32
    %dma_wait3A_707 = arith.constant 0 : i32
    %dma_wait3A_708 = tpu.memref_slice %arg12[%dma_wait3A_706, %dma_wait3A_707] : memref<128x128xf32, #tpu.memory_space<vmem>> -> memref<32x128xf32, #tpu.memory_space<vmem>>
    tpu.wait_dma2 semaphore(%arg20 : memref<!tpu.dma_semaphore, #tpu.memory_space<semaphore_mem>>) src(%dma_wait3A_708 : memref<32x128xf32, #tpu.memory_space<vmem>>) dst(%dma_wait3A_705 : memref<32x128xf32, #tpu.memory_space<hbm>>)
    %dma_wait3A_709 = arith.constant 11 : i32
    %dma_wait3A_710 = arith.constant 0 : i32
    %dma_wait3A_711 = arith.constant 0 : i32
    %dma_wait3A_712 = tpu.memref_slice %arg13[%dma_wait3A_710, %dma_wait3A_711] : memref<128x128xf32, #tpu.memory_space<vmem>> -> memref<48x128xf32, #tpu.memory_space<vmem>>
    %dma_wait3A_713 = arith.constant 32 : i32
    %dma_wait3A_714 = tpu.memref_slice %arg9[%dma_wait3A_709, %dma_wait3A_713] : memref<12x128xi32, #tpu.memory_space<vmem>> -> memref<1x48xi32, #tpu.memory_space<vmem>>
    %dma_wait3A_715 = tpu.memref_squeeze %dma_wait3A_714 : memref<1x48xi32, #tpu.memory_space<vmem>> -> memref<48xi32, #tpu.memory_space<vmem>>
    %dma_wait3A_716 = arith.constant 0 : i32
    %dma_wait3A_717 = arith.constant 0 : i32
    %dma_wait3A_718 = tpu.memref_slice %arg4[%dma_wait3A_716, %dma_wait3A_717] : memref<1000x128xf32, #tpu.memory_space<hbm>> -> memref<1000x128xf32, #tpu.memory_space<hbm>>
    tpu.wait_indirect_dma semaphore(%arg17 : memref<!tpu.dma_semaphore, #tpu.memory_space<semaphore_mem>>) src(%dma_wait3A_718 : memref<1000x128xf32, #tpu.memory_space<hbm>>) dst(%dma_wait3A_712 : memref<48x128xf32, #tpu.memory_space<vmem>>)
    %mul3A_719 = arith.constant 48 : i32
    %mul3A_720 = arith.muli %add3A, %mul3A_719 : i32
    %add3A_721 = arith.constant 46080 : i32
    %add3A_722 = arith.addi %add3A_721, %mul3A_720 : i32
    %add3A_723 = arith.constant 0 : i32
    %add3A_724 = arith.addi %add3A_722, %add3A_723 : i32
    %dma_start3A_725 = arith.constant 0 : i32
    %dma_start3A_726 = arith.constant 0 : i32
    %dma_start3A_727 = tpu.memref_slice %arg13[%dma_start3A_725, %dma_start3A_726] : memref<128x128xf32, #tpu.memory_space<vmem>> -> memref<48x128xf32, #tpu.memory_space<vmem>>
    %dma_start3A_728 = arith.constant 0 : i32
    %dma_start3A_729 = tpu.memref_slice %arg8[%add3A_724, %dma_start3A_728] : memref<49152x128xf32, #tpu.memory_space<hbm>> -> memref<48x128xf32, #tpu.memory_space<hbm>>
    %dma_start3A_730 = arith.constant 0 : i32
    %dma_start3A_731 = tpu.memref_slice %arg8[%add3A_724, %dma_start3A_730] : memref<49152x128xf32, #tpu.memory_space<hbm>> -> memref<48x128xf32, #tpu.memory_space<hbm>>
    %dma_start3A_732 = arith.constant 0 : i32
    %dma_start3A_733 = arith.constant 0 : i32
    %dma_start3A_734 = tpu.memref_slice %arg13[%dma_start3A_732, %dma_start3A_733] : memref<128x128xf32, #tpu.memory_space<vmem>> -> memref<48x128xf32, #tpu.memory_space<vmem>>
    tpu.enqueue_dma source(%dma_start3A_734 : memref<48x128xf32, #tpu.memory_space<vmem>>) target(%dma_start3A_731 : memref<48x128xf32, #tpu.memory_space<hbm>>) target_semaphore(%arg21 : memref<!tpu.dma_semaphore, #tpu.memory_space<semaphore_mem>>)
    %dma_wait3A_735 = arith.constant 0 : i32
    %dma_wait3A_736 = arith.constant 0 : i32
    %dma_wait3A_737 = tpu.memref_slice %arg13[%dma_wait3A_735, %dma_wait3A_736] : memref<128x128xf32, #tpu.memory_space<vmem>> -> memref<48x128xf32, #tpu.memory_space<vmem>>
    %dma_wait3A_738 = arith.constant 0 : i32
    %dma_wait3A_739 = tpu.memref_slice %arg8[%add3A_724, %dma_wait3A_738] : memref<49152x128xf32, #tpu.memory_space<hbm>> -> memref<48x128xf32, #tpu.memory_space<hbm>>
    %dma_wait3A_740 = arith.constant 0 : i32
    %dma_wait3A_741 = tpu.memref_slice %arg8[%add3A_724, %dma_wait3A_740] : memref<49152x128xf32, #tpu.memory_space<hbm>> -> memref<48x128xf32, #tpu.memory_space<hbm>>
    %dma_wait3A_742 = arith.constant 0 : i32
    %dma_wait3A_743 = arith.constant 0 : i32
    %dma_wait3A_744 = tpu.memref_slice %arg13[%dma_wait3A_742, %dma_wait3A_743] : memref<128x128xf32, #tpu.memory_space<vmem>> -> memref<48x128xf32, #tpu.memory_space<vmem>>
    tpu.wait_dma2 semaphore(%arg21 : memref<!tpu.dma_semaphore, #tpu.memory_space<semaphore_mem>>) src(%dma_wait3A_744 : memref<48x128xf32, #tpu.memory_space<vmem>>) dst(%dma_wait3A_741 : memref<48x128xf32, #tpu.memory_space<hbm>>)
    %dma_wait3A_745 = arith.constant 11 : i32
    %dma_wait3A_746 = arith.constant 0 : i32
    %dma_wait3A_747 = arith.constant 0 : i32
    %dma_wait3A_748 = tpu.memref_slice %arg10[%dma_wait3A_746, %dma_wait3A_747] : memref<128x128xf32, #tpu.memory_space<vmem>> -> memref<48x128xf32, #tpu.memory_space<vmem>>
    %dma_wait3A_749 = arith.constant 80 : i32
    %dma_wait3A_750 = tpu.memref_slice %arg9[%dma_wait3A_745, %dma_wait3A_749] : memref<12x128xi32, #tpu.memory_space<vmem>> -> memref<1x48xi32, #tpu.memory_space<vmem>>
    %dma_wait3A_751 = tpu.memref_squeeze %dma_wait3A_750 : memref<1x48xi32, #tpu.memory_space<vmem>> -> memref<48xi32, #tpu.memory_space<vmem>>
    %dma_wait3A_752 = arith.constant 0 : i32
    %dma_wait3A_753 = arith.constant 0 : i32
    %dma_wait3A_754 = tpu.memref_slice %arg5[%dma_wait3A_752, %dma_wait3A_753] : memref<800x128xf32, #tpu.memory_space<hbm>> -> memref<800x128xf32, #tpu.memory_space<hbm>>
    tpu.wait_indirect_dma semaphore(%arg14 : memref<!tpu.dma_semaphore, #tpu.memory_space<semaphore_mem>>) src(%dma_wait3A_754 : memref<800x128xf32, #tpu.memory_space<hbm>>) dst(%dma_wait3A_748 : memref<48x128xf32, #tpu.memory_space<vmem>>)
    %mul3A_755 = arith.constant 48 : i32
    %mul3A_756 = arith.muli %add3A, %mul3A_755 : i32
    %add3A_757 = arith.constant 47616 : i32
    %add3A_758 = arith.addi %add3A_757, %mul3A_756 : i32
    %add3A_759 = arith.constant 0 : i32
    %add3A_760 = arith.addi %add3A_758, %add3A_759 : i32
    %dma_start3A_761 = arith.constant 0 : i32
    %dma_start3A_762 = arith.constant 0 : i32
    %dma_start3A_763 = tpu.memref_slice %arg10[%dma_start3A_761, %dma_start3A_762] : memref<128x128xf32, #tpu.memory_space<vmem>> -> memref<48x128xf32, #tpu.memory_space<vmem>>
    %dma_start3A_764 = arith.constant 0 : i32
    %dma_start3A_765 = tpu.memref_slice %arg8[%add3A_760, %dma_start3A_764] : memref<49152x128xf32, #tpu.memory_space<hbm>> -> memref<48x128xf32, #tpu.memory_space<hbm>>
    %dma_start3A_766 = arith.constant 0 : i32
    %dma_start3A_767 = tpu.memref_slice %arg8[%add3A_760, %dma_start3A_766] : memref<49152x128xf32, #tpu.memory_space<hbm>> -> memref<48x128xf32, #tpu.memory_space<hbm>>
    %dma_start3A_768 = arith.constant 0 : i32
    %dma_start3A_769 = arith.constant 0 : i32
    %dma_start3A_770 = tpu.memref_slice %arg10[%dma_start3A_768, %dma_start3A_769] : memref<128x128xf32, #tpu.memory_space<vmem>> -> memref<48x128xf32, #tpu.memory_space<vmem>>
    tpu.enqueue_dma source(%dma_start3A_770 : memref<48x128xf32, #tpu.memory_space<vmem>>) target(%dma_start3A_767 : memref<48x128xf32, #tpu.memory_space<hbm>>) target_semaphore(%arg18 : memref<!tpu.dma_semaphore, #tpu.memory_space<semaphore_mem>>)
    %dma_wait3A_771 = arith.constant 0 : i32
    %dma_wait3A_772 = arith.constant 0 : i32
    %dma_wait3A_773 = tpu.memref_slice %arg10[%dma_wait3A_771, %dma_wait3A_772] : memref<128x128xf32, #tpu.memory_space<vmem>> -> memref<48x128xf32, #tpu.memory_space<vmem>>
    %dma_wait3A_774 = arith.constant 0 : i32
    %dma_wait3A_775 = tpu.memref_slice %arg8[%add3A_760, %dma_wait3A_774] : memref<49152x128xf32, #tpu.memory_space<hbm>> -> memref<48x128xf32, #tpu.memory_space<hbm>>
    %dma_wait3A_776 = arith.constant 0 : i32
    %dma_wait3A_777 = tpu.memref_slice %arg8[%add3A_760, %dma_wait3A_776] : memref<49152x128xf32, #tpu.memory_space<hbm>> -> memref<48x128xf32, #tpu.memory_space<hbm>>
    %dma_wait3A_778 = arith.constant 0 : i32
    %dma_wait3A_779 = arith.constant 0 : i32
    %dma_wait3A_780 = tpu.memref_slice %arg10[%dma_wait3A_778, %dma_wait3A_779] : memref<128x128xf32, #tpu.memory_space<vmem>> -> memref<48x128xf32, #tpu.memory_space<vmem>>
    tpu.wait_dma2 semaphore(%arg18 : memref<!tpu.dma_semaphore, #tpu.memory_space<semaphore_mem>>) src(%dma_wait3A_780 : memref<48x128xf32, #tpu.memory_space<vmem>>) dst(%dma_wait3A_777 : memref<48x128xf32, #tpu.memory_space<hbm>>)
    return
  }
}

module attributes {stable_mosaic.version = 14 : i64} {
  func.func @_attn_body(%arg0: i32, %arg1: memref<1280x128xf32, #tpu.memory_space<vmem>>, %arg2: memref<1280x128xf32, #tpu.memory_space<vmem>>, %arg3: memref<1280x128xf32, #tpu.memory_space<vmem>>, %arg4: memref<1280x128xf32, #tpu.memory_space<vmem>>, %arg5: memref<1280x128xf32, #tpu.memory_space<vmem>>, %arg6: memref<1280x128xf32, #tpu.memory_space<vmem>>, %arg7: memref<1280x128xf32, #tpu.memory_space<vmem>>, %arg8: memref<1280x128xf32, #tpu.memory_space<vmem>>, %arg9: memref<1280x128xf32, #tpu.memory_space<vmem>>, %arg10: memref<128x256xf32, #tpu.memory_space<vmem>>, %arg11: memref<1x128xf32, #tpu.memory_space<vmem>>, %arg12: memref<1x128xf32, #tpu.memory_space<vmem>>, %arg13: memref<160x128xf32, #tpu.memory_space<vmem>>, %arg14: memref<160x128xf32, #tpu.memory_space<vmem>>, %arg15: memref<160x128xf32, #tpu.memory_space<vmem>>) attributes {dimension_semantics = [#tpu.dimension_semantics<arbitrary>], iteration_bounds = array<i64: 4>, scalar_prefetch = 0 : i64, scratch_operands = 0 : i64, tpu.core_type = #tpu.core_type<tc>, window_params = [{transform_indices = @transform_0, window_bounds = array<i64: 1280, 128>}, {transform_indices = @transform_1, window_bounds = array<i64: 1280, 128>}, {transform_indices = @transform_2, window_bounds = array<i64: 1280, 128>}, {transform_indices = @transform_3, window_bounds = array<i64: 1280, 128>}, {transform_indices = @transform_4, window_bounds = array<i64: 1280, 128>}, {transform_indices = @transform_5, window_bounds = array<i64: 1280, 128>}, {transform_indices = @transform_6, window_bounds = array<i64: 1280, 128>}, {transform_indices = @transform_7, window_bounds = array<i64: 1280, 128>}, {transform_indices = @transform_8, window_bounds = array<i64: 1280, 128>}, {pipeline_mode = #tpu.pipeline_mode<synchronous>, transform_indices = @transform_9, window_bounds = array<i64: 128, 256>}, {pipeline_mode = #tpu.pipeline_mode<synchronous>, transform_indices = @transform_10, window_bounds = array<i64: 1, 128>}, {pipeline_mode = #tpu.pipeline_mode<synchronous>, transform_indices = @transform_11, window_bounds = array<i64: 1, 128>}, {transform_indices = @transform_12, window_bounds = array<i64: 160, 128>}, {transform_indices = @transform_13, window_bounds = array<i64: 160, 128>}, {transform_indices = @transform_14, window_bounds = array<i64: 160, 128>}]} {
    %get3A = arith.constant 0 : index
    %get3A_0 = arith.constant 0 : index
    %get3A_1 = vector.load %arg10[%get3A, %get3A_0] : memref<128x256xf32, #tpu.memory_space<vmem>>, vector<128x256xf32>
    %slice3A = vector.extract_strided_slice %get3A_1 {offsets = [0, 0], sizes = [128, 128], strides = [1, 1]} : vector<128x256xf32> to vector<128x128xf32>
    %slice3A_2 = vector.extract_strided_slice %get3A_1 {offsets = [0, 128], sizes = [128, 128], strides = [1, 1]} : vector<128x256xf32> to vector<128x128xf32>
    %get3A_3 = arith.constant 0 : index
    %get3A_4 = arith.constant 0 : index
    %get3A_5 = vector.load %arg11[%get3A_3, %get3A_4] : memref<1x128xf32, #tpu.memory_space<vmem>>, vector<1x128xf32>
    %get3A_6 = arith.constant 0 : index
    %get3A_7 = arith.constant 0 : index
    %get3A_8 = vector.load %arg12[%get3A_6, %get3A_7] : memref<1x128xf32, #tpu.memory_space<vmem>>, vector<1x128xf32>
    %get3A_9 = arith.constant 0 : index
    %get3A_10 = arith.constant 0 : index
    %get3A_11 = vector.load %arg1[%get3A_9, %get3A_10] : memref<1280x128xf32, #tpu.memory_space<vmem>>, vector<1280x128xf32>
    %get3A_12 = arith.constant 0 : index
    %get3A_13 = arith.constant 0 : index
    %get3A_14 = vector.load %arg3[%get3A_12, %get3A_13] : memref<1280x128xf32, #tpu.memory_space<vmem>>, vector<1280x128xf32>
    %get3A_15 = arith.constant 0 : index
    %get3A_16 = arith.constant 0 : index
    %get3A_17 = vector.load %arg4[%get3A_15, %get3A_16] : memref<1280x128xf32, #tpu.memory_space<vmem>>, vector<1280x128xf32>
    %get3A_18 = arith.constant 0 : index
    %get3A_19 = arith.constant 0 : index
    %get3A_20 = vector.load %arg5[%get3A_18, %get3A_19] : memref<1280x128xf32, #tpu.memory_space<vmem>>, vector<1280x128xf32>
    %dot_general3A = arith.constant dense<0.000000e+00> : vector<1280x128xf32>
    %dot_general3A_21 = tpu.matmul %get3A_11, %slice3A, %dot_general3A {dimension_numbers = #tpu.dot_dimension_numbers<[1], [1], [0], [0], [0, 0, 1, 0], [], []>, transpose_lhs_hint = false} : vector<1280x128xf32>, vector<128x128xf32>, vector<1280x128xf32> -> vector<1280x128xf32>
    %add3A = vector.broadcast %get3A_5 : vector<1x128xf32> to vector<1280x128xf32>
    %add3A_22 = arith.addf %dot_general3A_21, %add3A : vector<1280x128xf32>
    %dot_general3A_23 = arith.constant dense<0.000000e+00> : vector<1280x128xf32>
    %dot_general3A_24 = tpu.matmul %get3A_11, %slice3A_2, %dot_general3A_23 {dimension_numbers = #tpu.dot_dimension_numbers<[1], [1], [0], [0], [0, 0, 1, 0], [], []>, transpose_lhs_hint = false} : vector<1280x128xf32>, vector<128x128xf32>, vector<1280x128xf32> -> vector<1280x128xf32>
    %add3A_25 = arith.addf %add3A_22, %dot_general3A_24 : vector<1280x128xf32>
    %tanh3A = math.tanh %add3A_25 : vector<1280x128xf32>
    %dot_general3A_26 = arith.constant dense<0.000000e+00> : vector<1280x1xf32>
    %dot_general3A_27 = tpu.matmul %tanh3A, %get3A_8, %dot_general3A_26 {dimension_numbers = #tpu.dot_dimension_numbers<[1], [1], [0], [0], [0, 0, 1, 0], [], []>, transpose_lhs_hint = false} : vector<1280x128xf32>, vector<1x128xf32>, vector<1280x1xf32> -> vector<1280x1xf32>
    %dot_general3A_28 = arith.constant dense<0.000000e+00> : vector<1280x128xf32>
    %dot_general3A_29 = tpu.matmul %get3A_14, %slice3A_2, %dot_general3A_28 {dimension_numbers = #tpu.dot_dimension_numbers<[1], [1], [0], [0], [0, 0, 1, 0], [], []>, transpose_lhs_hint = false} : vector<1280x128xf32>, vector<128x128xf32>, vector<1280x128xf32> -> vector<1280x128xf32>
    %add3A_30 = arith.addf %add3A_22, %dot_general3A_29 : vector<1280x128xf32>
    %tanh3A_31 = math.tanh %add3A_30 : vector<1280x128xf32>
    %dot_general3A_32 = arith.constant dense<0.000000e+00> : vector<1280x1xf32>
    %dot_general3A_33 = tpu.matmul %tanh3A_31, %get3A_8, %dot_general3A_32 {dimension_numbers = #tpu.dot_dimension_numbers<[1], [1], [0], [0], [0, 0, 1, 0], [], []>, transpose_lhs_hint = false} : vector<1280x128xf32>, vector<1x128xf32>, vector<1280x1xf32> -> vector<1280x1xf32>
    %dot_general3A_34 = arith.constant dense<0.000000e+00> : vector<1280x128xf32>
    %dot_general3A_35 = tpu.matmul %get3A_17, %slice3A_2, %dot_general3A_34 {dimension_numbers = #tpu.dot_dimension_numbers<[1], [1], [0], [0], [0, 0, 1, 0], [], []>, transpose_lhs_hint = false} : vector<1280x128xf32>, vector<128x128xf32>, vector<1280x128xf32> -> vector<1280x128xf32>
    %add3A_36 = arith.addf %add3A_22, %dot_general3A_35 : vector<1280x128xf32>
    %tanh3A_37 = math.tanh %add3A_36 : vector<1280x128xf32>
    %dot_general3A_38 = arith.constant dense<0.000000e+00> : vector<1280x1xf32>
    %dot_general3A_39 = tpu.matmul %tanh3A_37, %get3A_8, %dot_general3A_38 {dimension_numbers = #tpu.dot_dimension_numbers<[1], [1], [0], [0], [0, 0, 1, 0], [], []>, transpose_lhs_hint = false} : vector<1280x128xf32>, vector<1x128xf32>, vector<1280x1xf32> -> vector<1280x1xf32>
    %dot_general3A_40 = arith.constant dense<0.000000e+00> : vector<1280x128xf32>
    %dot_general3A_41 = tpu.matmul %get3A_20, %slice3A_2, %dot_general3A_40 {dimension_numbers = #tpu.dot_dimension_numbers<[1], [1], [0], [0], [0, 0, 1, 0], [], []>, transpose_lhs_hint = false} : vector<1280x128xf32>, vector<128x128xf32>, vector<1280x128xf32> -> vector<1280x128xf32>
    %add3A_42 = arith.addf %add3A_22, %dot_general3A_41 : vector<1280x128xf32>
    %tanh3A_43 = math.tanh %add3A_42 : vector<1280x128xf32>
    %dot_general3A_44 = arith.constant dense<0.000000e+00> : vector<1280x1xf32>
    %dot_general3A_45 = tpu.matmul %tanh3A_43, %get3A_8, %dot_general3A_44 {dimension_numbers = #tpu.dot_dimension_numbers<[1], [1], [0], [0], [0, 0, 1, 0], [], []>, transpose_lhs_hint = false} : vector<1280x128xf32>, vector<1x128xf32>, vector<1280x1xf32> -> vector<1280x1xf32>
    %max3A = arith.maximumf %dot_general3A_33, %dot_general3A_39 : vector<1280x1xf32>
    %max3A_46 = arith.maximumf %dot_general3A_45, %dot_general3A_27 : vector<1280x1xf32>
    %max3A_47 = arith.maximumf %max3A, %max3A_46 : vector<1280x1xf32>
    %sub3A = arith.subf %dot_general3A_27, %max3A_47 : vector<1280x1xf32>
    %exp3A = math.exp %sub3A : vector<1280x1xf32>
    %mul3A = vector.broadcast %exp3A : vector<1280x1xf32> to vector<1280x128xf32>
    %mul3A_48 = arith.mulf %mul3A, %get3A_11 : vector<1280x128xf32>
    %sub3A_49 = arith.subf %dot_general3A_33, %max3A_47 : vector<1280x1xf32>
    %exp3A_50 = math.exp %sub3A_49 : vector<1280x1xf32>
    %mul3A_51 = vector.broadcast %exp3A_50 : vector<1280x1xf32> to vector<1280x128xf32>
    %mul3A_52 = arith.mulf %mul3A_51, %get3A_14 : vector<1280x128xf32>
    %add3A_53 = arith.addf %mul3A_48, %mul3A_52 : vector<1280x128xf32>
    %add3A_54 = arith.addf %exp3A, %exp3A_50 : vector<1280x1xf32>
    %sub3A_55 = arith.subf %dot_general3A_39, %max3A_47 : vector<1280x1xf32>
    %exp3A_56 = math.exp %sub3A_55 : vector<1280x1xf32>
    %mul3A_57 = vector.broadcast %exp3A_56 : vector<1280x1xf32> to vector<1280x128xf32>
    %mul3A_58 = arith.mulf %mul3A_57, %get3A_17 : vector<1280x128xf32>
    %add3A_59 = arith.addf %add3A_53, %mul3A_58 : vector<1280x128xf32>
    %add3A_60 = arith.addf %add3A_54, %exp3A_56 : vector<1280x1xf32>
    %sub3A_61 = arith.subf %dot_general3A_45, %max3A_47 : vector<1280x1xf32>
    %exp3A_62 = math.exp %sub3A_61 : vector<1280x1xf32>
    %mul3A_63 = vector.broadcast %exp3A_62 : vector<1280x1xf32> to vector<1280x128xf32>
    %mul3A_64 = arith.mulf %mul3A_63, %get3A_20 : vector<1280x128xf32>
    %add3A_65 = arith.addf %add3A_59, %mul3A_64 : vector<1280x128xf32>
    %add3A_66 = arith.addf %add3A_60, %exp3A_62 : vector<1280x1xf32>
    %div3A = vector.broadcast %add3A_66 : vector<1280x1xf32> to vector<1280x128xf32>
    %div3A_67 = arith.divf %add3A_65, %div3A : vector<1280x128xf32>
    %reshape3A = vector.shape_cast %div3A_67 : vector<1280x128xf32> to vector<160x8x128xf32>
    %reduce_sum3A = arith.constant dense<0.000000e+00> : vector<160x128xf32>
    %reduce_sum3A_68 = vector.multi_reduction <add>, %reshape3A, %reduce_sum3A [1] : vector<160x8x128xf32> to vector<160x128xf32>
    %swap3A = arith.constant 0 : index
    %swap3A_69 = arith.constant 0 : index
    %swap3A_70 = vector.load %arg13[%swap3A, %swap3A_69] : memref<160x128xf32, #tpu.memory_space<vmem>>, vector<160x128xf32>
    tpu.vector_store %arg13[%swap3A, %swap3A_69], %reduce_sum3A_68 {strides = array<i32>} : memref<160x128xf32, #tpu.memory_space<vmem>>, vector<160x128xf32>,
    %get3A_71 = arith.constant 0 : index
    %get3A_72 = arith.constant 0 : index
    %get3A_73 = vector.load %arg2[%get3A_71, %get3A_72] : memref<1280x128xf32, #tpu.memory_space<vmem>>, vector<1280x128xf32>
    %get3A_74 = arith.constant 0 : index
    %get3A_75 = arith.constant 0 : index
    %get3A_76 = vector.load %arg6[%get3A_74, %get3A_75] : memref<1280x128xf32, #tpu.memory_space<vmem>>, vector<1280x128xf32>
    %get3A_77 = arith.constant 0 : index
    %get3A_78 = arith.constant 0 : index
    %get3A_79 = vector.load %arg7[%get3A_77, %get3A_78] : memref<1280x128xf32, #tpu.memory_space<vmem>>, vector<1280x128xf32>
    %get3A_80 = arith.constant 0 : index
    %get3A_81 = arith.constant 0 : index
    %get3A_82 = vector.load %arg8[%get3A_80, %get3A_81] : memref<1280x128xf32, #tpu.memory_space<vmem>>, vector<1280x128xf32>
    %dot_general3A_83 = arith.constant dense<0.000000e+00> : vector<1280x128xf32>
    %dot_general3A_84 = tpu.matmul %get3A_73, %slice3A, %dot_general3A_83 {dimension_numbers = #tpu.dot_dimension_numbers<[1], [1], [0], [0], [0, 0, 1, 0], [], []>, transpose_lhs_hint = false} : vector<1280x128xf32>, vector<128x128xf32>, vector<1280x128xf32> -> vector<1280x128xf32>
    %add3A_85 = vector.broadcast %get3A_5 : vector<1x128xf32> to vector<1280x128xf32>
    %add3A_86 = arith.addf %dot_general3A_84, %add3A_85 : vector<1280x128xf32>
    %dot_general3A_87 = arith.constant dense<0.000000e+00> : vector<1280x128xf32>
    %dot_general3A_88 = tpu.matmul %get3A_73, %slice3A_2, %dot_general3A_87 {dimension_numbers = #tpu.dot_dimension_numbers<[1], [1], [0], [0], [0, 0, 1, 0], [], []>, transpose_lhs_hint = false} : vector<1280x128xf32>, vector<128x128xf32>, vector<1280x128xf32> -> vector<1280x128xf32>
    %add3A_89 = arith.addf %add3A_86, %dot_general3A_88 : vector<1280x128xf32>
    %tanh3A_90 = math.tanh %add3A_89 : vector<1280x128xf32>
    %dot_general3A_91 = arith.constant dense<0.000000e+00> : vector<1280x1xf32>
    %dot_general3A_92 = tpu.matmul %tanh3A_90, %get3A_8, %dot_general3A_91 {dimension_numbers = #tpu.dot_dimension_numbers<[1], [1], [0], [0], [0, 0, 1, 0], [], []>, transpose_lhs_hint = false} : vector<1280x128xf32>, vector<1x128xf32>, vector<1280x1xf32> -> vector<1280x1xf32>
    %dot_general3A_93 = arith.constant dense<0.000000e+00> : vector<1280x128xf32>
    %dot_general3A_94 = tpu.matmul %get3A_76, %slice3A_2, %dot_general3A_93 {dimension_numbers = #tpu.dot_dimension_numbers<[1], [1], [0], [0], [0, 0, 1, 0], [], []>, transpose_lhs_hint = false} : vector<1280x128xf32>, vector<128x128xf32>, vector<1280x128xf32> -> vector<1280x128xf32>
    %add3A_95 = arith.addf %add3A_86, %dot_general3A_94 : vector<1280x128xf32>
    %tanh3A_96 = math.tanh %add3A_95 : vector<1280x128xf32>
    %dot_general3A_97 = arith.constant dense<0.000000e+00> : vector<1280x1xf32>
    %dot_general3A_98 = tpu.matmul %tanh3A_96, %get3A_8, %dot_general3A_97 {dimension_numbers = #tpu.dot_dimension_numbers<[1], [1], [0], [0], [0, 0, 1, 0], [], []>, transpose_lhs_hint = false} : vector<1280x128xf32>, vector<1x128xf32>, vector<1280x1xf32> -> vector<1280x1xf32>
    %dot_general3A_99 = arith.constant dense<0.000000e+00> : vector<1280x128xf32>
    %dot_general3A_100 = tpu.matmul %get3A_79, %slice3A_2, %dot_general3A_99 {dimension_numbers = #tpu.dot_dimension_numbers<[1], [1], [0], [0], [0, 0, 1, 0], [], []>, transpose_lhs_hint = false} : vector<1280x128xf32>, vector<128x128xf32>, vector<1280x128xf32> -> vector<1280x128xf32>
    %add3A_101 = arith.addf %add3A_86, %dot_general3A_100 : vector<1280x128xf32>
    %tanh3A_102 = math.tanh %add3A_101 : vector<1280x128xf32>
    %dot_general3A_103 = arith.constant dense<0.000000e+00> : vector<1280x1xf32>
    %dot_general3A_104 = tpu.matmul %tanh3A_102, %get3A_8, %dot_general3A_103 {dimension_numbers = #tpu.dot_dimension_numbers<[1], [1], [0], [0], [0, 0, 1, 0], [], []>, transpose_lhs_hint = false} : vector<1280x128xf32>, vector<1x128xf32>, vector<1280x1xf32> -> vector<1280x1xf32>
    %dot_general3A_105 = arith.constant dense<0.000000e+00> : vector<1280x128xf32>
    %dot_general3A_106 = tpu.matmul %get3A_82, %slice3A_2, %dot_general3A_105 {dimension_numbers = #tpu.dot_dimension_numbers<[1], [1], [0], [0], [0, 0, 1, 0], [], []>, transpose_lhs_hint = false} : vector<1280x128xf32>, vector<128x128xf32>, vector<1280x128xf32> -> vector<1280x128xf32>
    %add3A_107 = arith.addf %add3A_86, %dot_general3A_106 : vector<1280x128xf32>
    %tanh3A_108 = math.tanh %add3A_107 : vector<1280x128xf32>
    %dot_general3A_109 = arith.constant dense<0.000000e+00> : vector<1280x1xf32>
    %dot_general3A_110 = tpu.matmul %tanh3A_108, %get3A_8, %dot_general3A_109 {dimension_numbers = #tpu.dot_dimension_numbers<[1], [1], [0], [0], [0, 0, 1, 0], [], []>, transpose_lhs_hint = false} : vector<1280x128xf32>, vector<1x128xf32>, vector<1280x1xf32> -> vector<1280x1xf32>
    %max3A_111 = arith.maximumf %dot_general3A_98, %dot_general3A_104 : vector<1280x1xf32>
    %max3A_112 = arith.maximumf %dot_general3A_110, %dot_general3A_92 : vector<1280x1xf32>
    %max3A_113 = arith.maximumf %max3A_111, %max3A_112 : vector<1280x1xf32>
    %sub3A_114 = arith.subf %dot_general3A_92, %max3A_113 : vector<1280x1xf32>
    %exp3A_115 = math.exp %sub3A_114 : vector<1280x1xf32>
    %mul3A_116 = vector.broadcast %exp3A_115 : vector<1280x1xf32> to vector<1280x128xf32>
    %mul3A_117 = arith.mulf %mul3A_116, %get3A_73 : vector<1280x128xf32>
    %sub3A_118 = arith.subf %dot_general3A_98, %max3A_113 : vector<1280x1xf32>
    %exp3A_119 = math.exp %sub3A_118 : vector<1280x1xf32>
    %mul3A_120 = vector.broadcast %exp3A_119 : vector<1280x1xf32> to vector<1280x128xf32>
    %mul3A_121 = arith.mulf %mul3A_120, %get3A_76 : vector<1280x128xf32>
    %add3A_122 = arith.addf %mul3A_117, %mul3A_121 : vector<1280x128xf32>
    %add3A_123 = arith.addf %exp3A_115, %exp3A_119 : vector<1280x1xf32>
    %sub3A_124 = arith.subf %dot_general3A_104, %max3A_113 : vector<1280x1xf32>
    %exp3A_125 = math.exp %sub3A_124 : vector<1280x1xf32>
    %mul3A_126 = vector.broadcast %exp3A_125 : vector<1280x1xf32> to vector<1280x128xf32>
    %mul3A_127 = arith.mulf %mul3A_126, %get3A_79 : vector<1280x128xf32>
    %add3A_128 = arith.addf %add3A_122, %mul3A_127 : vector<1280x128xf32>
    %add3A_129 = arith.addf %add3A_123, %exp3A_125 : vector<1280x1xf32>
    %sub3A_130 = arith.subf %dot_general3A_110, %max3A_113 : vector<1280x1xf32>
    %exp3A_131 = math.exp %sub3A_130 : vector<1280x1xf32>
    %mul3A_132 = vector.broadcast %exp3A_131 : vector<1280x1xf32> to vector<1280x128xf32>
    %mul3A_133 = arith.mulf %mul3A_132, %get3A_82 : vector<1280x128xf32>
    %add3A_134 = arith.addf %add3A_128, %mul3A_133 : vector<1280x128xf32>
    %add3A_135 = arith.addf %add3A_129, %exp3A_131 : vector<1280x1xf32>
    %div3A_136 = vector.broadcast %add3A_135 : vector<1280x1xf32> to vector<1280x128xf32>
    %div3A_137 = arith.divf %add3A_134, %div3A_136 : vector<1280x128xf32>
    %reshape3A_138 = vector.shape_cast %div3A_137 : vector<1280x128xf32> to vector<160x8x128xf32>
    %reduce_sum3A_139 = arith.constant dense<0.000000e+00> : vector<160x128xf32>
    %reduce_sum3A_140 = vector.multi_reduction <add>, %reshape3A_138, %reduce_sum3A_139 [1] : vector<160x8x128xf32> to vector<160x128xf32>
    %swap3A_141 = arith.constant 0 : index
    %swap3A_142 = arith.constant 0 : index
    %swap3A_143 = vector.load %arg14[%swap3A_141, %swap3A_142] : memref<160x128xf32, #tpu.memory_space<vmem>>, vector<160x128xf32>
    tpu.vector_store %arg14[%swap3A_141, %swap3A_142], %reduce_sum3A_140 {strides = array<i32>} : memref<160x128xf32, #tpu.memory_space<vmem>>, vector<160x128xf32>,
    %get3A_144 = arith.constant 0 : index
    %get3A_145 = arith.constant 0 : index
    %get3A_146 = vector.load %arg9[%get3A_144, %get3A_145] : memref<1280x128xf32, #tpu.memory_space<vmem>>, vector<1280x128xf32>
    %reshape3A_147 = vector.shape_cast %get3A_146 : vector<1280x128xf32> to vector<160x8x128xf32>
    %reduce_sum3A_148 = arith.constant dense<0.000000e+00> : vector<160x128xf32>
    %reduce_sum3A_149 = vector.multi_reduction <add>, %reshape3A_147, %reduce_sum3A_148 [1] : vector<160x8x128xf32> to vector<160x128xf32>
    %swap3A_150 = arith.constant 0 : index
    %swap3A_151 = arith.constant 0 : index
    %swap3A_152 = vector.load %arg15[%swap3A_150, %swap3A_151] : memref<160x128xf32, #tpu.memory_space<vmem>>, vector<160x128xf32>
    tpu.vector_store %arg15[%swap3A_150, %swap3A_151], %reduce_sum3A_149 {strides = array<i32>} : memref<160x128xf32, #tpu.memory_space<vmem>>, vector<160x128xf32>,
    return
  }
  func.func @transform_0(%arg0: i32) -> (i32, i32) {
    %c0_i32 = arith.constant 0 : i32
    %c0_i32_0 = arith.constant 0 : i32
    return %arg0, %c0_i32 : i32, i32
  }
  func.func @transform_1(%arg0: i32) -> (i32, i32) {
    %add3A = arith.constant 4 : i32
    %add3A_0 = arith.addi %add3A, %arg0 : i32
    %c0_i32 = arith.constant 0 : i32
    %c0_i32_1 = arith.constant 0 : i32
    return %add3A_0, %c0_i32 : i32, i32
  }
  func.func @transform_2(%arg0: i32) -> (i32, i32) {
    %add3A = arith.constant 8 : i32
    %add3A_0 = arith.addi %add3A, %arg0 : i32
    %c0_i32 = arith.constant 0 : i32
    %c0_i32_1 = arith.constant 0 : i32
    return %add3A_0, %c0_i32 : i32, i32
  }
  func.func @transform_3(%arg0: i32) -> (i32, i32) {
    %add3A = arith.constant 12 : i32
    %add3A_0 = arith.addi %add3A, %arg0 : i32
    %c0_i32 = arith.constant 0 : i32
    %c0_i32_1 = arith.constant 0 : i32
    return %add3A_0, %c0_i32 : i32, i32
  }
  func.func @transform_4(%arg0: i32) -> (i32, i32) {
    %add3A = arith.constant 16 : i32
    %add3A_0 = arith.addi %add3A, %arg0 : i32
    %c0_i32 = arith.constant 0 : i32
    %c0_i32_1 = arith.constant 0 : i32
    return %add3A_0, %c0_i32 : i32, i32
  }
  func.func @transform_5(%arg0: i32) -> (i32, i32) {
    %add3A = arith.constant 20 : i32
    %add3A_0 = arith.addi %add3A, %arg0 : i32
    %c0_i32 = arith.constant 0 : i32
    %c0_i32_1 = arith.constant 0 : i32
    return %add3A_0, %c0_i32 : i32, i32
  }
  func.func @transform_6(%arg0: i32) -> (i32, i32) {
    %add3A = arith.constant 24 : i32
    %add3A_0 = arith.addi %add3A, %arg0 : i32
    %c0_i32 = arith.constant 0 : i32
    %c0_i32_1 = arith.constant 0 : i32
    return %add3A_0, %c0_i32 : i32, i32
  }
  func.func @transform_7(%arg0: i32) -> (i32, i32) {
    %add3A = arith.constant 28 : i32
    %add3A_0 = arith.addi %add3A, %arg0 : i32
    %c0_i32 = arith.constant 0 : i32
    %c0_i32_1 = arith.constant 0 : i32
    return %add3A_0, %c0_i32 : i32, i32
  }
  func.func @transform_8(%arg0: i32) -> (i32, i32) {
    %add3A = arith.constant 32 : i32
    %add3A_0 = arith.addi %add3A, %arg0 : i32
    %c0_i32 = arith.constant 0 : i32
    %c0_i32_1 = arith.constant 0 : i32
    return %add3A_0, %c0_i32 : i32, i32
  }
  func.func @transform_9(%arg0: i32) -> (i32, i32) {
    %c0_i32 = arith.constant 0 : i32
    %c0_i32_0 = arith.constant 0 : i32
    %c0_i32_1 = arith.constant 0 : i32
    return %c0_i32, %c0_i32_0 : i32, i32
  }
  func.func @transform_10(%arg0: i32) -> (i32, i32) {
    %c0_i32 = arith.constant 0 : i32
    %c0_i32_0 = arith.constant 0 : i32
    %c0_i32_1 = arith.constant 0 : i32
    return %c0_i32, %c0_i32_0 : i32, i32
  }
  func.func @transform_11(%arg0: i32) -> (i32, i32) {
    %c0_i32 = arith.constant 0 : i32
    %c0_i32_0 = arith.constant 0 : i32
    %c0_i32_1 = arith.constant 0 : i32
    return %c0_i32, %c0_i32_0 : i32, i32
  }
  func.func @transform_12(%arg0: i32) -> (i32, i32) {
    %c0_i32 = arith.constant 0 : i32
    %c0_i32_0 = arith.constant 0 : i32
    return %arg0, %c0_i32 : i32, i32
  }
  func.func @transform_13(%arg0: i32) -> (i32, i32) {
    %c0_i32 = arith.constant 0 : i32
    %c0_i32_0 = arith.constant 0 : i32
    return %arg0, %c0_i32 : i32, i32
  }
  func.func @transform_14(%arg0: i32) -> (i32, i32) {
    %c0_i32 = arith.constant 0 : i32
    %c0_i32_0 = arith.constant 0 : i32
    return %arg0, %c0_i32 : i32, i32
  }
}

module attributes {stable_mosaic.version = 14 : i64} {
  func.func @_seq_body(%arg0: i32, %arg1: memref<640x128xf32, #tpu.memory_space<vmem>>, %arg2: memref<640x128xf32, #tpu.memory_space<vmem>>, %arg3: memref<640x128xf32, #tpu.memory_space<vmem>>, %arg4: memref<3072x128xf32, #tpu.memory_space<vmem>>, %arg5: memref<384x128xf32, #tpu.memory_space<vmem>>, %arg6: memref<384x128xf32, #tpu.memory_space<vmem>>, %arg7: memref<1x384xf32, #tpu.memory_space<vmem>>, %arg8: memref<1x384xf32, #tpu.memory_space<vmem>>, %arg9: memref<384x128xf32, #tpu.memory_space<vmem>>, %arg10: memref<384x128xf32, #tpu.memory_space<vmem>>, %arg11: memref<1x384xf32, #tpu.memory_space<vmem>>, %arg12: memref<1x384xf32, #tpu.memory_space<vmem>>, %arg13: memref<384x128xf32, #tpu.memory_space<vmem>>, %arg14: memref<384x128xf32, #tpu.memory_space<vmem>>, %arg15: memref<1x384xf32, #tpu.memory_space<vmem>>, %arg16: memref<1x384xf32, #tpu.memory_space<vmem>>, %arg17: memref<128x128xf32, #tpu.memory_space<vmem>>, %arg18: memref<128x128xf32, #tpu.memory_space<vmem>>, %arg19: memref<128x640xf32, #tpu.memory_space<vmem>>, %arg20: memref<1x128xf32, #tpu.memory_space<vmem>>, %arg21: memref<64x128xf32, #tpu.memory_space<vmem>>) attributes {dimension_semantics = [#tpu.dimension_semantics<arbitrary>], iteration_bounds = array<i64: 1>, scalar_prefetch = 0 : i64, scratch_operands = 0 : i64, tpu.core_type = #tpu.core_type<tc>, window_params = [{pipeline_mode = #tpu.pipeline_mode<synchronous>, transform_indices = @transform_0, window_bounds = array<i64: 640, 128>}, {pipeline_mode = #tpu.pipeline_mode<synchronous>, transform_indices = @transform_1, window_bounds = array<i64: 640, 128>}, {pipeline_mode = #tpu.pipeline_mode<synchronous>, transform_indices = @transform_2, window_bounds = array<i64: 640, 128>}, {transform_indices = @transform_3, window_bounds = array<i64: 3072, 128>}, {pipeline_mode = #tpu.pipeline_mode<synchronous>, transform_indices = @transform_4, window_bounds = array<i64: 384, 128>}, {pipeline_mode = #tpu.pipeline_mode<synchronous>, transform_indices = @transform_5, window_bounds = array<i64: 384, 128>}, {pipeline_mode = #tpu.pipeline_mode<synchronous>, transform_indices = @transform_6, window_bounds = array<i64: 1, 384>}, {pipeline_mode = #tpu.pipeline_mode<synchronous>, transform_indices = @transform_7, window_bounds = array<i64: 1, 384>}, {pipeline_mode = #tpu.pipeline_mode<synchronous>, transform_indices = @transform_8, window_bounds = array<i64: 384, 128>}, {pipeline_mode = #tpu.pipeline_mode<synchronous>, transform_indices = @transform_9, window_bounds = array<i64: 384, 128>}, {pipeline_mode = #tpu.pipeline_mode<synchronous>, transform_indices = @transform_10, window_bounds = array<i64: 1, 384>}, {pipeline_mode = #tpu.pipeline_mode<synchronous>, transform_indices = @transform_11, window_bounds = array<i64: 1, 384>}, {pipeline_mode = #tpu.pipeline_mode<synchronous>, transform_indices = @transform_12, window_bounds = array<i64: 384, 128>}, {pipeline_mode = #tpu.pipeline_mode<synchronous>, transform_indices = @transform_13, window_bounds = array<i64: 384, 128>}, {pipeline_mode = #tpu.pipeline_mode<synchronous>, transform_indices = @transform_14, window_bounds = array<i64: 1, 384>}, {pipeline_mode = #tpu.pipeline_mode<synchronous>, transform_indices = @transform_15, window_bounds = array<i64: 1, 384>}, {pipeline_mode = #tpu.pipeline_mode<synchronous>, transform_indices = @transform_16, window_bounds = array<i64: 128, 128>}, {pipeline_mode = #tpu.pipeline_mode<synchronous>, transform_indices = @transform_17, window_bounds = array<i64: 128, 128>}, {pipeline_mode = #tpu.pipeline_mode<synchronous>, transform_indices = @transform_18, window_bounds = array<i64: 128, 640>}, {pipeline_mode = #tpu.pipeline_mode<synchronous>, transform_indices = @transform_19, window_bounds = array<i64: 1, 128>}, {pipeline_mode = #tpu.pipeline_mode<synchronous>, transform_indices = @transform_20, window_bounds = array<i64: 64, 128>}]} {
    %get3A = arith.constant 0 : index
    %get3A_0 = arith.constant 0 : index
    %get3A_1 = vector.load %arg1[%get3A, %get3A_0] : memref<640x128xf32, #tpu.memory_space<vmem>>, vector<640x128xf32>
    %get3A_2 = arith.constant 0 : index
    %get3A_3 = arith.constant 0 : index
    %get3A_4 = vector.load %arg5[%get3A_2, %get3A_3] : memref<384x128xf32, #tpu.memory_space<vmem>>, vector<384x128xf32>
    %get3A_5 = arith.constant 0 : index
    %get3A_6 = arith.constant 0 : index
    %get3A_7 = vector.load %arg6[%get3A_5, %get3A_6] : memref<384x128xf32, #tpu.memory_space<vmem>>, vector<384x128xf32>
    %dot_general3A = arith.constant dense<0.000000e+00> : vector<640x384xf32>
    %dot_general3A_8 = tpu.matmul %get3A_1, %get3A_4, %dot_general3A {dimension_numbers = #tpu.dot_dimension_numbers<[1], [1], [0], [0], [0, 0, 1, 0], [], []>, transpose_lhs_hint = false} : vector<640x128xf32>, vector<384x128xf32>, vector<640x384xf32> -> vector<640x384xf32>
    %get3A_9 = arith.constant 0 : index
    %get3A_10 = arith.constant 0 : index
    %get3A_11 = vector.load %arg7[%get3A_9, %get3A_10] : memref<1x384xf32, #tpu.memory_space<vmem>>, vector<1x384xf32>
    %add3A = vector.broadcast %get3A_11 : vector<1x384xf32> to vector<640x384xf32>
    %add3A_12 = arith.addf %dot_general3A_8, %add3A : vector<640x384xf32>
    %broadcast_in_dim3A = arith.constant 0.000000e+00 : f32
    %broadcast_in_dim3A_13 = vector.broadcast %broadcast_in_dim3A : f32 to vector<64x128xf32>
    %get3A_14 = arith.constant 0 : index
    %get3A_15 = arith.constant 0 : index
    %get3A_16 = vector.load %arg8[%get3A_14, %get3A_15] : memref<1x384xf32, #tpu.memory_space<vmem>>, vector<1x384xf32>
    %slice3A = vector.extract_strided_slice %add3A_12 {offsets = [0, 0], sizes = [64, 384], strides = [1, 1]} : vector<640x384xf32> to vector<64x384xf32>
    %dot_general3A_17 = arith.constant dense<0.000000e+00> : vector<64x384xf32>
    %dot_general3A_18 = tpu.matmul %broadcast_in_dim3A_13, %get3A_7, %dot_general3A_17 {dimension_numbers = #tpu.dot_dimension_numbers<[1], [1], [0], [0], [0, 0, 1, 0], [], []>, transpose_lhs_hint = false} : vector<64x128xf32>, vector<384x128xf32>, vector<64x384xf32> -> vector<64x384xf32>
    %add3A_19 = vector.broadcast %get3A_16 : vector<1x384xf32> to vector<64x384xf32>
    %add3A_20 = arith.addf %dot_general3A_18, %add3A_19 : vector<64x384xf32>
    %slice3A_21 = vector.extract_strided_slice %slice3A {offsets = [0, 0], sizes = [64, 128], strides = [1, 1]} : vector<64x384xf32> to vector<64x128xf32>
    %slice3A_22 = vector.extract_strided_slice %add3A_20 {offsets = [0, 0], sizes = [64, 128], strides = [1, 1]} : vector<64x384xf32> to vector<64x128xf32>
    %add3A_23 = arith.addf %slice3A_21, %slice3A_22 : vector<64x128xf32>
    %logistic3A = arith.negf %add3A_23 : vector<64x128xf32>
    %logistic3A_24 = math.exp %logistic3A : vector<64x128xf32>
    %logistic3A_25 = arith.constant 1.000000e+00 : f32
    %logistic3A_26 = vector.broadcast %logistic3A_25 : f32 to vector<64x128xf32>
    %logistic3A_27 = arith.addf %logistic3A_26, %logistic3A_24 : vector<64x128xf32>
    %logistic3A_28 = arith.divf %logistic3A_26, %logistic3A_27 : vector<64x128xf32>
    %slice3A_29 = vector.extract_strided_slice %slice3A {offsets = [0, 128], sizes = [64, 128], strides = [1, 1]} : vector<64x384xf32> to vector<64x128xf32>
    %slice3A_30 = vector.extract_strided_slice %add3A_20 {offsets = [0, 128], sizes = [64, 128], strides = [1, 1]} : vector<64x384xf32> to vector<64x128xf32>
    %add3A_31 = arith.addf %slice3A_29, %slice3A_30 : vector<64x128xf32>
    %logistic3A_32 = arith.negf %add3A_31 : vector<64x128xf32>
    %logistic3A_33 = math.exp %logistic3A_32 : vector<64x128xf32>
    %logistic3A_34 = arith.constant 1.000000e+00 : f32
    %logistic3A_35 = vector.broadcast %logistic3A_34 : f32 to vector<64x128xf32>
    %logistic3A_36 = arith.addf %logistic3A_35, %logistic3A_33 : vector<64x128xf32>
    %logistic3A_37 = arith.divf %logistic3A_35, %logistic3A_36 : vector<64x128xf32>
    %slice3A_38 = vector.extract_strided_slice %slice3A {offsets = [0, 256], sizes = [64, 128], strides = [1, 1]} : vector<64x384xf32> to vector<64x128xf32>
    %slice3A_39 = vector.extract_strided_slice %add3A_20 {offsets = [0, 256], sizes = [64, 128], strides = [1, 1]} : vector<64x384xf32> to vector<64x128xf32>
    %mul3A = arith.mulf %logistic3A_28, %slice3A_39 : vector<64x128xf32>
    %add3A_40 = arith.addf %slice3A_38, %mul3A : vector<64x128xf32>
    %tanh3A = math.tanh %add3A_40 : vector<64x128xf32>
    %sub3A = arith.constant 1.000000e+00 : f32
    %sub3A_41 = vector.broadcast %sub3A : f32 to vector<64x128xf32>
    %sub3A_42 = arith.subf %sub3A_41, %logistic3A_37 : vector<64x128xf32>
    %mul3A_43 = arith.mulf %sub3A_42, %tanh3A : vector<64x128xf32>
    %mul3A_44 = arith.mulf %logistic3A_37, %broadcast_in_dim3A_13 : vector<64x128xf32>
    %add3A_45 = arith.addf %mul3A_43, %mul3A_44 : vector<64x128xf32>
    %slice3A_46 = vector.extract_strided_slice %add3A_12 {offsets = [64, 0], sizes = [64, 384], strides = [1, 1]} : vector<640x384xf32> to vector<64x384xf32>
    %dot_general3A_47 = arith.constant dense<0.000000e+00> : vector<64x384xf32>
    %dot_general3A_48 = tpu.matmul %add3A_45, %get3A_7, %dot_general3A_47 {dimension_numbers = #tpu.dot_dimension_numbers<[1], [1], [0], [0], [0, 0, 1, 0], [], []>, transpose_lhs_hint = false} : vector<64x128xf32>, vector<384x128xf32>, vector<64x384xf32> -> vector<64x384xf32>
    %add3A_49 = vector.broadcast %get3A_16 : vector<1x384xf32> to vector<64x384xf32>
    %add3A_50 = arith.addf %dot_general3A_48, %add3A_49 : vector<64x384xf32>
    %slice3A_51 = vector.extract_strided_slice %slice3A_46 {offsets = [0, 0], sizes = [64, 128], strides = [1, 1]} : vector<64x384xf32> to vector<64x128xf32>
    %slice3A_52 = vector.extract_strided_slice %add3A_50 {offsets = [0, 0], sizes = [64, 128], strides = [1, 1]} : vector<64x384xf32> to vector<64x128xf32>
    %add3A_53 = arith.addf %slice3A_51, %slice3A_52 : vector<64x128xf32>
    %logistic3A_54 = arith.negf %add3A_53 : vector<64x128xf32>
    %logistic3A_55 = math.exp %logistic3A_54 : vector<64x128xf32>
    %logistic3A_56 = arith.constant 1.000000e+00 : f32
    %logistic3A_57 = vector.broadcast %logistic3A_56 : f32 to vector<64x128xf32>
    %logistic3A_58 = arith.addf %logistic3A_57, %logistic3A_55 : vector<64x128xf32>
    %logistic3A_59 = arith.divf %logistic3A_57, %logistic3A_58 : vector<64x128xf32>
    %slice3A_60 = vector.extract_strided_slice %slice3A_46 {offsets = [0, 128], sizes = [64, 128], strides = [1, 1]} : vector<64x384xf32> to vector<64x128xf32>
    %slice3A_61 = vector.extract_strided_slice %add3A_50 {offsets = [0, 128], sizes = [64, 128], strides = [1, 1]} : vector<64x384xf32> to vector<64x128xf32>
    %add3A_62 = arith.addf %slice3A_60, %slice3A_61 : vector<64x128xf32>
    %logistic3A_63 = arith.negf %add3A_62 : vector<64x128xf32>
    %logistic3A_64 = math.exp %logistic3A_63 : vector<64x128xf32>
    %logistic3A_65 = arith.constant 1.000000e+00 : f32
    %logistic3A_66 = vector.broadcast %logistic3A_65 : f32 to vector<64x128xf32>
    %logistic3A_67 = arith.addf %logistic3A_66, %logistic3A_64 : vector<64x128xf32>
    %logistic3A_68 = arith.divf %logistic3A_66, %logistic3A_67 : vector<64x128xf32>
    %slice3A_69 = vector.extract_strided_slice %slice3A_46 {offsets = [0, 256], sizes = [64, 128], strides = [1, 1]} : vector<64x384xf32> to vector<64x128xf32>
    %slice3A_70 = vector.extract_strided_slice %add3A_50 {offsets = [0, 256], sizes = [64, 128], strides = [1, 1]} : vector<64x384xf32> to vector<64x128xf32>
    %mul3A_71 = arith.mulf %logistic3A_59, %slice3A_70 : vector<64x128xf32>
    %add3A_72 = arith.addf %slice3A_69, %mul3A_71 : vector<64x128xf32>
    %tanh3A_73 = math.tanh %add3A_72 : vector<64x128xf32>
    %sub3A_74 = arith.constant 1.000000e+00 : f32
    %sub3A_75 = vector.broadcast %sub3A_74 : f32 to vector<64x128xf32>
    %sub3A_76 = arith.subf %sub3A_75, %logistic3A_68 : vector<64x128xf32>
    %mul3A_77 = arith.mulf %sub3A_76, %tanh3A_73 : vector<64x128xf32>
    %mul3A_78 = arith.mulf %logistic3A_68, %add3A_45 : vector<64x128xf32>
    %add3A_79 = arith.addf %mul3A_77, %mul3A_78 : vector<64x128xf32>
    %slice3A_80 = vector.extract_strided_slice %add3A_12 {offsets = [128, 0], sizes = [64, 384], strides = [1, 1]} : vector<640x384xf32> to vector<64x384xf32>
    %dot_general3A_81 = arith.constant dense<0.000000e+00> : vector<64x384xf32>
    %dot_general3A_82 = tpu.matmul %add3A_79, %get3A_7, %dot_general3A_81 {dimension_numbers = #tpu.dot_dimension_numbers<[1], [1], [0], [0], [0, 0, 1, 0], [], []>, transpose_lhs_hint = false} : vector<64x128xf32>, vector<384x128xf32>, vector<64x384xf32> -> vector<64x384xf32>
    %add3A_83 = vector.broadcast %get3A_16 : vector<1x384xf32> to vector<64x384xf32>
    %add3A_84 = arith.addf %dot_general3A_82, %add3A_83 : vector<64x384xf32>
    %slice3A_85 = vector.extract_strided_slice %slice3A_80 {offsets = [0, 0], sizes = [64, 128], strides = [1, 1]} : vector<64x384xf32> to vector<64x128xf32>
    %slice3A_86 = vector.extract_strided_slice %add3A_84 {offsets = [0, 0], sizes = [64, 128], strides = [1, 1]} : vector<64x384xf32> to vector<64x128xf32>
    %add3A_87 = arith.addf %slice3A_85, %slice3A_86 : vector<64x128xf32>
    %logistic3A_88 = arith.negf %add3A_87 : vector<64x128xf32>
    %logistic3A_89 = math.exp %logistic3A_88 : vector<64x128xf32>
    %logistic3A_90 = arith.constant 1.000000e+00 : f32
    %logistic3A_91 = vector.broadcast %logistic3A_90 : f32 to vector<64x128xf32>
    %logistic3A_92 = arith.addf %logistic3A_91, %logistic3A_89 : vector<64x128xf32>
    %logistic3A_93 = arith.divf %logistic3A_91, %logistic3A_92 : vector<64x128xf32>
    %slice3A_94 = vector.extract_strided_slice %slice3A_80 {offsets = [0, 128], sizes = [64, 128], strides = [1, 1]} : vector<64x384xf32> to vector<64x128xf32>
    %slice3A_95 = vector.extract_strided_slice %add3A_84 {offsets = [0, 128], sizes = [64, 128], strides = [1, 1]} : vector<64x384xf32> to vector<64x128xf32>
    %add3A_96 = arith.addf %slice3A_94, %slice3A_95 : vector<64x128xf32>
    %logistic3A_97 = arith.negf %add3A_96 : vector<64x128xf32>
    %logistic3A_98 = math.exp %logistic3A_97 : vector<64x128xf32>
    %logistic3A_99 = arith.constant 1.000000e+00 : f32
    %logistic3A_100 = vector.broadcast %logistic3A_99 : f32 to vector<64x128xf32>
    %logistic3A_101 = arith.addf %logistic3A_100, %logistic3A_98 : vector<64x128xf32>
    %logistic3A_102 = arith.divf %logistic3A_100, %logistic3A_101 : vector<64x128xf32>
    %slice3A_103 = vector.extract_strided_slice %slice3A_80 {offsets = [0, 256], sizes = [64, 128], strides = [1, 1]} : vector<64x384xf32> to vector<64x128xf32>
    %slice3A_104 = vector.extract_strided_slice %add3A_84 {offsets = [0, 256], sizes = [64, 128], strides = [1, 1]} : vector<64x384xf32> to vector<64x128xf32>
    %mul3A_105 = arith.mulf %logistic3A_93, %slice3A_104 : vector<64x128xf32>
    %add3A_106 = arith.addf %slice3A_103, %mul3A_105 : vector<64x128xf32>
    %tanh3A_107 = math.tanh %add3A_106 : vector<64x128xf32>
    %sub3A_108 = arith.constant 1.000000e+00 : f32
    %sub3A_109 = vector.broadcast %sub3A_108 : f32 to vector<64x128xf32>
    %sub3A_110 = arith.subf %sub3A_109, %logistic3A_102 : vector<64x128xf32>
    %mul3A_111 = arith.mulf %sub3A_110, %tanh3A_107 : vector<64x128xf32>
    %mul3A_112 = arith.mulf %logistic3A_102, %add3A_79 : vector<64x128xf32>
    %add3A_113 = arith.addf %mul3A_111, %mul3A_112 : vector<64x128xf32>
    %slice3A_114 = vector.extract_strided_slice %add3A_12 {offsets = [192, 0], sizes = [64, 384], strides = [1, 1]} : vector<640x384xf32> to vector<64x384xf32>
    %dot_general3A_115 = arith.constant dense<0.000000e+00> : vector<64x384xf32>
    %dot_general3A_116 = tpu.matmul %add3A_113, %get3A_7, %dot_general3A_115 {dimension_numbers = #tpu.dot_dimension_numbers<[1], [1], [0], [0], [0, 0, 1, 0], [], []>, transpose_lhs_hint = false} : vector<64x128xf32>, vector<384x128xf32>, vector<64x384xf32> -> vector<64x384xf32>
    %add3A_117 = vector.broadcast %get3A_16 : vector<1x384xf32> to vector<64x384xf32>
    %add3A_118 = arith.addf %dot_general3A_116, %add3A_117 : vector<64x384xf32>
    %slice3A_119 = vector.extract_strided_slice %slice3A_114 {offsets = [0, 0], sizes = [64, 128], strides = [1, 1]} : vector<64x384xf32> to vector<64x128xf32>
    %slice3A_120 = vector.extract_strided_slice %add3A_118 {offsets = [0, 0], sizes = [64, 128], strides = [1, 1]} : vector<64x384xf32> to vector<64x128xf32>
    %add3A_121 = arith.addf %slice3A_119, %slice3A_120 : vector<64x128xf32>
    %logistic3A_122 = arith.negf %add3A_121 : vector<64x128xf32>
    %logistic3A_123 = math.exp %logistic3A_122 : vector<64x128xf32>
    %logistic3A_124 = arith.constant 1.000000e+00 : f32
    %logistic3A_125 = vector.broadcast %logistic3A_124 : f32 to vector<64x128xf32>
    %logistic3A_126 = arith.addf %logistic3A_125, %logistic3A_123 : vector<64x128xf32>
    %logistic3A_127 = arith.divf %logistic3A_125, %logistic3A_126 : vector<64x128xf32>
    %slice3A_128 = vector.extract_strided_slice %slice3A_114 {offsets = [0, 128], sizes = [64, 128], strides = [1, 1]} : vector<64x384xf32> to vector<64x128xf32>
    %slice3A_129 = vector.extract_strided_slice %add3A_118 {offsets = [0, 128], sizes = [64, 128], strides = [1, 1]} : vector<64x384xf32> to vector<64x128xf32>
    %add3A_130 = arith.addf %slice3A_128, %slice3A_129 : vector<64x128xf32>
    %logistic3A_131 = arith.negf %add3A_130 : vector<64x128xf32>
    %logistic3A_132 = math.exp %logistic3A_131 : vector<64x128xf32>
    %logistic3A_133 = arith.constant 1.000000e+00 : f32
    %logistic3A_134 = vector.broadcast %logistic3A_133 : f32 to vector<64x128xf32>
    %logistic3A_135 = arith.addf %logistic3A_134, %logistic3A_132 : vector<64x128xf32>
    %logistic3A_136 = arith.divf %logistic3A_134, %logistic3A_135 : vector<64x128xf32>
    %slice3A_137 = vector.extract_strided_slice %slice3A_114 {offsets = [0, 256], sizes = [64, 128], strides = [1, 1]} : vector<64x384xf32> to vector<64x128xf32>
    %slice3A_138 = vector.extract_strided_slice %add3A_118 {offsets = [0, 256], sizes = [64, 128], strides = [1, 1]} : vector<64x384xf32> to vector<64x128xf32>
    %mul3A_139 = arith.mulf %logistic3A_127, %slice3A_138 : vector<64x128xf32>
    %add3A_140 = arith.addf %slice3A_137, %mul3A_139 : vector<64x128xf32>
    %tanh3A_141 = math.tanh %add3A_140 : vector<64x128xf32>
    %sub3A_142 = arith.constant 1.000000e+00 : f32
    %sub3A_143 = vector.broadcast %sub3A_142 : f32 to vector<64x128xf32>
    %sub3A_144 = arith.subf %sub3A_143, %logistic3A_136 : vector<64x128xf32>
    %mul3A_145 = arith.mulf %sub3A_144, %tanh3A_141 : vector<64x128xf32>
    %mul3A_146 = arith.mulf %logistic3A_136, %add3A_113 : vector<64x128xf32>
    %add3A_147 = arith.addf %mul3A_145, %mul3A_146 : vector<64x128xf32>
    %slice3A_148 = vector.extract_strided_slice %add3A_12 {offsets = [256, 0], sizes = [64, 384], strides = [1, 1]} : vector<640x384xf32> to vector<64x384xf32>
    %dot_general3A_149 = arith.constant dense<0.000000e+00> : vector<64x384xf32>
    %dot_general3A_150 = tpu.matmul %add3A_147, %get3A_7, %dot_general3A_149 {dimension_numbers = #tpu.dot_dimension_numbers<[1], [1], [0], [0], [0, 0, 1, 0], [], []>, transpose_lhs_hint = false} : vector<64x128xf32>, vector<384x128xf32>, vector<64x384xf32> -> vector<64x384xf32>
    %add3A_151 = vector.broadcast %get3A_16 : vector<1x384xf32> to vector<64x384xf32>
    %add3A_152 = arith.addf %dot_general3A_150, %add3A_151 : vector<64x384xf32>
    %slice3A_153 = vector.extract_strided_slice %slice3A_148 {offsets = [0, 0], sizes = [64, 128], strides = [1, 1]} : vector<64x384xf32> to vector<64x128xf32>
    %slice3A_154 = vector.extract_strided_slice %add3A_152 {offsets = [0, 0], sizes = [64, 128], strides = [1, 1]} : vector<64x384xf32> to vector<64x128xf32>
    %add3A_155 = arith.addf %slice3A_153, %slice3A_154 : vector<64x128xf32>
    %logistic3A_156 = arith.negf %add3A_155 : vector<64x128xf32>
    %logistic3A_157 = math.exp %logistic3A_156 : vector<64x128xf32>
    %logistic3A_158 = arith.constant 1.000000e+00 : f32
    %logistic3A_159 = vector.broadcast %logistic3A_158 : f32 to vector<64x128xf32>
    %logistic3A_160 = arith.addf %logistic3A_159, %logistic3A_157 : vector<64x128xf32>
    %logistic3A_161 = arith.divf %logistic3A_159, %logistic3A_160 : vector<64x128xf32>
    %slice3A_162 = vector.extract_strided_slice %slice3A_148 {offsets = [0, 128], sizes = [64, 128], strides = [1, 1]} : vector<64x384xf32> to vector<64x128xf32>
    %slice3A_163 = vector.extract_strided_slice %add3A_152 {offsets = [0, 128], sizes = [64, 128], strides = [1, 1]} : vector<64x384xf32> to vector<64x128xf32>
    %add3A_164 = arith.addf %slice3A_162, %slice3A_163 : vector<64x128xf32>
    %logistic3A_165 = arith.negf %add3A_164 : vector<64x128xf32>
    %logistic3A_166 = math.exp %logistic3A_165 : vector<64x128xf32>
    %logistic3A_167 = arith.constant 1.000000e+00 : f32
    %logistic3A_168 = vector.broadcast %logistic3A_167 : f32 to vector<64x128xf32>
    %logistic3A_169 = arith.addf %logistic3A_168, %logistic3A_166 : vector<64x128xf32>
    %logistic3A_170 = arith.divf %logistic3A_168, %logistic3A_169 : vector<64x128xf32>
    %slice3A_171 = vector.extract_strided_slice %slice3A_148 {offsets = [0, 256], sizes = [64, 128], strides = [1, 1]} : vector<64x384xf32> to vector<64x128xf32>
    %slice3A_172 = vector.extract_strided_slice %add3A_152 {offsets = [0, 256], sizes = [64, 128], strides = [1, 1]} : vector<64x384xf32> to vector<64x128xf32>
    %mul3A_173 = arith.mulf %logistic3A_161, %slice3A_172 : vector<64x128xf32>
    %add3A_174 = arith.addf %slice3A_171, %mul3A_173 : vector<64x128xf32>
    %tanh3A_175 = math.tanh %add3A_174 : vector<64x128xf32>
    %sub3A_176 = arith.constant 1.000000e+00 : f32
    %sub3A_177 = vector.broadcast %sub3A_176 : f32 to vector<64x128xf32>
    %sub3A_178 = arith.subf %sub3A_177, %logistic3A_170 : vector<64x128xf32>
    %mul3A_179 = arith.mulf %sub3A_178, %tanh3A_175 : vector<64x128xf32>
    %mul3A_180 = arith.mulf %logistic3A_170, %add3A_147 : vector<64x128xf32>
    %add3A_181 = arith.addf %mul3A_179, %mul3A_180 : vector<64x128xf32>
    %slice3A_182 = vector.extract_strided_slice %add3A_12 {offsets = [320, 0], sizes = [64, 384], strides = [1, 1]} : vector<640x384xf32> to vector<64x384xf32>
    %dot_general3A_183 = arith.constant dense<0.000000e+00> : vector<64x384xf32>
    %dot_general3A_184 = tpu.matmul %add3A_181, %get3A_7, %dot_general3A_183 {dimension_numbers = #tpu.dot_dimension_numbers<[1], [1], [0], [0], [0, 0, 1, 0], [], []>, transpose_lhs_hint = false} : vector<64x128xf32>, vector<384x128xf32>, vector<64x384xf32> -> vector<64x384xf32>
    %add3A_185 = vector.broadcast %get3A_16 : vector<1x384xf32> to vector<64x384xf32>
    %add3A_186 = arith.addf %dot_general3A_184, %add3A_185 : vector<64x384xf32>
    %slice3A_187 = vector.extract_strided_slice %slice3A_182 {offsets = [0, 0], sizes = [64, 128], strides = [1, 1]} : vector<64x384xf32> to vector<64x128xf32>
    %slice3A_188 = vector.extract_strided_slice %add3A_186 {offsets = [0, 0], sizes = [64, 128], strides = [1, 1]} : vector<64x384xf32> to vector<64x128xf32>
    %add3A_189 = arith.addf %slice3A_187, %slice3A_188 : vector<64x128xf32>
    %logistic3A_190 = arith.negf %add3A_189 : vector<64x128xf32>
    %logistic3A_191 = math.exp %logistic3A_190 : vector<64x128xf32>
    %logistic3A_192 = arith.constant 1.000000e+00 : f32
    %logistic3A_193 = vector.broadcast %logistic3A_192 : f32 to vector<64x128xf32>
    %logistic3A_194 = arith.addf %logistic3A_193, %logistic3A_191 : vector<64x128xf32>
    %logistic3A_195 = arith.divf %logistic3A_193, %logistic3A_194 : vector<64x128xf32>
    %slice3A_196 = vector.extract_strided_slice %slice3A_182 {offsets = [0, 128], sizes = [64, 128], strides = [1, 1]} : vector<64x384xf32> to vector<64x128xf32>
    %slice3A_197 = vector.extract_strided_slice %add3A_186 {offsets = [0, 128], sizes = [64, 128], strides = [1, 1]} : vector<64x384xf32> to vector<64x128xf32>
    %add3A_198 = arith.addf %slice3A_196, %slice3A_197 : vector<64x128xf32>
    %logistic3A_199 = arith.negf %add3A_198 : vector<64x128xf32>
    %logistic3A_200 = math.exp %logistic3A_199 : vector<64x128xf32>
    %logistic3A_201 = arith.constant 1.000000e+00 : f32
    %logistic3A_202 = vector.broadcast %logistic3A_201 : f32 to vector<64x128xf32>
    %logistic3A_203 = arith.addf %logistic3A_202, %logistic3A_200 : vector<64x128xf32>
    %logistic3A_204 = arith.divf %logistic3A_202, %logistic3A_203 : vector<64x128xf32>
    %slice3A_205 = vector.extract_strided_slice %slice3A_182 {offsets = [0, 256], sizes = [64, 128], strides = [1, 1]} : vector<64x384xf32> to vector<64x128xf32>
    %slice3A_206 = vector.extract_strided_slice %add3A_186 {offsets = [0, 256], sizes = [64, 128], strides = [1, 1]} : vector<64x384xf32> to vector<64x128xf32>
    %mul3A_207 = arith.mulf %logistic3A_195, %slice3A_206 : vector<64x128xf32>
    %add3A_208 = arith.addf %slice3A_205, %mul3A_207 : vector<64x128xf32>
    %tanh3A_209 = math.tanh %add3A_208 : vector<64x128xf32>
    %sub3A_210 = arith.constant 1.000000e+00 : f32
    %sub3A_211 = vector.broadcast %sub3A_210 : f32 to vector<64x128xf32>
    %sub3A_212 = arith.subf %sub3A_211, %logistic3A_204 : vector<64x128xf32>
    %mul3A_213 = arith.mulf %sub3A_212, %tanh3A_209 : vector<64x128xf32>
    %mul3A_214 = arith.mulf %logistic3A_204, %add3A_181 : vector<64x128xf32>
    %add3A_215 = arith.addf %mul3A_213, %mul3A_214 : vector<64x128xf32>
    %slice3A_216 = vector.extract_strided_slice %add3A_12 {offsets = [384, 0], sizes = [64, 384], strides = [1, 1]} : vector<640x384xf32> to vector<64x384xf32>
    %dot_general3A_217 = arith.constant dense<0.000000e+00> : vector<64x384xf32>
    %dot_general3A_218 = tpu.matmul %add3A_215, %get3A_7, %dot_general3A_217 {dimension_numbers = #tpu.dot_dimension_numbers<[1], [1], [0], [0], [0, 0, 1, 0], [], []>, transpose_lhs_hint = false} : vector<64x128xf32>, vector<384x128xf32>, vector<64x384xf32> -> vector<64x384xf32>
    %add3A_219 = vector.broadcast %get3A_16 : vector<1x384xf32> to vector<64x384xf32>
    %add3A_220 = arith.addf %dot_general3A_218, %add3A_219 : vector<64x384xf32>
    %slice3A_221 = vector.extract_strided_slice %slice3A_216 {offsets = [0, 0], sizes = [64, 128], strides = [1, 1]} : vector<64x384xf32> to vector<64x128xf32>
    %slice3A_222 = vector.extract_strided_slice %add3A_220 {offsets = [0, 0], sizes = [64, 128], strides = [1, 1]} : vector<64x384xf32> to vector<64x128xf32>
    %add3A_223 = arith.addf %slice3A_221, %slice3A_222 : vector<64x128xf32>
    %logistic3A_224 = arith.negf %add3A_223 : vector<64x128xf32>
    %logistic3A_225 = math.exp %logistic3A_224 : vector<64x128xf32>
    %logistic3A_226 = arith.constant 1.000000e+00 : f32
    %logistic3A_227 = vector.broadcast %logistic3A_226 : f32 to vector<64x128xf32>
    %logistic3A_228 = arith.addf %logistic3A_227, %logistic3A_225 : vector<64x128xf32>
    %logistic3A_229 = arith.divf %logistic3A_227, %logistic3A_228 : vector<64x128xf32>
    %slice3A_230 = vector.extract_strided_slice %slice3A_216 {offsets = [0, 128], sizes = [64, 128], strides = [1, 1]} : vector<64x384xf32> to vector<64x128xf32>
    %slice3A_231 = vector.extract_strided_slice %add3A_220 {offsets = [0, 128], sizes = [64, 128], strides = [1, 1]} : vector<64x384xf32> to vector<64x128xf32>
    %add3A_232 = arith.addf %slice3A_230, %slice3A_231 : vector<64x128xf32>
    %logistic3A_233 = arith.negf %add3A_232 : vector<64x128xf32>
    %logistic3A_234 = math.exp %logistic3A_233 : vector<64x128xf32>
    %logistic3A_235 = arith.constant 1.000000e+00 : f32
    %logistic3A_236 = vector.broadcast %logistic3A_235 : f32 to vector<64x128xf32>
    %logistic3A_237 = arith.addf %logistic3A_236, %logistic3A_234 : vector<64x128xf32>
    %logistic3A_238 = arith.divf %logistic3A_236, %logistic3A_237 : vector<64x128xf32>
    %slice3A_239 = vector.extract_strided_slice %slice3A_216 {offsets = [0, 256], sizes = [64, 128], strides = [1, 1]} : vector<64x384xf32> to vector<64x128xf32>
    %slice3A_240 = vector.extract_strided_slice %add3A_220 {offsets = [0, 256], sizes = [64, 128], strides = [1, 1]} : vector<64x384xf32> to vector<64x128xf32>
    %mul3A_241 = arith.mulf %logistic3A_229, %slice3A_240 : vector<64x128xf32>
    %add3A_242 = arith.addf %slice3A_239, %mul3A_241 : vector<64x128xf32>
    %tanh3A_243 = math.tanh %add3A_242 : vector<64x128xf32>
    %sub3A_244 = arith.constant 1.000000e+00 : f32
    %sub3A_245 = vector.broadcast %sub3A_244 : f32 to vector<64x128xf32>
    %sub3A_246 = arith.subf %sub3A_245, %logistic3A_238 : vector<64x128xf32>
    %mul3A_247 = arith.mulf %sub3A_246, %tanh3A_243 : vector<64x128xf32>
    %mul3A_248 = arith.mulf %logistic3A_238, %add3A_215 : vector<64x128xf32>
    %add3A_249 = arith.addf %mul3A_247, %mul3A_248 : vector<64x128xf32>
    %slice3A_250 = vector.extract_strided_slice %add3A_12 {offsets = [448, 0], sizes = [64, 384], strides = [1, 1]} : vector<640x384xf32> to vector<64x384xf32>
    %dot_general3A_251 = arith.constant dense<0.000000e+00> : vector<64x384xf32>
    %dot_general3A_252 = tpu.matmul %add3A_249, %get3A_7, %dot_general3A_251 {dimension_numbers = #tpu.dot_dimension_numbers<[1], [1], [0], [0], [0, 0, 1, 0], [], []>, transpose_lhs_hint = false} : vector<64x128xf32>, vector<384x128xf32>, vector<64x384xf32> -> vector<64x384xf32>
    %add3A_253 = vector.broadcast %get3A_16 : vector<1x384xf32> to vector<64x384xf32>
    %add3A_254 = arith.addf %dot_general3A_252, %add3A_253 : vector<64x384xf32>
    %slice3A_255 = vector.extract_strided_slice %slice3A_250 {offsets = [0, 0], sizes = [64, 128], strides = [1, 1]} : vector<64x384xf32> to vector<64x128xf32>
    %slice3A_256 = vector.extract_strided_slice %add3A_254 {offsets = [0, 0], sizes = [64, 128], strides = [1, 1]} : vector<64x384xf32> to vector<64x128xf32>
    %add3A_257 = arith.addf %slice3A_255, %slice3A_256 : vector<64x128xf32>
    %logistic3A_258 = arith.negf %add3A_257 : vector<64x128xf32>
    %logistic3A_259 = math.exp %logistic3A_258 : vector<64x128xf32>
    %logistic3A_260 = arith.constant 1.000000e+00 : f32
    %logistic3A_261 = vector.broadcast %logistic3A_260 : f32 to vector<64x128xf32>
    %logistic3A_262 = arith.addf %logistic3A_261, %logistic3A_259 : vector<64x128xf32>
    %logistic3A_263 = arith.divf %logistic3A_261, %logistic3A_262 : vector<64x128xf32>
    %slice3A_264 = vector.extract_strided_slice %slice3A_250 {offsets = [0, 128], sizes = [64, 128], strides = [1, 1]} : vector<64x384xf32> to vector<64x128xf32>
    %slice3A_265 = vector.extract_strided_slice %add3A_254 {offsets = [0, 128], sizes = [64, 128], strides = [1, 1]} : vector<64x384xf32> to vector<64x128xf32>
    %add3A_266 = arith.addf %slice3A_264, %slice3A_265 : vector<64x128xf32>
    %logistic3A_267 = arith.negf %add3A_266 : vector<64x128xf32>
    %logistic3A_268 = math.exp %logistic3A_267 : vector<64x128xf32>
    %logistic3A_269 = arith.constant 1.000000e+00 : f32
    %logistic3A_270 = vector.broadcast %logistic3A_269 : f32 to vector<64x128xf32>
    %logistic3A_271 = arith.addf %logistic3A_270, %logistic3A_268 : vector<64x128xf32>
    %logistic3A_272 = arith.divf %logistic3A_270, %logistic3A_271 : vector<64x128xf32>
    %slice3A_273 = vector.extract_strided_slice %slice3A_250 {offsets = [0, 256], sizes = [64, 128], strides = [1, 1]} : vector<64x384xf32> to vector<64x128xf32>
    %slice3A_274 = vector.extract_strided_slice %add3A_254 {offsets = [0, 256], sizes = [64, 128], strides = [1, 1]} : vector<64x384xf32> to vector<64x128xf32>
    %mul3A_275 = arith.mulf %logistic3A_263, %slice3A_274 : vector<64x128xf32>
    %add3A_276 = arith.addf %slice3A_273, %mul3A_275 : vector<64x128xf32>
    %tanh3A_277 = math.tanh %add3A_276 : vector<64x128xf32>
    %sub3A_278 = arith.constant 1.000000e+00 : f32
    %sub3A_279 = vector.broadcast %sub3A_278 : f32 to vector<64x128xf32>
    %sub3A_280 = arith.subf %sub3A_279, %logistic3A_272 : vector<64x128xf32>
    %mul3A_281 = arith.mulf %sub3A_280, %tanh3A_277 : vector<64x128xf32>
    %mul3A_282 = arith.mulf %logistic3A_272, %add3A_249 : vector<64x128xf32>
    %add3A_283 = arith.addf %mul3A_281, %mul3A_282 : vector<64x128xf32>
    %slice3A_284 = vector.extract_strided_slice %add3A_12 {offsets = [512, 0], sizes = [64, 384], strides = [1, 1]} : vector<640x384xf32> to vector<64x384xf32>
    %dot_general3A_285 = arith.constant dense<0.000000e+00> : vector<64x384xf32>
    %dot_general3A_286 = tpu.matmul %add3A_283, %get3A_7, %dot_general3A_285 {dimension_numbers = #tpu.dot_dimension_numbers<[1], [1], [0], [0], [0, 0, 1, 0], [], []>, transpose_lhs_hint = false} : vector<64x128xf32>, vector<384x128xf32>, vector<64x384xf32> -> vector<64x384xf32>
    %add3A_287 = vector.broadcast %get3A_16 : vector<1x384xf32> to vector<64x384xf32>
    %add3A_288 = arith.addf %dot_general3A_286, %add3A_287 : vector<64x384xf32>
    %slice3A_289 = vector.extract_strided_slice %slice3A_284 {offsets = [0, 0], sizes = [64, 128], strides = [1, 1]} : vector<64x384xf32> to vector<64x128xf32>
    %slice3A_290 = vector.extract_strided_slice %add3A_288 {offsets = [0, 0], sizes = [64, 128], strides = [1, 1]} : vector<64x384xf32> to vector<64x128xf32>
    %add3A_291 = arith.addf %slice3A_289, %slice3A_290 : vector<64x128xf32>
    %logistic3A_292 = arith.negf %add3A_291 : vector<64x128xf32>
    %logistic3A_293 = math.exp %logistic3A_292 : vector<64x128xf32>
    %logistic3A_294 = arith.constant 1.000000e+00 : f32
    %logistic3A_295 = vector.broadcast %logistic3A_294 : f32 to vector<64x128xf32>
    %logistic3A_296 = arith.addf %logistic3A_295, %logistic3A_293 : vector<64x128xf32>
    %logistic3A_297 = arith.divf %logistic3A_295, %logistic3A_296 : vector<64x128xf32>
    %slice3A_298 = vector.extract_strided_slice %slice3A_284 {offsets = [0, 128], sizes = [64, 128], strides = [1, 1]} : vector<64x384xf32> to vector<64x128xf32>
    %slice3A_299 = vector.extract_strided_slice %add3A_288 {offsets = [0, 128], sizes = [64, 128], strides = [1, 1]} : vector<64x384xf32> to vector<64x128xf32>
    %add3A_300 = arith.addf %slice3A_298, %slice3A_299 : vector<64x128xf32>
    %logistic3A_301 = arith.negf %add3A_300 : vector<64x128xf32>
    %logistic3A_302 = math.exp %logistic3A_301 : vector<64x128xf32>
    %logistic3A_303 = arith.constant 1.000000e+00 : f32
    %logistic3A_304 = vector.broadcast %logistic3A_303 : f32 to vector<64x128xf32>
    %logistic3A_305 = arith.addf %logistic3A_304, %logistic3A_302 : vector<64x128xf32>
    %logistic3A_306 = arith.divf %logistic3A_304, %logistic3A_305 : vector<64x128xf32>
    %slice3A_307 = vector.extract_strided_slice %slice3A_284 {offsets = [0, 256], sizes = [64, 128], strides = [1, 1]} : vector<64x384xf32> to vector<64x128xf32>
    %slice3A_308 = vector.extract_strided_slice %add3A_288 {offsets = [0, 256], sizes = [64, 128], strides = [1, 1]} : vector<64x384xf32> to vector<64x128xf32>
    %mul3A_309 = arith.mulf %logistic3A_297, %slice3A_308 : vector<64x128xf32>
    %add3A_310 = arith.addf %slice3A_307, %mul3A_309 : vector<64x128xf32>
    %tanh3A_311 = math.tanh %add3A_310 : vector<64x128xf32>
    %sub3A_312 = arith.constant 1.000000e+00 : f32
    %sub3A_313 = vector.broadcast %sub3A_312 : f32 to vector<64x128xf32>
    %sub3A_314 = arith.subf %sub3A_313, %logistic3A_306 : vector<64x128xf32>
    %mul3A_315 = arith.mulf %sub3A_314, %tanh3A_311 : vector<64x128xf32>
    %mul3A_316 = arith.mulf %logistic3A_306, %add3A_283 : vector<64x128xf32>
    %add3A_317 = arith.addf %mul3A_315, %mul3A_316 : vector<64x128xf32>
    %slice3A_318 = vector.extract_strided_slice %add3A_12 {offsets = [576, 0], sizes = [64, 384], strides = [1, 1]} : vector<640x384xf32> to vector<64x384xf32>
    %dot_general3A_319 = arith.constant dense<0.000000e+00> : vector<64x384xf32>
    %dot_general3A_320 = tpu.matmul %add3A_317, %get3A_7, %dot_general3A_319 {dimension_numbers = #tpu.dot_dimension_numbers<[1], [1], [0], [0], [0, 0, 1, 0], [], []>, transpose_lhs_hint = false} : vector<64x128xf32>, vector<384x128xf32>, vector<64x384xf32> -> vector<64x384xf32>
    %add3A_321 = vector.broadcast %get3A_16 : vector<1x384xf32> to vector<64x384xf32>
    %add3A_322 = arith.addf %dot_general3A_320, %add3A_321 : vector<64x384xf32>
    %slice3A_323 = vector.extract_strided_slice %slice3A_318 {offsets = [0, 0], sizes = [64, 128], strides = [1, 1]} : vector<64x384xf32> to vector<64x128xf32>
    %slice3A_324 = vector.extract_strided_slice %add3A_322 {offsets = [0, 0], sizes = [64, 128], strides = [1, 1]} : vector<64x384xf32> to vector<64x128xf32>
    %add3A_325 = arith.addf %slice3A_323, %slice3A_324 : vector<64x128xf32>
    %logistic3A_326 = arith.negf %add3A_325 : vector<64x128xf32>
    %logistic3A_327 = math.exp %logistic3A_326 : vector<64x128xf32>
    %logistic3A_328 = arith.constant 1.000000e+00 : f32
    %logistic3A_329 = vector.broadcast %logistic3A_328 : f32 to vector<64x128xf32>
    %logistic3A_330 = arith.addf %logistic3A_329, %logistic3A_327 : vector<64x128xf32>
    %logistic3A_331 = arith.divf %logistic3A_329, %logistic3A_330 : vector<64x128xf32>
    %slice3A_332 = vector.extract_strided_slice %slice3A_318 {offsets = [0, 128], sizes = [64, 128], strides = [1, 1]} : vector<64x384xf32> to vector<64x128xf32>
    %slice3A_333 = vector.extract_strided_slice %add3A_322 {offsets = [0, 128], sizes = [64, 128], strides = [1, 1]} : vector<64x384xf32> to vector<64x128xf32>
    %add3A_334 = arith.addf %slice3A_332, %slice3A_333 : vector<64x128xf32>
    %logistic3A_335 = arith.negf %add3A_334 : vector<64x128xf32>
    %logistic3A_336 = math.exp %logistic3A_335 : vector<64x128xf32>
    %logistic3A_337 = arith.constant 1.000000e+00 : f32
    %logistic3A_338 = vector.broadcast %logistic3A_337 : f32 to vector<64x128xf32>
    %logistic3A_339 = arith.addf %logistic3A_338, %logistic3A_336 : vector<64x128xf32>
    %logistic3A_340 = arith.divf %logistic3A_338, %logistic3A_339 : vector<64x128xf32>
    %slice3A_341 = vector.extract_strided_slice %slice3A_318 {offsets = [0, 256], sizes = [64, 128], strides = [1, 1]} : vector<64x384xf32> to vector<64x128xf32>
    %slice3A_342 = vector.extract_strided_slice %add3A_322 {offsets = [0, 256], sizes = [64, 128], strides = [1, 1]} : vector<64x384xf32> to vector<64x128xf32>
    %mul3A_343 = arith.mulf %logistic3A_331, %slice3A_342 : vector<64x128xf32>
    %add3A_344 = arith.addf %slice3A_341, %mul3A_343 : vector<64x128xf32>
    %tanh3A_345 = math.tanh %add3A_344 : vector<64x128xf32>
    %sub3A_346 = arith.constant 1.000000e+00 : f32
    %sub3A_347 = vector.broadcast %sub3A_346 : f32 to vector<64x128xf32>
    %sub3A_348 = arith.subf %sub3A_347, %logistic3A_340 : vector<64x128xf32>
    %mul3A_349 = arith.mulf %sub3A_348, %tanh3A_345 : vector<64x128xf32>
    %mul3A_350 = arith.mulf %logistic3A_340, %add3A_317 : vector<64x128xf32>
    %add3A_351 = arith.addf %mul3A_349, %mul3A_350 : vector<64x128xf32>
    %get3A_352 = arith.constant 0 : index
    %get3A_353 = arith.constant 0 : index
    %get3A_354 = vector.load %arg2[%get3A_352, %get3A_353] : memref<640x128xf32, #tpu.memory_space<vmem>>, vector<640x128xf32>
    %get3A_355 = arith.constant 0 : index
    %get3A_356 = arith.constant 0 : index
    %get3A_357 = vector.load %arg9[%get3A_355, %get3A_356] : memref<384x128xf32, #tpu.memory_space<vmem>>, vector<384x128xf32>
    %get3A_358 = arith.constant 0 : index
    %get3A_359 = arith.constant 0 : index
    %get3A_360 = vector.load %arg10[%get3A_358, %get3A_359] : memref<384x128xf32, #tpu.memory_space<vmem>>, vector<384x128xf32>
    %dot_general3A_361 = arith.constant dense<0.000000e+00> : vector<640x384xf32>
    %dot_general3A_362 = tpu.matmul %get3A_354, %get3A_357, %dot_general3A_361 {dimension_numbers = #tpu.dot_dimension_numbers<[1], [1], [0], [0], [0, 0, 1, 0], [], []>, transpose_lhs_hint = false} : vector<640x128xf32>, vector<384x128xf32>, vector<640x384xf32> -> vector<640x384xf32>
    %get3A_363 = arith.constant 0 : index
    %get3A_364 = arith.constant 0 : index
    %get3A_365 = vector.load %arg11[%get3A_363, %get3A_364] : memref<1x384xf32, #tpu.memory_space<vmem>>, vector<1x384xf32>
    %add3A_366 = vector.broadcast %get3A_365 : vector<1x384xf32> to vector<640x384xf32>
    %add3A_367 = arith.addf %dot_general3A_362, %add3A_366 : vector<640x384xf32>
    %broadcast_in_dim3A_368 = arith.constant 0.000000e+00 : f32
    %broadcast_in_dim3A_369 = vector.broadcast %broadcast_in_dim3A_368 : f32 to vector<64x128xf32>
    %get3A_370 = arith.constant 0 : index
    %get3A_371 = arith.constant 0 : index
    %get3A_372 = vector.load %arg12[%get3A_370, %get3A_371] : memref<1x384xf32, #tpu.memory_space<vmem>>, vector<1x384xf32>
    %slice3A_373 = vector.extract_strided_slice %add3A_367 {offsets = [0, 0], sizes = [64, 384], strides = [1, 1]} : vector<640x384xf32> to vector<64x384xf32>
    %dot_general3A_374 = arith.constant dense<0.000000e+00> : vector<64x384xf32>
    %dot_general3A_375 = tpu.matmul %broadcast_in_dim3A_369, %get3A_360, %dot_general3A_374 {dimension_numbers = #tpu.dot_dimension_numbers<[1], [1], [0], [0], [0, 0, 1, 0], [], []>, transpose_lhs_hint = false} : vector<64x128xf32>, vector<384x128xf32>, vector<64x384xf32> -> vector<64x384xf32>
    %add3A_376 = vector.broadcast %get3A_372 : vector<1x384xf32> to vector<64x384xf32>
    %add3A_377 = arith.addf %dot_general3A_375, %add3A_376 : vector<64x384xf32>
    %slice3A_378 = vector.extract_strided_slice %slice3A_373 {offsets = [0, 0], sizes = [64, 128], strides = [1, 1]} : vector<64x384xf32> to vector<64x128xf32>
    %slice3A_379 = vector.extract_strided_slice %add3A_377 {offsets = [0, 0], sizes = [64, 128], strides = [1, 1]} : vector<64x384xf32> to vector<64x128xf32>
    %add3A_380 = arith.addf %slice3A_378, %slice3A_379 : vector<64x128xf32>
    %logistic3A_381 = arith.negf %add3A_380 : vector<64x128xf32>
    %logistic3A_382 = math.exp %logistic3A_381 : vector<64x128xf32>
    %logistic3A_383 = arith.constant 1.000000e+00 : f32
    %logistic3A_384 = vector.broadcast %logistic3A_383 : f32 to vector<64x128xf32>
    %logistic3A_385 = arith.addf %logistic3A_384, %logistic3A_382 : vector<64x128xf32>
    %logistic3A_386 = arith.divf %logistic3A_384, %logistic3A_385 : vector<64x128xf32>
    %slice3A_387 = vector.extract_strided_slice %slice3A_373 {offsets = [0, 128], sizes = [64, 128], strides = [1, 1]} : vector<64x384xf32> to vector<64x128xf32>
    %slice3A_388 = vector.extract_strided_slice %add3A_377 {offsets = [0, 128], sizes = [64, 128], strides = [1, 1]} : vector<64x384xf32> to vector<64x128xf32>
    %add3A_389 = arith.addf %slice3A_387, %slice3A_388 : vector<64x128xf32>
    %logistic3A_390 = arith.negf %add3A_389 : vector<64x128xf32>
    %logistic3A_391 = math.exp %logistic3A_390 : vector<64x128xf32>
    %logistic3A_392 = arith.constant 1.000000e+00 : f32
    %logistic3A_393 = vector.broadcast %logistic3A_392 : f32 to vector<64x128xf32>
    %logistic3A_394 = arith.addf %logistic3A_393, %logistic3A_391 : vector<64x128xf32>
    %logistic3A_395 = arith.divf %logistic3A_393, %logistic3A_394 : vector<64x128xf32>
    %slice3A_396 = vector.extract_strided_slice %slice3A_373 {offsets = [0, 256], sizes = [64, 128], strides = [1, 1]} : vector<64x384xf32> to vector<64x128xf32>
    %slice3A_397 = vector.extract_strided_slice %add3A_377 {offsets = [0, 256], sizes = [64, 128], strides = [1, 1]} : vector<64x384xf32> to vector<64x128xf32>
    %mul3A_398 = arith.mulf %logistic3A_386, %slice3A_397 : vector<64x128xf32>
    %add3A_399 = arith.addf %slice3A_396, %mul3A_398 : vector<64x128xf32>
    %tanh3A_400 = math.tanh %add3A_399 : vector<64x128xf32>
    %sub3A_401 = arith.constant 1.000000e+00 : f32
    %sub3A_402 = vector.broadcast %sub3A_401 : f32 to vector<64x128xf32>
    %sub3A_403 = arith.subf %sub3A_402, %logistic3A_395 : vector<64x128xf32>
    %mul3A_404 = arith.mulf %sub3A_403, %tanh3A_400 : vector<64x128xf32>
    %mul3A_405 = arith.mulf %logistic3A_395, %broadcast_in_dim3A_369 : vector<64x128xf32>
    %add3A_406 = arith.addf %mul3A_404, %mul3A_405 : vector<64x128xf32>
    %slice3A_407 = vector.extract_strided_slice %add3A_367 {offsets = [64, 0], sizes = [64, 384], strides = [1, 1]} : vector<640x384xf32> to vector<64x384xf32>
    %dot_general3A_408 = arith.constant dense<0.000000e+00> : vector<64x384xf32>
    %dot_general3A_409 = tpu.matmul %add3A_406, %get3A_360, %dot_general3A_408 {dimension_numbers = #tpu.dot_dimension_numbers<[1], [1], [0], [0], [0, 0, 1, 0], [], []>, transpose_lhs_hint = false} : vector<64x128xf32>, vector<384x128xf32>, vector<64x384xf32> -> vector<64x384xf32>
    %add3A_410 = vector.broadcast %get3A_372 : vector<1x384xf32> to vector<64x384xf32>
    %add3A_411 = arith.addf %dot_general3A_409, %add3A_410 : vector<64x384xf32>
    %slice3A_412 = vector.extract_strided_slice %slice3A_407 {offsets = [0, 0], sizes = [64, 128], strides = [1, 1]} : vector<64x384xf32> to vector<64x128xf32>
    %slice3A_413 = vector.extract_strided_slice %add3A_411 {offsets = [0, 0], sizes = [64, 128], strides = [1, 1]} : vector<64x384xf32> to vector<64x128xf32>
    %add3A_414 = arith.addf %slice3A_412, %slice3A_413 : vector<64x128xf32>
    %logistic3A_415 = arith.negf %add3A_414 : vector<64x128xf32>
    %logistic3A_416 = math.exp %logistic3A_415 : vector<64x128xf32>
    %logistic3A_417 = arith.constant 1.000000e+00 : f32
    %logistic3A_418 = vector.broadcast %logistic3A_417 : f32 to vector<64x128xf32>
    %logistic3A_419 = arith.addf %logistic3A_418, %logistic3A_416 : vector<64x128xf32>
    %logistic3A_420 = arith.divf %logistic3A_418, %logistic3A_419 : vector<64x128xf32>
    %slice3A_421 = vector.extract_strided_slice %slice3A_407 {offsets = [0, 128], sizes = [64, 128], strides = [1, 1]} : vector<64x384xf32> to vector<64x128xf32>
    %slice3A_422 = vector.extract_strided_slice %add3A_411 {offsets = [0, 128], sizes = [64, 128], strides = [1, 1]} : vector<64x384xf32> to vector<64x128xf32>
    %add3A_423 = arith.addf %slice3A_421, %slice3A_422 : vector<64x128xf32>
    %logistic3A_424 = arith.negf %add3A_423 : vector<64x128xf32>
    %logistic3A_425 = math.exp %logistic3A_424 : vector<64x128xf32>
    %logistic3A_426 = arith.constant 1.000000e+00 : f32
    %logistic3A_427 = vector.broadcast %logistic3A_426 : f32 to vector<64x128xf32>
    %logistic3A_428 = arith.addf %logistic3A_427, %logistic3A_425 : vector<64x128xf32>
    %logistic3A_429 = arith.divf %logistic3A_427, %logistic3A_428 : vector<64x128xf32>
    %slice3A_430 = vector.extract_strided_slice %slice3A_407 {offsets = [0, 256], sizes = [64, 128], strides = [1, 1]} : vector<64x384xf32> to vector<64x128xf32>
    %slice3A_431 = vector.extract_strided_slice %add3A_411 {offsets = [0, 256], sizes = [64, 128], strides = [1, 1]} : vector<64x384xf32> to vector<64x128xf32>
    %mul3A_432 = arith.mulf %logistic3A_420, %slice3A_431 : vector<64x128xf32>
    %add3A_433 = arith.addf %slice3A_430, %mul3A_432 : vector<64x128xf32>
    %tanh3A_434 = math.tanh %add3A_433 : vector<64x128xf32>
    %sub3A_435 = arith.constant 1.000000e+00 : f32
    %sub3A_436 = vector.broadcast %sub3A_435 : f32 to vector<64x128xf32>
    %sub3A_437 = arith.subf %sub3A_436, %logistic3A_429 : vector<64x128xf32>
    %mul3A_438 = arith.mulf %sub3A_437, %tanh3A_434 : vector<64x128xf32>
    %mul3A_439 = arith.mulf %logistic3A_429, %add3A_406 : vector<64x128xf32>
    %add3A_440 = arith.addf %mul3A_438, %mul3A_439 : vector<64x128xf32>
    %slice3A_441 = vector.extract_strided_slice %add3A_367 {offsets = [128, 0], sizes = [64, 384], strides = [1, 1]} : vector<640x384xf32> to vector<64x384xf32>
    %dot_general3A_442 = arith.constant dense<0.000000e+00> : vector<64x384xf32>
    %dot_general3A_443 = tpu.matmul %add3A_440, %get3A_360, %dot_general3A_442 {dimension_numbers = #tpu.dot_dimension_numbers<[1], [1], [0], [0], [0, 0, 1, 0], [], []>, transpose_lhs_hint = false} : vector<64x128xf32>, vector<384x128xf32>, vector<64x384xf32> -> vector<64x384xf32>
    %add3A_444 = vector.broadcast %get3A_372 : vector<1x384xf32> to vector<64x384xf32>
    %add3A_445 = arith.addf %dot_general3A_443, %add3A_444 : vector<64x384xf32>
    %slice3A_446 = vector.extract_strided_slice %slice3A_441 {offsets = [0, 0], sizes = [64, 128], strides = [1, 1]} : vector<64x384xf32> to vector<64x128xf32>
    %slice3A_447 = vector.extract_strided_slice %add3A_445 {offsets = [0, 0], sizes = [64, 128], strides = [1, 1]} : vector<64x384xf32> to vector<64x128xf32>
    %add3A_448 = arith.addf %slice3A_446, %slice3A_447 : vector<64x128xf32>
    %logistic3A_449 = arith.negf %add3A_448 : vector<64x128xf32>
    %logistic3A_450 = math.exp %logistic3A_449 : vector<64x128xf32>
    %logistic3A_451 = arith.constant 1.000000e+00 : f32
    %logistic3A_452 = vector.broadcast %logistic3A_451 : f32 to vector<64x128xf32>
    %logistic3A_453 = arith.addf %logistic3A_452, %logistic3A_450 : vector<64x128xf32>
    %logistic3A_454 = arith.divf %logistic3A_452, %logistic3A_453 : vector<64x128xf32>
    %slice3A_455 = vector.extract_strided_slice %slice3A_441 {offsets = [0, 128], sizes = [64, 128], strides = [1, 1]} : vector<64x384xf32> to vector<64x128xf32>
    %slice3A_456 = vector.extract_strided_slice %add3A_445 {offsets = [0, 128], sizes = [64, 128], strides = [1, 1]} : vector<64x384xf32> to vector<64x128xf32>
    %add3A_457 = arith.addf %slice3A_455, %slice3A_456 : vector<64x128xf32>
    %logistic3A_458 = arith.negf %add3A_457 : vector<64x128xf32>
    %logistic3A_459 = math.exp %logistic3A_458 : vector<64x128xf32>
    %logistic3A_460 = arith.constant 1.000000e+00 : f32
    %logistic3A_461 = vector.broadcast %logistic3A_460 : f32 to vector<64x128xf32>
    %logistic3A_462 = arith.addf %logistic3A_461, %logistic3A_459 : vector<64x128xf32>
    %logistic3A_463 = arith.divf %logistic3A_461, %logistic3A_462 : vector<64x128xf32>
    %slice3A_464 = vector.extract_strided_slice %slice3A_441 {offsets = [0, 256], sizes = [64, 128], strides = [1, 1]} : vector<64x384xf32> to vector<64x128xf32>
    %slice3A_465 = vector.extract_strided_slice %add3A_445 {offsets = [0, 256], sizes = [64, 128], strides = [1, 1]} : vector<64x384xf32> to vector<64x128xf32>
    %mul3A_466 = arith.mulf %logistic3A_454, %slice3A_465 : vector<64x128xf32>
    %add3A_467 = arith.addf %slice3A_464, %mul3A_466 : vector<64x128xf32>
    %tanh3A_468 = math.tanh %add3A_467 : vector<64x128xf32>
    %sub3A_469 = arith.constant 1.000000e+00 : f32
    %sub3A_470 = vector.broadcast %sub3A_469 : f32 to vector<64x128xf32>
    %sub3A_471 = arith.subf %sub3A_470, %logistic3A_463 : vector<64x128xf32>
    %mul3A_472 = arith.mulf %sub3A_471, %tanh3A_468 : vector<64x128xf32>
    %mul3A_473 = arith.mulf %logistic3A_463, %add3A_440 : vector<64x128xf32>
    %add3A_474 = arith.addf %mul3A_472, %mul3A_473 : vector<64x128xf32>
    %slice3A_475 = vector.extract_strided_slice %add3A_367 {offsets = [192, 0], sizes = [64, 384], strides = [1, 1]} : vector<640x384xf32> to vector<64x384xf32>
    %dot_general3A_476 = arith.constant dense<0.000000e+00> : vector<64x384xf32>
    %dot_general3A_477 = tpu.matmul %add3A_474, %get3A_360, %dot_general3A_476 {dimension_numbers = #tpu.dot_dimension_numbers<[1], [1], [0], [0], [0, 0, 1, 0], [], []>, transpose_lhs_hint = false} : vector<64x128xf32>, vector<384x128xf32>, vector<64x384xf32> -> vector<64x384xf32>
    %add3A_478 = vector.broadcast %get3A_372 : vector<1x384xf32> to vector<64x384xf32>
    %add3A_479 = arith.addf %dot_general3A_477, %add3A_478 : vector<64x384xf32>
    %slice3A_480 = vector.extract_strided_slice %slice3A_475 {offsets = [0, 0], sizes = [64, 128], strides = [1, 1]} : vector<64x384xf32> to vector<64x128xf32>
    %slice3A_481 = vector.extract_strided_slice %add3A_479 {offsets = [0, 0], sizes = [64, 128], strides = [1, 1]} : vector<64x384xf32> to vector<64x128xf32>
    %add3A_482 = arith.addf %slice3A_480, %slice3A_481 : vector<64x128xf32>
    %logistic3A_483 = arith.negf %add3A_482 : vector<64x128xf32>
    %logistic3A_484 = math.exp %logistic3A_483 : vector<64x128xf32>
    %logistic3A_485 = arith.constant 1.000000e+00 : f32
    %logistic3A_486 = vector.broadcast %logistic3A_485 : f32 to vector<64x128xf32>
    %logistic3A_487 = arith.addf %logistic3A_486, %logistic3A_484 : vector<64x128xf32>
    %logistic3A_488 = arith.divf %logistic3A_486, %logistic3A_487 : vector<64x128xf32>
    %slice3A_489 = vector.extract_strided_slice %slice3A_475 {offsets = [0, 128], sizes = [64, 128], strides = [1, 1]} : vector<64x384xf32> to vector<64x128xf32>
    %slice3A_490 = vector.extract_strided_slice %add3A_479 {offsets = [0, 128], sizes = [64, 128], strides = [1, 1]} : vector<64x384xf32> to vector<64x128xf32>
    %add3A_491 = arith.addf %slice3A_489, %slice3A_490 : vector<64x128xf32>
    %logistic3A_492 = arith.negf %add3A_491 : vector<64x128xf32>
    %logistic3A_493 = math.exp %logistic3A_492 : vector<64x128xf32>
    %logistic3A_494 = arith.constant 1.000000e+00 : f32
    %logistic3A_495 = vector.broadcast %logistic3A_494 : f32 to vector<64x128xf32>
    %logistic3A_496 = arith.addf %logistic3A_495, %logistic3A_493 : vector<64x128xf32>
    %logistic3A_497 = arith.divf %logistic3A_495, %logistic3A_496 : vector<64x128xf32>
    %slice3A_498 = vector.extract_strided_slice %slice3A_475 {offsets = [0, 256], sizes = [64, 128], strides = [1, 1]} : vector<64x384xf32> to vector<64x128xf32>
    %slice3A_499 = vector.extract_strided_slice %add3A_479 {offsets = [0, 256], sizes = [64, 128], strides = [1, 1]} : vector<64x384xf32> to vector<64x128xf32>
    %mul3A_500 = arith.mulf %logistic3A_488, %slice3A_499 : vector<64x128xf32>
    %add3A_501 = arith.addf %slice3A_498, %mul3A_500 : vector<64x128xf32>
    %tanh3A_502 = math.tanh %add3A_501 : vector<64x128xf32>
    %sub3A_503 = arith.constant 1.000000e+00 : f32
    %sub3A_504 = vector.broadcast %sub3A_503 : f32 to vector<64x128xf32>
    %sub3A_505 = arith.subf %sub3A_504, %logistic3A_497 : vector<64x128xf32>
    %mul3A_506 = arith.mulf %sub3A_505, %tanh3A_502 : vector<64x128xf32>
    %mul3A_507 = arith.mulf %logistic3A_497, %add3A_474 : vector<64x128xf32>
    %add3A_508 = arith.addf %mul3A_506, %mul3A_507 : vector<64x128xf32>
    %slice3A_509 = vector.extract_strided_slice %add3A_367 {offsets = [256, 0], sizes = [64, 384], strides = [1, 1]} : vector<640x384xf32> to vector<64x384xf32>
    %dot_general3A_510 = arith.constant dense<0.000000e+00> : vector<64x384xf32>
    %dot_general3A_511 = tpu.matmul %add3A_508, %get3A_360, %dot_general3A_510 {dimension_numbers = #tpu.dot_dimension_numbers<[1], [1], [0], [0], [0, 0, 1, 0], [], []>, transpose_lhs_hint = false} : vector<64x128xf32>, vector<384x128xf32>, vector<64x384xf32> -> vector<64x384xf32>
    %add3A_512 = vector.broadcast %get3A_372 : vector<1x384xf32> to vector<64x384xf32>
    %add3A_513 = arith.addf %dot_general3A_511, %add3A_512 : vector<64x384xf32>
    %slice3A_514 = vector.extract_strided_slice %slice3A_509 {offsets = [0, 0], sizes = [64, 128], strides = [1, 1]} : vector<64x384xf32> to vector<64x128xf32>
    %slice3A_515 = vector.extract_strided_slice %add3A_513 {offsets = [0, 0], sizes = [64, 128], strides = [1, 1]} : vector<64x384xf32> to vector<64x128xf32>
    %add3A_516 = arith.addf %slice3A_514, %slice3A_515 : vector<64x128xf32>
    %logistic3A_517 = arith.negf %add3A_516 : vector<64x128xf32>
    %logistic3A_518 = math.exp %logistic3A_517 : vector<64x128xf32>
    %logistic3A_519 = arith.constant 1.000000e+00 : f32
    %logistic3A_520 = vector.broadcast %logistic3A_519 : f32 to vector<64x128xf32>
    %logistic3A_521 = arith.addf %logistic3A_520, %logistic3A_518 : vector<64x128xf32>
    %logistic3A_522 = arith.divf %logistic3A_520, %logistic3A_521 : vector<64x128xf32>
    %slice3A_523 = vector.extract_strided_slice %slice3A_509 {offsets = [0, 128], sizes = [64, 128], strides = [1, 1]} : vector<64x384xf32> to vector<64x128xf32>
    %slice3A_524 = vector.extract_strided_slice %add3A_513 {offsets = [0, 128], sizes = [64, 128], strides = [1, 1]} : vector<64x384xf32> to vector<64x128xf32>
    %add3A_525 = arith.addf %slice3A_523, %slice3A_524 : vector<64x128xf32>
    %logistic3A_526 = arith.negf %add3A_525 : vector<64x128xf32>
    %logistic3A_527 = math.exp %logistic3A_526 : vector<64x128xf32>
    %logistic3A_528 = arith.constant 1.000000e+00 : f32
    %logistic3A_529 = vector.broadcast %logistic3A_528 : f32 to vector<64x128xf32>
    %logistic3A_530 = arith.addf %logistic3A_529, %logistic3A_527 : vector<64x128xf32>
    %logistic3A_531 = arith.divf %logistic3A_529, %logistic3A_530 : vector<64x128xf32>
    %slice3A_532 = vector.extract_strided_slice %slice3A_509 {offsets = [0, 256], sizes = [64, 128], strides = [1, 1]} : vector<64x384xf32> to vector<64x128xf32>
    %slice3A_533 = vector.extract_strided_slice %add3A_513 {offsets = [0, 256], sizes = [64, 128], strides = [1, 1]} : vector<64x384xf32> to vector<64x128xf32>
    %mul3A_534 = arith.mulf %logistic3A_522, %slice3A_533 : vector<64x128xf32>
    %add3A_535 = arith.addf %slice3A_532, %mul3A_534 : vector<64x128xf32>
    %tanh3A_536 = math.tanh %add3A_535 : vector<64x128xf32>
    %sub3A_537 = arith.constant 1.000000e+00 : f32
    %sub3A_538 = vector.broadcast %sub3A_537 : f32 to vector<64x128xf32>
    %sub3A_539 = arith.subf %sub3A_538, %logistic3A_531 : vector<64x128xf32>
    %mul3A_540 = arith.mulf %sub3A_539, %tanh3A_536 : vector<64x128xf32>
    %mul3A_541 = arith.mulf %logistic3A_531, %add3A_508 : vector<64x128xf32>
    %add3A_542 = arith.addf %mul3A_540, %mul3A_541 : vector<64x128xf32>
    %slice3A_543 = vector.extract_strided_slice %add3A_367 {offsets = [320, 0], sizes = [64, 384], strides = [1, 1]} : vector<640x384xf32> to vector<64x384xf32>
    %dot_general3A_544 = arith.constant dense<0.000000e+00> : vector<64x384xf32>
    %dot_general3A_545 = tpu.matmul %add3A_542, %get3A_360, %dot_general3A_544 {dimension_numbers = #tpu.dot_dimension_numbers<[1], [1], [0], [0], [0, 0, 1, 0], [], []>, transpose_lhs_hint = false} : vector<64x128xf32>, vector<384x128xf32>, vector<64x384xf32> -> vector<64x384xf32>
    %add3A_546 = vector.broadcast %get3A_372 : vector<1x384xf32> to vector<64x384xf32>
    %add3A_547 = arith.addf %dot_general3A_545, %add3A_546 : vector<64x384xf32>
    %slice3A_548 = vector.extract_strided_slice %slice3A_543 {offsets = [0, 0], sizes = [64, 128], strides = [1, 1]} : vector<64x384xf32> to vector<64x128xf32>
    %slice3A_549 = vector.extract_strided_slice %add3A_547 {offsets = [0, 0], sizes = [64, 128], strides = [1, 1]} : vector<64x384xf32> to vector<64x128xf32>
    %add3A_550 = arith.addf %slice3A_548, %slice3A_549 : vector<64x128xf32>
    %logistic3A_551 = arith.negf %add3A_550 : vector<64x128xf32>
    %logistic3A_552 = math.exp %logistic3A_551 : vector<64x128xf32>
    %logistic3A_553 = arith.constant 1.000000e+00 : f32
    %logistic3A_554 = vector.broadcast %logistic3A_553 : f32 to vector<64x128xf32>
    %logistic3A_555 = arith.addf %logistic3A_554, %logistic3A_552 : vector<64x128xf32>
    %logistic3A_556 = arith.divf %logistic3A_554, %logistic3A_555 : vector<64x128xf32>
    %slice3A_557 = vector.extract_strided_slice %slice3A_543 {offsets = [0, 128], sizes = [64, 128], strides = [1, 1]} : vector<64x384xf32> to vector<64x128xf32>
    %slice3A_558 = vector.extract_strided_slice %add3A_547 {offsets = [0, 128], sizes = [64, 128], strides = [1, 1]} : vector<64x384xf32> to vector<64x128xf32>
    %add3A_559 = arith.addf %slice3A_557, %slice3A_558 : vector<64x128xf32>
    %logistic3A_560 = arith.negf %add3A_559 : vector<64x128xf32>
    %logistic3A_561 = math.exp %logistic3A_560 : vector<64x128xf32>
    %logistic3A_562 = arith.constant 1.000000e+00 : f32
    %logistic3A_563 = vector.broadcast %logistic3A_562 : f32 to vector<64x128xf32>
    %logistic3A_564 = arith.addf %logistic3A_563, %logistic3A_561 : vector<64x128xf32>
    %logistic3A_565 = arith.divf %logistic3A_563, %logistic3A_564 : vector<64x128xf32>
    %slice3A_566 = vector.extract_strided_slice %slice3A_543 {offsets = [0, 256], sizes = [64, 128], strides = [1, 1]} : vector<64x384xf32> to vector<64x128xf32>
    %slice3A_567 = vector.extract_strided_slice %add3A_547 {offsets = [0, 256], sizes = [64, 128], strides = [1, 1]} : vector<64x384xf32> to vector<64x128xf32>
    %mul3A_568 = arith.mulf %logistic3A_556, %slice3A_567 : vector<64x128xf32>
    %add3A_569 = arith.addf %slice3A_566, %mul3A_568 : vector<64x128xf32>
    %tanh3A_570 = math.tanh %add3A_569 : vector<64x128xf32>
    %sub3A_571 = arith.constant 1.000000e+00 : f32
    %sub3A_572 = vector.broadcast %sub3A_571 : f32 to vector<64x128xf32>
    %sub3A_573 = arith.subf %sub3A_572, %logistic3A_565 : vector<64x128xf32>
    %mul3A_574 = arith.mulf %sub3A_573, %tanh3A_570 : vector<64x128xf32>
    %mul3A_575 = arith.mulf %logistic3A_565, %add3A_542 : vector<64x128xf32>
    %add3A_576 = arith.addf %mul3A_574, %mul3A_575 : vector<64x128xf32>
    %slice3A_577 = vector.extract_strided_slice %add3A_367 {offsets = [384, 0], sizes = [64, 384], strides = [1, 1]} : vector<640x384xf32> to vector<64x384xf32>
    %dot_general3A_578 = arith.constant dense<0.000000e+00> : vector<64x384xf32>
    %dot_general3A_579 = tpu.matmul %add3A_576, %get3A_360, %dot_general3A_578 {dimension_numbers = #tpu.dot_dimension_numbers<[1], [1], [0], [0], [0, 0, 1, 0], [], []>, transpose_lhs_hint = false} : vector<64x128xf32>, vector<384x128xf32>, vector<64x384xf32> -> vector<64x384xf32>
    %add3A_580 = vector.broadcast %get3A_372 : vector<1x384xf32> to vector<64x384xf32>
    %add3A_581 = arith.addf %dot_general3A_579, %add3A_580 : vector<64x384xf32>
    %slice3A_582 = vector.extract_strided_slice %slice3A_577 {offsets = [0, 0], sizes = [64, 128], strides = [1, 1]} : vector<64x384xf32> to vector<64x128xf32>
    %slice3A_583 = vector.extract_strided_slice %add3A_581 {offsets = [0, 0], sizes = [64, 128], strides = [1, 1]} : vector<64x384xf32> to vector<64x128xf32>
    %add3A_584 = arith.addf %slice3A_582, %slice3A_583 : vector<64x128xf32>
    %logistic3A_585 = arith.negf %add3A_584 : vector<64x128xf32>
    %logistic3A_586 = math.exp %logistic3A_585 : vector<64x128xf32>
    %logistic3A_587 = arith.constant 1.000000e+00 : f32
    %logistic3A_588 = vector.broadcast %logistic3A_587 : f32 to vector<64x128xf32>
    %logistic3A_589 = arith.addf %logistic3A_588, %logistic3A_586 : vector<64x128xf32>
    %logistic3A_590 = arith.divf %logistic3A_588, %logistic3A_589 : vector<64x128xf32>
    %slice3A_591 = vector.extract_strided_slice %slice3A_577 {offsets = [0, 128], sizes = [64, 128], strides = [1, 1]} : vector<64x384xf32> to vector<64x128xf32>
    %slice3A_592 = vector.extract_strided_slice %add3A_581 {offsets = [0, 128], sizes = [64, 128], strides = [1, 1]} : vector<64x384xf32> to vector<64x128xf32>
    %add3A_593 = arith.addf %slice3A_591, %slice3A_592 : vector<64x128xf32>
    %logistic3A_594 = arith.negf %add3A_593 : vector<64x128xf32>
    %logistic3A_595 = math.exp %logistic3A_594 : vector<64x128xf32>
    %logistic3A_596 = arith.constant 1.000000e+00 : f32
    %logistic3A_597 = vector.broadcast %logistic3A_596 : f32 to vector<64x128xf32>
    %logistic3A_598 = arith.addf %logistic3A_597, %logistic3A_595 : vector<64x128xf32>
    %logistic3A_599 = arith.divf %logistic3A_597, %logistic3A_598 : vector<64x128xf32>
    %slice3A_600 = vector.extract_strided_slice %slice3A_577 {offsets = [0, 256], sizes = [64, 128], strides = [1, 1]} : vector<64x384xf32> to vector<64x128xf32>
    %slice3A_601 = vector.extract_strided_slice %add3A_581 {offsets = [0, 256], sizes = [64, 128], strides = [1, 1]} : vector<64x384xf32> to vector<64x128xf32>
    %mul3A_602 = arith.mulf %logistic3A_590, %slice3A_601 : vector<64x128xf32>
    %add3A_603 = arith.addf %slice3A_600, %mul3A_602 : vector<64x128xf32>
    %tanh3A_604 = math.tanh %add3A_603 : vector<64x128xf32>
    %sub3A_605 = arith.constant 1.000000e+00 : f32
    %sub3A_606 = vector.broadcast %sub3A_605 : f32 to vector<64x128xf32>
    %sub3A_607 = arith.subf %sub3A_606, %logistic3A_599 : vector<64x128xf32>
    %mul3A_608 = arith.mulf %sub3A_607, %tanh3A_604 : vector<64x128xf32>
    %mul3A_609 = arith.mulf %logistic3A_599, %add3A_576 : vector<64x128xf32>
    %add3A_610 = arith.addf %mul3A_608, %mul3A_609 : vector<64x128xf32>
    %slice3A_611 = vector.extract_strided_slice %add3A_367 {offsets = [448, 0], sizes = [64, 384], strides = [1, 1]} : vector<640x384xf32> to vector<64x384xf32>
    %dot_general3A_612 = arith.constant dense<0.000000e+00> : vector<64x384xf32>
    %dot_general3A_613 = tpu.matmul %add3A_610, %get3A_360, %dot_general3A_612 {dimension_numbers = #tpu.dot_dimension_numbers<[1], [1], [0], [0], [0, 0, 1, 0], [], []>, transpose_lhs_hint = false} : vector<64x128xf32>, vector<384x128xf32>, vector<64x384xf32> -> vector<64x384xf32>
    %add3A_614 = vector.broadcast %get3A_372 : vector<1x384xf32> to vector<64x384xf32>
    %add3A_615 = arith.addf %dot_general3A_613, %add3A_614 : vector<64x384xf32>
    %slice3A_616 = vector.extract_strided_slice %slice3A_611 {offsets = [0, 0], sizes = [64, 128], strides = [1, 1]} : vector<64x384xf32> to vector<64x128xf32>
    %slice3A_617 = vector.extract_strided_slice %add3A_615 {offsets = [0, 0], sizes = [64, 128], strides = [1, 1]} : vector<64x384xf32> to vector<64x128xf32>
    %add3A_618 = arith.addf %slice3A_616, %slice3A_617 : vector<64x128xf32>
    %logistic3A_619 = arith.negf %add3A_618 : vector<64x128xf32>
    %logistic3A_620 = math.exp %logistic3A_619 : vector<64x128xf32>
    %logistic3A_621 = arith.constant 1.000000e+00 : f32
    %logistic3A_622 = vector.broadcast %logistic3A_621 : f32 to vector<64x128xf32>
    %logistic3A_623 = arith.addf %logistic3A_622, %logistic3A_620 : vector<64x128xf32>
    %logistic3A_624 = arith.divf %logistic3A_622, %logistic3A_623 : vector<64x128xf32>
    %slice3A_625 = vector.extract_strided_slice %slice3A_611 {offsets = [0, 128], sizes = [64, 128], strides = [1, 1]} : vector<64x384xf32> to vector<64x128xf32>
    %slice3A_626 = vector.extract_strided_slice %add3A_615 {offsets = [0, 128], sizes = [64, 128], strides = [1, 1]} : vector<64x384xf32> to vector<64x128xf32>
    %add3A_627 = arith.addf %slice3A_625, %slice3A_626 : vector<64x128xf32>
    %logistic3A_628 = arith.negf %add3A_627 : vector<64x128xf32>
    %logistic3A_629 = math.exp %logistic3A_628 : vector<64x128xf32>
    %logistic3A_630 = arith.constant 1.000000e+00 : f32
    %logistic3A_631 = vector.broadcast %logistic3A_630 : f32 to vector<64x128xf32>
    %logistic3A_632 = arith.addf %logistic3A_631, %logistic3A_629 : vector<64x128xf32>
    %logistic3A_633 = arith.divf %logistic3A_631, %logistic3A_632 : vector<64x128xf32>
    %slice3A_634 = vector.extract_strided_slice %slice3A_611 {offsets = [0, 256], sizes = [64, 128], strides = [1, 1]} : vector<64x384xf32> to vector<64x128xf32>
    %slice3A_635 = vector.extract_strided_slice %add3A_615 {offsets = [0, 256], sizes = [64, 128], strides = [1, 1]} : vector<64x384xf32> to vector<64x128xf32>
    %mul3A_636 = arith.mulf %logistic3A_624, %slice3A_635 : vector<64x128xf32>
    %add3A_637 = arith.addf %slice3A_634, %mul3A_636 : vector<64x128xf32>
    %tanh3A_638 = math.tanh %add3A_637 : vector<64x128xf32>
    %sub3A_639 = arith.constant 1.000000e+00 : f32
    %sub3A_640 = vector.broadcast %sub3A_639 : f32 to vector<64x128xf32>
    %sub3A_641 = arith.subf %sub3A_640, %logistic3A_633 : vector<64x128xf32>
    %mul3A_642 = arith.mulf %sub3A_641, %tanh3A_638 : vector<64x128xf32>
    %mul3A_643 = arith.mulf %logistic3A_633, %add3A_610 : vector<64x128xf32>
    %add3A_644 = arith.addf %mul3A_642, %mul3A_643 : vector<64x128xf32>
    %slice3A_645 = vector.extract_strided_slice %add3A_367 {offsets = [512, 0], sizes = [64, 384], strides = [1, 1]} : vector<640x384xf32> to vector<64x384xf32>
    %dot_general3A_646 = arith.constant dense<0.000000e+00> : vector<64x384xf32>
    %dot_general3A_647 = tpu.matmul %add3A_644, %get3A_360, %dot_general3A_646 {dimension_numbers = #tpu.dot_dimension_numbers<[1], [1], [0], [0], [0, 0, 1, 0], [], []>, transpose_lhs_hint = false} : vector<64x128xf32>, vector<384x128xf32>, vector<64x384xf32> -> vector<64x384xf32>
    %add3A_648 = vector.broadcast %get3A_372 : vector<1x384xf32> to vector<64x384xf32>
    %add3A_649 = arith.addf %dot_general3A_647, %add3A_648 : vector<64x384xf32>
    %slice3A_650 = vector.extract_strided_slice %slice3A_645 {offsets = [0, 0], sizes = [64, 128], strides = [1, 1]} : vector<64x384xf32> to vector<64x128xf32>
    %slice3A_651 = vector.extract_strided_slice %add3A_649 {offsets = [0, 0], sizes = [64, 128], strides = [1, 1]} : vector<64x384xf32> to vector<64x128xf32>
    %add3A_652 = arith.addf %slice3A_650, %slice3A_651 : vector<64x128xf32>
    %logistic3A_653 = arith.negf %add3A_652 : vector<64x128xf32>
    %logistic3A_654 = math.exp %logistic3A_653 : vector<64x128xf32>
    %logistic3A_655 = arith.constant 1.000000e+00 : f32
    %logistic3A_656 = vector.broadcast %logistic3A_655 : f32 to vector<64x128xf32>
    %logistic3A_657 = arith.addf %logistic3A_656, %logistic3A_654 : vector<64x128xf32>
    %logistic3A_658 = arith.divf %logistic3A_656, %logistic3A_657 : vector<64x128xf32>
    %slice3A_659 = vector.extract_strided_slice %slice3A_645 {offsets = [0, 128], sizes = [64, 128], strides = [1, 1]} : vector<64x384xf32> to vector<64x128xf32>
    %slice3A_660 = vector.extract_strided_slice %add3A_649 {offsets = [0, 128], sizes = [64, 128], strides = [1, 1]} : vector<64x384xf32> to vector<64x128xf32>
    %add3A_661 = arith.addf %slice3A_659, %slice3A_660 : vector<64x128xf32>
    %logistic3A_662 = arith.negf %add3A_661 : vector<64x128xf32>
    %logistic3A_663 = math.exp %logistic3A_662 : vector<64x128xf32>
    %logistic3A_664 = arith.constant 1.000000e+00 : f32
    %logistic3A_665 = vector.broadcast %logistic3A_664 : f32 to vector<64x128xf32>
    %logistic3A_666 = arith.addf %logistic3A_665, %logistic3A_663 : vector<64x128xf32>
    %logistic3A_667 = arith.divf %logistic3A_665, %logistic3A_666 : vector<64x128xf32>
    %slice3A_668 = vector.extract_strided_slice %slice3A_645 {offsets = [0, 256], sizes = [64, 128], strides = [1, 1]} : vector<64x384xf32> to vector<64x128xf32>
    %slice3A_669 = vector.extract_strided_slice %add3A_649 {offsets = [0, 256], sizes = [64, 128], strides = [1, 1]} : vector<64x384xf32> to vector<64x128xf32>
    %mul3A_670 = arith.mulf %logistic3A_658, %slice3A_669 : vector<64x128xf32>
    %add3A_671 = arith.addf %slice3A_668, %mul3A_670 : vector<64x128xf32>
    %tanh3A_672 = math.tanh %add3A_671 : vector<64x128xf32>
    %sub3A_673 = arith.constant 1.000000e+00 : f32
    %sub3A_674 = vector.broadcast %sub3A_673 : f32 to vector<64x128xf32>
    %sub3A_675 = arith.subf %sub3A_674, %logistic3A_667 : vector<64x128xf32>
    %mul3A_676 = arith.mulf %sub3A_675, %tanh3A_672 : vector<64x128xf32>
    %mul3A_677 = arith.mulf %logistic3A_667, %add3A_644 : vector<64x128xf32>
    %add3A_678 = arith.addf %mul3A_676, %mul3A_677 : vector<64x128xf32>
    %slice3A_679 = vector.extract_strided_slice %add3A_367 {offsets = [576, 0], sizes = [64, 384], strides = [1, 1]} : vector<640x384xf32> to vector<64x384xf32>
    %dot_general3A_680 = arith.constant dense<0.000000e+00> : vector<64x384xf32>
    %dot_general3A_681 = tpu.matmul %add3A_678, %get3A_360, %dot_general3A_680 {dimension_numbers = #tpu.dot_dimension_numbers<[1], [1], [0], [0], [0, 0, 1, 0], [], []>, transpose_lhs_hint = false} : vector<64x128xf32>, vector<384x128xf32>, vector<64x384xf32> -> vector<64x384xf32>
    %add3A_682 = vector.broadcast %get3A_372 : vector<1x384xf32> to vector<64x384xf32>
    %add3A_683 = arith.addf %dot_general3A_681, %add3A_682 : vector<64x384xf32>
    %slice3A_684 = vector.extract_strided_slice %slice3A_679 {offsets = [0, 0], sizes = [64, 128], strides = [1, 1]} : vector<64x384xf32> to vector<64x128xf32>
    %slice3A_685 = vector.extract_strided_slice %add3A_683 {offsets = [0, 0], sizes = [64, 128], strides = [1, 1]} : vector<64x384xf32> to vector<64x128xf32>
    %add3A_686 = arith.addf %slice3A_684, %slice3A_685 : vector<64x128xf32>
    %logistic3A_687 = arith.negf %add3A_686 : vector<64x128xf32>
    %logistic3A_688 = math.exp %logistic3A_687 : vector<64x128xf32>
    %logistic3A_689 = arith.constant 1.000000e+00 : f32
    %logistic3A_690 = vector.broadcast %logistic3A_689 : f32 to vector<64x128xf32>
    %logistic3A_691 = arith.addf %logistic3A_690, %logistic3A_688 : vector<64x128xf32>
    %logistic3A_692 = arith.divf %logistic3A_690, %logistic3A_691 : vector<64x128xf32>
    %slice3A_693 = vector.extract_strided_slice %slice3A_679 {offsets = [0, 128], sizes = [64, 128], strides = [1, 1]} : vector<64x384xf32> to vector<64x128xf32>
    %slice3A_694 = vector.extract_strided_slice %add3A_683 {offsets = [0, 128], sizes = [64, 128], strides = [1, 1]} : vector<64x384xf32> to vector<64x128xf32>
    %add3A_695 = arith.addf %slice3A_693, %slice3A_694 : vector<64x128xf32>
    %logistic3A_696 = arith.negf %add3A_695 : vector<64x128xf32>
    %logistic3A_697 = math.exp %logistic3A_696 : vector<64x128xf32>
    %logistic3A_698 = arith.constant 1.000000e+00 : f32
    %logistic3A_699 = vector.broadcast %logistic3A_698 : f32 to vector<64x128xf32>
    %logistic3A_700 = arith.addf %logistic3A_699, %logistic3A_697 : vector<64x128xf32>
    %logistic3A_701 = arith.divf %logistic3A_699, %logistic3A_700 : vector<64x128xf32>
    %slice3A_702 = vector.extract_strided_slice %slice3A_679 {offsets = [0, 256], sizes = [64, 128], strides = [1, 1]} : vector<64x384xf32> to vector<64x128xf32>
    %slice3A_703 = vector.extract_strided_slice %add3A_683 {offsets = [0, 256], sizes = [64, 128], strides = [1, 1]} : vector<64x384xf32> to vector<64x128xf32>
    %mul3A_704 = arith.mulf %logistic3A_692, %slice3A_703 : vector<64x128xf32>
    %add3A_705 = arith.addf %slice3A_702, %mul3A_704 : vector<64x128xf32>
    %tanh3A_706 = math.tanh %add3A_705 : vector<64x128xf32>
    %sub3A_707 = arith.constant 1.000000e+00 : f32
    %sub3A_708 = vector.broadcast %sub3A_707 : f32 to vector<64x128xf32>
    %sub3A_709 = arith.subf %sub3A_708, %logistic3A_701 : vector<64x128xf32>
    %mul3A_710 = arith.mulf %sub3A_709, %tanh3A_706 : vector<64x128xf32>
    %mul3A_711 = arith.mulf %logistic3A_701, %add3A_678 : vector<64x128xf32>
    %add3A_712 = arith.addf %mul3A_710, %mul3A_711 : vector<64x128xf32>
    %get3A_713 = arith.constant 0 : index
    %get3A_714 = arith.constant 0 : index
    %get3A_715 = vector.load %arg3[%get3A_713, %get3A_714] : memref<640x128xf32, #tpu.memory_space<vmem>>, vector<640x128xf32>
    %get3A_716 = arith.constant 0 : index
    %get3A_717 = arith.constant 0 : index
    %get3A_718 = vector.load %arg13[%get3A_716, %get3A_717] : memref<384x128xf32, #tpu.memory_space<vmem>>, vector<384x128xf32>
    %get3A_719 = arith.constant 0 : index
    %get3A_720 = arith.constant 0 : index
    %get3A_721 = vector.load %arg14[%get3A_719, %get3A_720] : memref<384x128xf32, #tpu.memory_space<vmem>>, vector<384x128xf32>
    %dot_general3A_722 = arith.constant dense<0.000000e+00> : vector<640x384xf32>
    %dot_general3A_723 = tpu.matmul %get3A_715, %get3A_718, %dot_general3A_722 {dimension_numbers = #tpu.dot_dimension_numbers<[1], [1], [0], [0], [0, 0, 1, 0], [], []>, transpose_lhs_hint = false} : vector<640x128xf32>, vector<384x128xf32>, vector<640x384xf32> -> vector<640x384xf32>
    %get3A_724 = arith.constant 0 : index
    %get3A_725 = arith.constant 0 : index
    %get3A_726 = vector.load %arg15[%get3A_724, %get3A_725] : memref<1x384xf32, #tpu.memory_space<vmem>>, vector<1x384xf32>
    %add3A_727 = vector.broadcast %get3A_726 : vector<1x384xf32> to vector<640x384xf32>
    %add3A_728 = arith.addf %dot_general3A_723, %add3A_727 : vector<640x384xf32>
    %broadcast_in_dim3A_729 = arith.constant 0.000000e+00 : f32
    %broadcast_in_dim3A_730 = vector.broadcast %broadcast_in_dim3A_729 : f32 to vector<64x128xf32>
    %get3A_731 = arith.constant 0 : index
    %get3A_732 = arith.constant 0 : index
    %get3A_733 = vector.load %arg16[%get3A_731, %get3A_732] : memref<1x384xf32, #tpu.memory_space<vmem>>, vector<1x384xf32>
    %slice3A_734 = vector.extract_strided_slice %add3A_728 {offsets = [0, 0], sizes = [64, 384], strides = [1, 1]} : vector<640x384xf32> to vector<64x384xf32>
    %dot_general3A_735 = arith.constant dense<0.000000e+00> : vector<64x384xf32>
    %dot_general3A_736 = tpu.matmul %broadcast_in_dim3A_730, %get3A_721, %dot_general3A_735 {dimension_numbers = #tpu.dot_dimension_numbers<[1], [1], [0], [0], [0, 0, 1, 0], [], []>, transpose_lhs_hint = false} : vector<64x128xf32>, vector<384x128xf32>, vector<64x384xf32> -> vector<64x384xf32>
    %add3A_737 = vector.broadcast %get3A_733 : vector<1x384xf32> to vector<64x384xf32>
    %add3A_738 = arith.addf %dot_general3A_736, %add3A_737 : vector<64x384xf32>
    %slice3A_739 = vector.extract_strided_slice %slice3A_734 {offsets = [0, 0], sizes = [64, 128], strides = [1, 1]} : vector<64x384xf32> to vector<64x128xf32>
    %slice3A_740 = vector.extract_strided_slice %add3A_738 {offsets = [0, 0], sizes = [64, 128], strides = [1, 1]} : vector<64x384xf32> to vector<64x128xf32>
    %add3A_741 = arith.addf %slice3A_739, %slice3A_740 : vector<64x128xf32>
    %logistic3A_742 = arith.negf %add3A_741 : vector<64x128xf32>
    %logistic3A_743 = math.exp %logistic3A_742 : vector<64x128xf32>
    %logistic3A_744 = arith.constant 1.000000e+00 : f32
    %logistic3A_745 = vector.broadcast %logistic3A_744 : f32 to vector<64x128xf32>
    %logistic3A_746 = arith.addf %logistic3A_745, %logistic3A_743 : vector<64x128xf32>
    %logistic3A_747 = arith.divf %logistic3A_745, %logistic3A_746 : vector<64x128xf32>
    %slice3A_748 = vector.extract_strided_slice %slice3A_734 {offsets = [0, 128], sizes = [64, 128], strides = [1, 1]} : vector<64x384xf32> to vector<64x128xf32>
    %slice3A_749 = vector.extract_strided_slice %add3A_738 {offsets = [0, 128], sizes = [64, 128], strides = [1, 1]} : vector<64x384xf32> to vector<64x128xf32>
    %add3A_750 = arith.addf %slice3A_748, %slice3A_749 : vector<64x128xf32>
    %logistic3A_751 = arith.negf %add3A_750 : vector<64x128xf32>
    %logistic3A_752 = math.exp %logistic3A_751 : vector<64x128xf32>
    %logistic3A_753 = arith.constant 1.000000e+00 : f32
    %logistic3A_754 = vector.broadcast %logistic3A_753 : f32 to vector<64x128xf32>
    %logistic3A_755 = arith.addf %logistic3A_754, %logistic3A_752 : vector<64x128xf32>
    %logistic3A_756 = arith.divf %logistic3A_754, %logistic3A_755 : vector<64x128xf32>
    %slice3A_757 = vector.extract_strided_slice %slice3A_734 {offsets = [0, 256], sizes = [64, 128], strides = [1, 1]} : vector<64x384xf32> to vector<64x128xf32>
    %slice3A_758 = vector.extract_strided_slice %add3A_738 {offsets = [0, 256], sizes = [64, 128], strides = [1, 1]} : vector<64x384xf32> to vector<64x128xf32>
    %mul3A_759 = arith.mulf %logistic3A_747, %slice3A_758 : vector<64x128xf32>
    %add3A_760 = arith.addf %slice3A_757, %mul3A_759 : vector<64x128xf32>
    %tanh3A_761 = math.tanh %add3A_760 : vector<64x128xf32>
    %sub3A_762 = arith.constant 1.000000e+00 : f32
    %sub3A_763 = vector.broadcast %sub3A_762 : f32 to vector<64x128xf32>
    %sub3A_764 = arith.subf %sub3A_763, %logistic3A_756 : vector<64x128xf32>
    %mul3A_765 = arith.mulf %sub3A_764, %tanh3A_761 : vector<64x128xf32>
    %mul3A_766 = arith.mulf %logistic3A_756, %broadcast_in_dim3A_730 : vector<64x128xf32>
    %add3A_767 = arith.addf %mul3A_765, %mul3A_766 : vector<64x128xf32>
    %slice3A_768 = vector.extract_strided_slice %add3A_728 {offsets = [64, 0], sizes = [64, 384], strides = [1, 1]} : vector<640x384xf32> to vector<64x384xf32>
    %dot_general3A_769 = arith.constant dense<0.000000e+00> : vector<64x384xf32>
    %dot_general3A_770 = tpu.matmul %add3A_767, %get3A_721, %dot_general3A_769 {dimension_numbers = #tpu.dot_dimension_numbers<[1], [1], [0], [0], [0, 0, 1, 0], [], []>, transpose_lhs_hint = false} : vector<64x128xf32>, vector<384x128xf32>, vector<64x384xf32> -> vector<64x384xf32>
    %add3A_771 = vector.broadcast %get3A_733 : vector<1x384xf32> to vector<64x384xf32>
    %add3A_772 = arith.addf %dot_general3A_770, %add3A_771 : vector<64x384xf32>
    %slice3A_773 = vector.extract_strided_slice %slice3A_768 {offsets = [0, 0], sizes = [64, 128], strides = [1, 1]} : vector<64x384xf32> to vector<64x128xf32>
    %slice3A_774 = vector.extract_strided_slice %add3A_772 {offsets = [0, 0], sizes = [64, 128], strides = [1, 1]} : vector<64x384xf32> to vector<64x128xf32>
    %add3A_775 = arith.addf %slice3A_773, %slice3A_774 : vector<64x128xf32>
    %logistic3A_776 = arith.negf %add3A_775 : vector<64x128xf32>
    %logistic3A_777 = math.exp %logistic3A_776 : vector<64x128xf32>
    %logistic3A_778 = arith.constant 1.000000e+00 : f32
    %logistic3A_779 = vector.broadcast %logistic3A_778 : f32 to vector<64x128xf32>
    %logistic3A_780 = arith.addf %logistic3A_779, %logistic3A_777 : vector<64x128xf32>
    %logistic3A_781 = arith.divf %logistic3A_779, %logistic3A_780 : vector<64x128xf32>
    %slice3A_782 = vector.extract_strided_slice %slice3A_768 {offsets = [0, 128], sizes = [64, 128], strides = [1, 1]} : vector<64x384xf32> to vector<64x128xf32>
    %slice3A_783 = vector.extract_strided_slice %add3A_772 {offsets = [0, 128], sizes = [64, 128], strides = [1, 1]} : vector<64x384xf32> to vector<64x128xf32>
    %add3A_784 = arith.addf %slice3A_782, %slice3A_783 : vector<64x128xf32>
    %logistic3A_785 = arith.negf %add3A_784 : vector<64x128xf32>
    %logistic3A_786 = math.exp %logistic3A_785 : vector<64x128xf32>
    %logistic3A_787 = arith.constant 1.000000e+00 : f32
    %logistic3A_788 = vector.broadcast %logistic3A_787 : f32 to vector<64x128xf32>
    %logistic3A_789 = arith.addf %logistic3A_788, %logistic3A_786 : vector<64x128xf32>
    %logistic3A_790 = arith.divf %logistic3A_788, %logistic3A_789 : vector<64x128xf32>
    %slice3A_791 = vector.extract_strided_slice %slice3A_768 {offsets = [0, 256], sizes = [64, 128], strides = [1, 1]} : vector<64x384xf32> to vector<64x128xf32>
    %slice3A_792 = vector.extract_strided_slice %add3A_772 {offsets = [0, 256], sizes = [64, 128], strides = [1, 1]} : vector<64x384xf32> to vector<64x128xf32>
    %mul3A_793 = arith.mulf %logistic3A_781, %slice3A_792 : vector<64x128xf32>
    %add3A_794 = arith.addf %slice3A_791, %mul3A_793 : vector<64x128xf32>
    %tanh3A_795 = math.tanh %add3A_794 : vector<64x128xf32>
    %sub3A_796 = arith.constant 1.000000e+00 : f32
    %sub3A_797 = vector.broadcast %sub3A_796 : f32 to vector<64x128xf32>
    %sub3A_798 = arith.subf %sub3A_797, %logistic3A_790 : vector<64x128xf32>
    %mul3A_799 = arith.mulf %sub3A_798, %tanh3A_795 : vector<64x128xf32>
    %mul3A_800 = arith.mulf %logistic3A_790, %add3A_767 : vector<64x128xf32>
    %add3A_801 = arith.addf %mul3A_799, %mul3A_800 : vector<64x128xf32>
    %slice3A_802 = vector.extract_strided_slice %add3A_728 {offsets = [128, 0], sizes = [64, 384], strides = [1, 1]} : vector<640x384xf32> to vector<64x384xf32>
    %dot_general3A_803 = arith.constant dense<0.000000e+00> : vector<64x384xf32>
    %dot_general3A_804 = tpu.matmul %add3A_801, %get3A_721, %dot_general3A_803 {dimension_numbers = #tpu.dot_dimension_numbers<[1], [1], [0], [0], [0, 0, 1, 0], [], []>, transpose_lhs_hint = false} : vector<64x128xf32>, vector<384x128xf32>, vector<64x384xf32> -> vector<64x384xf32>
    %add3A_805 = vector.broadcast %get3A_733 : vector<1x384xf32> to vector<64x384xf32>
    %add3A_806 = arith.addf %dot_general3A_804, %add3A_805 : vector<64x384xf32>
    %slice3A_807 = vector.extract_strided_slice %slice3A_802 {offsets = [0, 0], sizes = [64, 128], strides = [1, 1]} : vector<64x384xf32> to vector<64x128xf32>
    %slice3A_808 = vector.extract_strided_slice %add3A_806 {offsets = [0, 0], sizes = [64, 128], strides = [1, 1]} : vector<64x384xf32> to vector<64x128xf32>
    %add3A_809 = arith.addf %slice3A_807, %slice3A_808 : vector<64x128xf32>
    %logistic3A_810 = arith.negf %add3A_809 : vector<64x128xf32>
    %logistic3A_811 = math.exp %logistic3A_810 : vector<64x128xf32>
    %logistic3A_812 = arith.constant 1.000000e+00 : f32
    %logistic3A_813 = vector.broadcast %logistic3A_812 : f32 to vector<64x128xf32>
    %logistic3A_814 = arith.addf %logistic3A_813, %logistic3A_811 : vector<64x128xf32>
    %logistic3A_815 = arith.divf %logistic3A_813, %logistic3A_814 : vector<64x128xf32>
    %slice3A_816 = vector.extract_strided_slice %slice3A_802 {offsets = [0, 128], sizes = [64, 128], strides = [1, 1]} : vector<64x384xf32> to vector<64x128xf32>
    %slice3A_817 = vector.extract_strided_slice %add3A_806 {offsets = [0, 128], sizes = [64, 128], strides = [1, 1]} : vector<64x384xf32> to vector<64x128xf32>
    %add3A_818 = arith.addf %slice3A_816, %slice3A_817 : vector<64x128xf32>
    %logistic3A_819 = arith.negf %add3A_818 : vector<64x128xf32>
    %logistic3A_820 = math.exp %logistic3A_819 : vector<64x128xf32>
    %logistic3A_821 = arith.constant 1.000000e+00 : f32
    %logistic3A_822 = vector.broadcast %logistic3A_821 : f32 to vector<64x128xf32>
    %logistic3A_823 = arith.addf %logistic3A_822, %logistic3A_820 : vector<64x128xf32>
    %logistic3A_824 = arith.divf %logistic3A_822, %logistic3A_823 : vector<64x128xf32>
    %slice3A_825 = vector.extract_strided_slice %slice3A_802 {offsets = [0, 256], sizes = [64, 128], strides = [1, 1]} : vector<64x384xf32> to vector<64x128xf32>
    %slice3A_826 = vector.extract_strided_slice %add3A_806 {offsets = [0, 256], sizes = [64, 128], strides = [1, 1]} : vector<64x384xf32> to vector<64x128xf32>
    %mul3A_827 = arith.mulf %logistic3A_815, %slice3A_826 : vector<64x128xf32>
    %add3A_828 = arith.addf %slice3A_825, %mul3A_827 : vector<64x128xf32>
    %tanh3A_829 = math.tanh %add3A_828 : vector<64x128xf32>
    %sub3A_830 = arith.constant 1.000000e+00 : f32
    %sub3A_831 = vector.broadcast %sub3A_830 : f32 to vector<64x128xf32>
    %sub3A_832 = arith.subf %sub3A_831, %logistic3A_824 : vector<64x128xf32>
    %mul3A_833 = arith.mulf %sub3A_832, %tanh3A_829 : vector<64x128xf32>
    %mul3A_834 = arith.mulf %logistic3A_824, %add3A_801 : vector<64x128xf32>
    %add3A_835 = arith.addf %mul3A_833, %mul3A_834 : vector<64x128xf32>
    %slice3A_836 = vector.extract_strided_slice %add3A_728 {offsets = [192, 0], sizes = [64, 384], strides = [1, 1]} : vector<640x384xf32> to vector<64x384xf32>
    %dot_general3A_837 = arith.constant dense<0.000000e+00> : vector<64x384xf32>
    %dot_general3A_838 = tpu.matmul %add3A_835, %get3A_721, %dot_general3A_837 {dimension_numbers = #tpu.dot_dimension_numbers<[1], [1], [0], [0], [0, 0, 1, 0], [], []>, transpose_lhs_hint = false} : vector<64x128xf32>, vector<384x128xf32>, vector<64x384xf32> -> vector<64x384xf32>
    %add3A_839 = vector.broadcast %get3A_733 : vector<1x384xf32> to vector<64x384xf32>
    %add3A_840 = arith.addf %dot_general3A_838, %add3A_839 : vector<64x384xf32>
    %slice3A_841 = vector.extract_strided_slice %slice3A_836 {offsets = [0, 0], sizes = [64, 128], strides = [1, 1]} : vector<64x384xf32> to vector<64x128xf32>
    %slice3A_842 = vector.extract_strided_slice %add3A_840 {offsets = [0, 0], sizes = [64, 128], strides = [1, 1]} : vector<64x384xf32> to vector<64x128xf32>
    %add3A_843 = arith.addf %slice3A_841, %slice3A_842 : vector<64x128xf32>
    %logistic3A_844 = arith.negf %add3A_843 : vector<64x128xf32>
    %logistic3A_845 = math.exp %logistic3A_844 : vector<64x128xf32>
    %logistic3A_846 = arith.constant 1.000000e+00 : f32
    %logistic3A_847 = vector.broadcast %logistic3A_846 : f32 to vector<64x128xf32>
    %logistic3A_848 = arith.addf %logistic3A_847, %logistic3A_845 : vector<64x128xf32>
    %logistic3A_849 = arith.divf %logistic3A_847, %logistic3A_848 : vector<64x128xf32>
    %slice3A_850 = vector.extract_strided_slice %slice3A_836 {offsets = [0, 128], sizes = [64, 128], strides = [1, 1]} : vector<64x384xf32> to vector<64x128xf32>
    %slice3A_851 = vector.extract_strided_slice %add3A_840 {offsets = [0, 128], sizes = [64, 128], strides = [1, 1]} : vector<64x384xf32> to vector<64x128xf32>
    %add3A_852 = arith.addf %slice3A_850, %slice3A_851 : vector<64x128xf32>
    %logistic3A_853 = arith.negf %add3A_852 : vector<64x128xf32>
    %logistic3A_854 = math.exp %logistic3A_853 : vector<64x128xf32>
    %logistic3A_855 = arith.constant 1.000000e+00 : f32
    %logistic3A_856 = vector.broadcast %logistic3A_855 : f32 to vector<64x128xf32>
    %logistic3A_857 = arith.addf %logistic3A_856, %logistic3A_854 : vector<64x128xf32>
    %logistic3A_858 = arith.divf %logistic3A_856, %logistic3A_857 : vector<64x128xf32>
    %slice3A_859 = vector.extract_strided_slice %slice3A_836 {offsets = [0, 256], sizes = [64, 128], strides = [1, 1]} : vector<64x384xf32> to vector<64x128xf32>
    %slice3A_860 = vector.extract_strided_slice %add3A_840 {offsets = [0, 256], sizes = [64, 128], strides = [1, 1]} : vector<64x384xf32> to vector<64x128xf32>
    %mul3A_861 = arith.mulf %logistic3A_849, %slice3A_860 : vector<64x128xf32>
    %add3A_862 = arith.addf %slice3A_859, %mul3A_861 : vector<64x128xf32>
    %tanh3A_863 = math.tanh %add3A_862 : vector<64x128xf32>
    %sub3A_864 = arith.constant 1.000000e+00 : f32
    %sub3A_865 = vector.broadcast %sub3A_864 : f32 to vector<64x128xf32>
    %sub3A_866 = arith.subf %sub3A_865, %logistic3A_858 : vector<64x128xf32>
    %mul3A_867 = arith.mulf %sub3A_866, %tanh3A_863 : vector<64x128xf32>
    %mul3A_868 = arith.mulf %logistic3A_858, %add3A_835 : vector<64x128xf32>
    %add3A_869 = arith.addf %mul3A_867, %mul3A_868 : vector<64x128xf32>
    %slice3A_870 = vector.extract_strided_slice %add3A_728 {offsets = [256, 0], sizes = [64, 384], strides = [1, 1]} : vector<640x384xf32> to vector<64x384xf32>
    %dot_general3A_871 = arith.constant dense<0.000000e+00> : vector<64x384xf32>
    %dot_general3A_872 = tpu.matmul %add3A_869, %get3A_721, %dot_general3A_871 {dimension_numbers = #tpu.dot_dimension_numbers<[1], [1], [0], [0], [0, 0, 1, 0], [], []>, transpose_lhs_hint = false} : vector<64x128xf32>, vector<384x128xf32>, vector<64x384xf32> -> vector<64x384xf32>
    %add3A_873 = vector.broadcast %get3A_733 : vector<1x384xf32> to vector<64x384xf32>
    %add3A_874 = arith.addf %dot_general3A_872, %add3A_873 : vector<64x384xf32>
    %slice3A_875 = vector.extract_strided_slice %slice3A_870 {offsets = [0, 0], sizes = [64, 128], strides = [1, 1]} : vector<64x384xf32> to vector<64x128xf32>
    %slice3A_876 = vector.extract_strided_slice %add3A_874 {offsets = [0, 0], sizes = [64, 128], strides = [1, 1]} : vector<64x384xf32> to vector<64x128xf32>
    %add3A_877 = arith.addf %slice3A_875, %slice3A_876 : vector<64x128xf32>
    %logistic3A_878 = arith.negf %add3A_877 : vector<64x128xf32>
    %logistic3A_879 = math.exp %logistic3A_878 : vector<64x128xf32>
    %logistic3A_880 = arith.constant 1.000000e+00 : f32
    %logistic3A_881 = vector.broadcast %logistic3A_880 : f32 to vector<64x128xf32>
    %logistic3A_882 = arith.addf %logistic3A_881, %logistic3A_879 : vector<64x128xf32>
    %logistic3A_883 = arith.divf %logistic3A_881, %logistic3A_882 : vector<64x128xf32>
    %slice3A_884 = vector.extract_strided_slice %slice3A_870 {offsets = [0, 128], sizes = [64, 128], strides = [1, 1]} : vector<64x384xf32> to vector<64x128xf32>
    %slice3A_885 = vector.extract_strided_slice %add3A_874 {offsets = [0, 128], sizes = [64, 128], strides = [1, 1]} : vector<64x384xf32> to vector<64x128xf32>
    %add3A_886 = arith.addf %slice3A_884, %slice3A_885 : vector<64x128xf32>
    %logistic3A_887 = arith.negf %add3A_886 : vector<64x128xf32>
    %logistic3A_888 = math.exp %logistic3A_887 : vector<64x128xf32>
    %logistic3A_889 = arith.constant 1.000000e+00 : f32
    %logistic3A_890 = vector.broadcast %logistic3A_889 : f32 to vector<64x128xf32>
    %logistic3A_891 = arith.addf %logistic3A_890, %logistic3A_888 : vector<64x128xf32>
    %logistic3A_892 = arith.divf %logistic3A_890, %logistic3A_891 : vector<64x128xf32>
    %slice3A_893 = vector.extract_strided_slice %slice3A_870 {offsets = [0, 256], sizes = [64, 128], strides = [1, 1]} : vector<64x384xf32> to vector<64x128xf32>
    %slice3A_894 = vector.extract_strided_slice %add3A_874 {offsets = [0, 256], sizes = [64, 128], strides = [1, 1]} : vector<64x384xf32> to vector<64x128xf32>
    %mul3A_895 = arith.mulf %logistic3A_883, %slice3A_894 : vector<64x128xf32>
    %add3A_896 = arith.addf %slice3A_893, %mul3A_895 : vector<64x128xf32>
    %tanh3A_897 = math.tanh %add3A_896 : vector<64x128xf32>
    %sub3A_898 = arith.constant 1.000000e+00 : f32
    %sub3A_899 = vector.broadcast %sub3A_898 : f32 to vector<64x128xf32>
    %sub3A_900 = arith.subf %sub3A_899, %logistic3A_892 : vector<64x128xf32>
    %mul3A_901 = arith.mulf %sub3A_900, %tanh3A_897 : vector<64x128xf32>
    %mul3A_902 = arith.mulf %logistic3A_892, %add3A_869 : vector<64x128xf32>
    %add3A_903 = arith.addf %mul3A_901, %mul3A_902 : vector<64x128xf32>
    %slice3A_904 = vector.extract_strided_slice %add3A_728 {offsets = [320, 0], sizes = [64, 384], strides = [1, 1]} : vector<640x384xf32> to vector<64x384xf32>
    %dot_general3A_905 = arith.constant dense<0.000000e+00> : vector<64x384xf32>
    %dot_general3A_906 = tpu.matmul %add3A_903, %get3A_721, %dot_general3A_905 {dimension_numbers = #tpu.dot_dimension_numbers<[1], [1], [0], [0], [0, 0, 1, 0], [], []>, transpose_lhs_hint = false} : vector<64x128xf32>, vector<384x128xf32>, vector<64x384xf32> -> vector<64x384xf32>
    %add3A_907 = vector.broadcast %get3A_733 : vector<1x384xf32> to vector<64x384xf32>
    %add3A_908 = arith.addf %dot_general3A_906, %add3A_907 : vector<64x384xf32>
    %slice3A_909 = vector.extract_strided_slice %slice3A_904 {offsets = [0, 0], sizes = [64, 128], strides = [1, 1]} : vector<64x384xf32> to vector<64x128xf32>
    %slice3A_910 = vector.extract_strided_slice %add3A_908 {offsets = [0, 0], sizes = [64, 128], strides = [1, 1]} : vector<64x384xf32> to vector<64x128xf32>
    %add3A_911 = arith.addf %slice3A_909, %slice3A_910 : vector<64x128xf32>
    %logistic3A_912 = arith.negf %add3A_911 : vector<64x128xf32>
    %logistic3A_913 = math.exp %logistic3A_912 : vector<64x128xf32>
    %logistic3A_914 = arith.constant 1.000000e+00 : f32
    %logistic3A_915 = vector.broadcast %logistic3A_914 : f32 to vector<64x128xf32>
    %logistic3A_916 = arith.addf %logistic3A_915, %logistic3A_913 : vector<64x128xf32>
    %logistic3A_917 = arith.divf %logistic3A_915, %logistic3A_916 : vector<64x128xf32>
    %slice3A_918 = vector.extract_strided_slice %slice3A_904 {offsets = [0, 128], sizes = [64, 128], strides = [1, 1]} : vector<64x384xf32> to vector<64x128xf32>
    %slice3A_919 = vector.extract_strided_slice %add3A_908 {offsets = [0, 128], sizes = [64, 128], strides = [1, 1]} : vector<64x384xf32> to vector<64x128xf32>
    %add3A_920 = arith.addf %slice3A_918, %slice3A_919 : vector<64x128xf32>
    %logistic3A_921 = arith.negf %add3A_920 : vector<64x128xf32>
    %logistic3A_922 = math.exp %logistic3A_921 : vector<64x128xf32>
    %logistic3A_923 = arith.constant 1.000000e+00 : f32
    %logistic3A_924 = vector.broadcast %logistic3A_923 : f32 to vector<64x128xf32>
    %logistic3A_925 = arith.addf %logistic3A_924, %logistic3A_922 : vector<64x128xf32>
    %logistic3A_926 = arith.divf %logistic3A_924, %logistic3A_925 : vector<64x128xf32>
    %slice3A_927 = vector.extract_strided_slice %slice3A_904 {offsets = [0, 256], sizes = [64, 128], strides = [1, 1]} : vector<64x384xf32> to vector<64x128xf32>
    %slice3A_928 = vector.extract_strided_slice %add3A_908 {offsets = [0, 256], sizes = [64, 128], strides = [1, 1]} : vector<64x384xf32> to vector<64x128xf32>
    %mul3A_929 = arith.mulf %logistic3A_917, %slice3A_928 : vector<64x128xf32>
    %add3A_930 = arith.addf %slice3A_927, %mul3A_929 : vector<64x128xf32>
    %tanh3A_931 = math.tanh %add3A_930 : vector<64x128xf32>
    %sub3A_932 = arith.constant 1.000000e+00 : f32
    %sub3A_933 = vector.broadcast %sub3A_932 : f32 to vector<64x128xf32>
    %sub3A_934 = arith.subf %sub3A_933, %logistic3A_926 : vector<64x128xf32>
    %mul3A_935 = arith.mulf %sub3A_934, %tanh3A_931 : vector<64x128xf32>
    %mul3A_936 = arith.mulf %logistic3A_926, %add3A_903 : vector<64x128xf32>
    %add3A_937 = arith.addf %mul3A_935, %mul3A_936 : vector<64x128xf32>
    %slice3A_938 = vector.extract_strided_slice %add3A_728 {offsets = [384, 0], sizes = [64, 384], strides = [1, 1]} : vector<640x384xf32> to vector<64x384xf32>
    %dot_general3A_939 = arith.constant dense<0.000000e+00> : vector<64x384xf32>
    %dot_general3A_940 = tpu.matmul %add3A_937, %get3A_721, %dot_general3A_939 {dimension_numbers = #tpu.dot_dimension_numbers<[1], [1], [0], [0], [0, 0, 1, 0], [], []>, transpose_lhs_hint = false} : vector<64x128xf32>, vector<384x128xf32>, vector<64x384xf32> -> vector<64x384xf32>
    %add3A_941 = vector.broadcast %get3A_733 : vector<1x384xf32> to vector<64x384xf32>
    %add3A_942 = arith.addf %dot_general3A_940, %add3A_941 : vector<64x384xf32>
    %slice3A_943 = vector.extract_strided_slice %slice3A_938 {offsets = [0, 0], sizes = [64, 128], strides = [1, 1]} : vector<64x384xf32> to vector<64x128xf32>
    %slice3A_944 = vector.extract_strided_slice %add3A_942 {offsets = [0, 0], sizes = [64, 128], strides = [1, 1]} : vector<64x384xf32> to vector<64x128xf32>
    %add3A_945 = arith.addf %slice3A_943, %slice3A_944 : vector<64x128xf32>
    %logistic3A_946 = arith.negf %add3A_945 : vector<64x128xf32>
    %logistic3A_947 = math.exp %logistic3A_946 : vector<64x128xf32>
    %logistic3A_948 = arith.constant 1.000000e+00 : f32
    %logistic3A_949 = vector.broadcast %logistic3A_948 : f32 to vector<64x128xf32>
    %logistic3A_950 = arith.addf %logistic3A_949, %logistic3A_947 : vector<64x128xf32>
    %logistic3A_951 = arith.divf %logistic3A_949, %logistic3A_950 : vector<64x128xf32>
    %slice3A_952 = vector.extract_strided_slice %slice3A_938 {offsets = [0, 128], sizes = [64, 128], strides = [1, 1]} : vector<64x384xf32> to vector<64x128xf32>
    %slice3A_953 = vector.extract_strided_slice %add3A_942 {offsets = [0, 128], sizes = [64, 128], strides = [1, 1]} : vector<64x384xf32> to vector<64x128xf32>
    %add3A_954 = arith.addf %slice3A_952, %slice3A_953 : vector<64x128xf32>
    %logistic3A_955 = arith.negf %add3A_954 : vector<64x128xf32>
    %logistic3A_956 = math.exp %logistic3A_955 : vector<64x128xf32>
    %logistic3A_957 = arith.constant 1.000000e+00 : f32
    %logistic3A_958 = vector.broadcast %logistic3A_957 : f32 to vector<64x128xf32>
    %logistic3A_959 = arith.addf %logistic3A_958, %logistic3A_956 : vector<64x128xf32>
    %logistic3A_960 = arith.divf %logistic3A_958, %logistic3A_959 : vector<64x128xf32>
    %slice3A_961 = vector.extract_strided_slice %slice3A_938 {offsets = [0, 256], sizes = [64, 128], strides = [1, 1]} : vector<64x384xf32> to vector<64x128xf32>
    %slice3A_962 = vector.extract_strided_slice %add3A_942 {offsets = [0, 256], sizes = [64, 128], strides = [1, 1]} : vector<64x384xf32> to vector<64x128xf32>
    %mul3A_963 = arith.mulf %logistic3A_951, %slice3A_962 : vector<64x128xf32>
    %add3A_964 = arith.addf %slice3A_961, %mul3A_963 : vector<64x128xf32>
    %tanh3A_965 = math.tanh %add3A_964 : vector<64x128xf32>
    %sub3A_966 = arith.constant 1.000000e+00 : f32
    %sub3A_967 = vector.broadcast %sub3A_966 : f32 to vector<64x128xf32>
    %sub3A_968 = arith.subf %sub3A_967, %logistic3A_960 : vector<64x128xf32>
    %mul3A_969 = arith.mulf %sub3A_968, %tanh3A_965 : vector<64x128xf32>
    %mul3A_970 = arith.mulf %logistic3A_960, %add3A_937 : vector<64x128xf32>
    %add3A_971 = arith.addf %mul3A_969, %mul3A_970 : vector<64x128xf32>
    %slice3A_972 = vector.extract_strided_slice %add3A_728 {offsets = [448, 0], sizes = [64, 384], strides = [1, 1]} : vector<640x384xf32> to vector<64x384xf32>
    %dot_general3A_973 = arith.constant dense<0.000000e+00> : vector<64x384xf32>
    %dot_general3A_974 = tpu.matmul %add3A_971, %get3A_721, %dot_general3A_973 {dimension_numbers = #tpu.dot_dimension_numbers<[1], [1], [0], [0], [0, 0, 1, 0], [], []>, transpose_lhs_hint = false} : vector<64x128xf32>, vector<384x128xf32>, vector<64x384xf32> -> vector<64x384xf32>
    %add3A_975 = vector.broadcast %get3A_733 : vector<1x384xf32> to vector<64x384xf32>
    %add3A_976 = arith.addf %dot_general3A_974, %add3A_975 : vector<64x384xf32>
    %slice3A_977 = vector.extract_strided_slice %slice3A_972 {offsets = [0, 0], sizes = [64, 128], strides = [1, 1]} : vector<64x384xf32> to vector<64x128xf32>
    %slice3A_978 = vector.extract_strided_slice %add3A_976 {offsets = [0, 0], sizes = [64, 128], strides = [1, 1]} : vector<64x384xf32> to vector<64x128xf32>
    %add3A_979 = arith.addf %slice3A_977, %slice3A_978 : vector<64x128xf32>
    %logistic3A_980 = arith.negf %add3A_979 : vector<64x128xf32>
    %logistic3A_981 = math.exp %logistic3A_980 : vector<64x128xf32>
    %logistic3A_982 = arith.constant 1.000000e+00 : f32
    %logistic3A_983 = vector.broadcast %logistic3A_982 : f32 to vector<64x128xf32>
    %logistic3A_984 = arith.addf %logistic3A_983, %logistic3A_981 : vector<64x128xf32>
    %logistic3A_985 = arith.divf %logistic3A_983, %logistic3A_984 : vector<64x128xf32>
    %slice3A_986 = vector.extract_strided_slice %slice3A_972 {offsets = [0, 128], sizes = [64, 128], strides = [1, 1]} : vector<64x384xf32> to vector<64x128xf32>
    %slice3A_987 = vector.extract_strided_slice %add3A_976 {offsets = [0, 128], sizes = [64, 128], strides = [1, 1]} : vector<64x384xf32> to vector<64x128xf32>
    %add3A_988 = arith.addf %slice3A_986, %slice3A_987 : vector<64x128xf32>
    %logistic3A_989 = arith.negf %add3A_988 : vector<64x128xf32>
    %logistic3A_990 = math.exp %logistic3A_989 : vector<64x128xf32>
    %logistic3A_991 = arith.constant 1.000000e+00 : f32
    %logistic3A_992 = vector.broadcast %logistic3A_991 : f32 to vector<64x128xf32>
    %logistic3A_993 = arith.addf %logistic3A_992, %logistic3A_990 : vector<64x128xf32>
    %logistic3A_994 = arith.divf %logistic3A_992, %logistic3A_993 : vector<64x128xf32>
    %slice3A_995 = vector.extract_strided_slice %slice3A_972 {offsets = [0, 256], sizes = [64, 128], strides = [1, 1]} : vector<64x384xf32> to vector<64x128xf32>
    %slice3A_996 = vector.extract_strided_slice %add3A_976 {offsets = [0, 256], sizes = [64, 128], strides = [1, 1]} : vector<64x384xf32> to vector<64x128xf32>
    %mul3A_997 = arith.mulf %logistic3A_985, %slice3A_996 : vector<64x128xf32>
    %add3A_998 = arith.addf %slice3A_995, %mul3A_997 : vector<64x128xf32>
    %tanh3A_999 = math.tanh %add3A_998 : vector<64x128xf32>
    %sub3A_1000 = arith.constant 1.000000e+00 : f32
    %sub3A_1001 = vector.broadcast %sub3A_1000 : f32 to vector<64x128xf32>
    %sub3A_1002 = arith.subf %sub3A_1001, %logistic3A_994 : vector<64x128xf32>
    %mul3A_1003 = arith.mulf %sub3A_1002, %tanh3A_999 : vector<64x128xf32>
    %mul3A_1004 = arith.mulf %logistic3A_994, %add3A_971 : vector<64x128xf32>
    %add3A_1005 = arith.addf %mul3A_1003, %mul3A_1004 : vector<64x128xf32>
    %slice3A_1006 = vector.extract_strided_slice %add3A_728 {offsets = [512, 0], sizes = [64, 384], strides = [1, 1]} : vector<640x384xf32> to vector<64x384xf32>
    %dot_general3A_1007 = arith.constant dense<0.000000e+00> : vector<64x384xf32>
    %dot_general3A_1008 = tpu.matmul %add3A_1005, %get3A_721, %dot_general3A_1007 {dimension_numbers = #tpu.dot_dimension_numbers<[1], [1], [0], [0], [0, 0, 1, 0], [], []>, transpose_lhs_hint = false} : vector<64x128xf32>, vector<384x128xf32>, vector<64x384xf32> -> vector<64x384xf32>
    %add3A_1009 = vector.broadcast %get3A_733 : vector<1x384xf32> to vector<64x384xf32>
    %add3A_1010 = arith.addf %dot_general3A_1008, %add3A_1009 : vector<64x384xf32>
    %slice3A_1011 = vector.extract_strided_slice %slice3A_1006 {offsets = [0, 0], sizes = [64, 128], strides = [1, 1]} : vector<64x384xf32> to vector<64x128xf32>
    %slice3A_1012 = vector.extract_strided_slice %add3A_1010 {offsets = [0, 0], sizes = [64, 128], strides = [1, 1]} : vector<64x384xf32> to vector<64x128xf32>
    %add3A_1013 = arith.addf %slice3A_1011, %slice3A_1012 : vector<64x128xf32>
    %logistic3A_1014 = arith.negf %add3A_1013 : vector<64x128xf32>
    %logistic3A_1015 = math.exp %logistic3A_1014 : vector<64x128xf32>
    %logistic3A_1016 = arith.constant 1.000000e+00 : f32
    %logistic3A_1017 = vector.broadcast %logistic3A_1016 : f32 to vector<64x128xf32>
    %logistic3A_1018 = arith.addf %logistic3A_1017, %logistic3A_1015 : vector<64x128xf32>
    %logistic3A_1019 = arith.divf %logistic3A_1017, %logistic3A_1018 : vector<64x128xf32>
    %slice3A_1020 = vector.extract_strided_slice %slice3A_1006 {offsets = [0, 128], sizes = [64, 128], strides = [1, 1]} : vector<64x384xf32> to vector<64x128xf32>
    %slice3A_1021 = vector.extract_strided_slice %add3A_1010 {offsets = [0, 128], sizes = [64, 128], strides = [1, 1]} : vector<64x384xf32> to vector<64x128xf32>
    %add3A_1022 = arith.addf %slice3A_1020, %slice3A_1021 : vector<64x128xf32>
    %logistic3A_1023 = arith.negf %add3A_1022 : vector<64x128xf32>
    %logistic3A_1024 = math.exp %logistic3A_1023 : vector<64x128xf32>
    %logistic3A_1025 = arith.constant 1.000000e+00 : f32
    %logistic3A_1026 = vector.broadcast %logistic3A_1025 : f32 to vector<64x128xf32>
    %logistic3A_1027 = arith.addf %logistic3A_1026, %logistic3A_1024 : vector<64x128xf32>
    %logistic3A_1028 = arith.divf %logistic3A_1026, %logistic3A_1027 : vector<64x128xf32>
    %slice3A_1029 = vector.extract_strided_slice %slice3A_1006 {offsets = [0, 256], sizes = [64, 128], strides = [1, 1]} : vector<64x384xf32> to vector<64x128xf32>
    %slice3A_1030 = vector.extract_strided_slice %add3A_1010 {offsets = [0, 256], sizes = [64, 128], strides = [1, 1]} : vector<64x384xf32> to vector<64x128xf32>
    %mul3A_1031 = arith.mulf %logistic3A_1019, %slice3A_1030 : vector<64x128xf32>
    %add3A_1032 = arith.addf %slice3A_1029, %mul3A_1031 : vector<64x128xf32>
    %tanh3A_1033 = math.tanh %add3A_1032 : vector<64x128xf32>
    %sub3A_1034 = arith.constant 1.000000e+00 : f32
    %sub3A_1035 = vector.broadcast %sub3A_1034 : f32 to vector<64x128xf32>
    %sub3A_1036 = arith.subf %sub3A_1035, %logistic3A_1028 : vector<64x128xf32>
    %mul3A_1037 = arith.mulf %sub3A_1036, %tanh3A_1033 : vector<64x128xf32>
    %mul3A_1038 = arith.mulf %logistic3A_1028, %add3A_1005 : vector<64x128xf32>
    %add3A_1039 = arith.addf %mul3A_1037, %mul3A_1038 : vector<64x128xf32>
    %slice3A_1040 = vector.extract_strided_slice %add3A_728 {offsets = [576, 0], sizes = [64, 384], strides = [1, 1]} : vector<640x384xf32> to vector<64x384xf32>
    %dot_general3A_1041 = arith.constant dense<0.000000e+00> : vector<64x384xf32>
    %dot_general3A_1042 = tpu.matmul %add3A_1039, %get3A_721, %dot_general3A_1041 {dimension_numbers = #tpu.dot_dimension_numbers<[1], [1], [0], [0], [0, 0, 1, 0], [], []>, transpose_lhs_hint = false} : vector<64x128xf32>, vector<384x128xf32>, vector<64x384xf32> -> vector<64x384xf32>
    %add3A_1043 = vector.broadcast %get3A_733 : vector<1x384xf32> to vector<64x384xf32>
    %add3A_1044 = arith.addf %dot_general3A_1042, %add3A_1043 : vector<64x384xf32>
    %slice3A_1045 = vector.extract_strided_slice %slice3A_1040 {offsets = [0, 0], sizes = [64, 128], strides = [1, 1]} : vector<64x384xf32> to vector<64x128xf32>
    %slice3A_1046 = vector.extract_strided_slice %add3A_1044 {offsets = [0, 0], sizes = [64, 128], strides = [1, 1]} : vector<64x384xf32> to vector<64x128xf32>
    %add3A_1047 = arith.addf %slice3A_1045, %slice3A_1046 : vector<64x128xf32>
    %logistic3A_1048 = arith.negf %add3A_1047 : vector<64x128xf32>
    %logistic3A_1049 = math.exp %logistic3A_1048 : vector<64x128xf32>
    %logistic3A_1050 = arith.constant 1.000000e+00 : f32
    %logistic3A_1051 = vector.broadcast %logistic3A_1050 : f32 to vector<64x128xf32>
    %logistic3A_1052 = arith.addf %logistic3A_1051, %logistic3A_1049 : vector<64x128xf32>
    %logistic3A_1053 = arith.divf %logistic3A_1051, %logistic3A_1052 : vector<64x128xf32>
    %slice3A_1054 = vector.extract_strided_slice %slice3A_1040 {offsets = [0, 128], sizes = [64, 128], strides = [1, 1]} : vector<64x384xf32> to vector<64x128xf32>
    %slice3A_1055 = vector.extract_strided_slice %add3A_1044 {offsets = [0, 128], sizes = [64, 128], strides = [1, 1]} : vector<64x384xf32> to vector<64x128xf32>
    %add3A_1056 = arith.addf %slice3A_1054, %slice3A_1055 : vector<64x128xf32>
    %logistic3A_1057 = arith.negf %add3A_1056 : vector<64x128xf32>
    %logistic3A_1058 = math.exp %logistic3A_1057 : vector<64x128xf32>
    %logistic3A_1059 = arith.constant 1.000000e+00 : f32
    %logistic3A_1060 = vector.broadcast %logistic3A_1059 : f32 to vector<64x128xf32>
    %logistic3A_1061 = arith.addf %logistic3A_1060, %logistic3A_1058 : vector<64x128xf32>
    %logistic3A_1062 = arith.divf %logistic3A_1060, %logistic3A_1061 : vector<64x128xf32>
    %slice3A_1063 = vector.extract_strided_slice %slice3A_1040 {offsets = [0, 256], sizes = [64, 128], strides = [1, 1]} : vector<64x384xf32> to vector<64x128xf32>
    %slice3A_1064 = vector.extract_strided_slice %add3A_1044 {offsets = [0, 256], sizes = [64, 128], strides = [1, 1]} : vector<64x384xf32> to vector<64x128xf32>
    %mul3A_1065 = arith.mulf %logistic3A_1053, %slice3A_1064 : vector<64x128xf32>
    %add3A_1066 = arith.addf %slice3A_1063, %mul3A_1065 : vector<64x128xf32>
    %tanh3A_1067 = math.tanh %add3A_1066 : vector<64x128xf32>
    %sub3A_1068 = arith.constant 1.000000e+00 : f32
    %sub3A_1069 = vector.broadcast %sub3A_1068 : f32 to vector<64x128xf32>
    %sub3A_1070 = arith.subf %sub3A_1069, %logistic3A_1062 : vector<64x128xf32>
    %mul3A_1071 = arith.mulf %sub3A_1070, %tanh3A_1067 : vector<64x128xf32>
    %mul3A_1072 = arith.mulf %logistic3A_1062, %add3A_1039 : vector<64x128xf32>
    %add3A_1073 = arith.addf %mul3A_1071, %mul3A_1072 : vector<64x128xf32>
    %add3A_1074 = arith.addf %add3A_351, %add3A_712 : vector<64x128xf32>
    %add3A_1075 = arith.addf %add3A_1074, %add3A_1073 : vector<64x128xf32>
    %get3A_1076 = arith.constant 0 : index
    %get3A_1077 = arith.constant 0 : index
    %get3A_1078 = vector.load %arg4[%get3A_1076, %get3A_1077] : memref<3072x128xf32, #tpu.memory_space<vmem>>, vector<3072x128xf32>
    %slice3A_1079 = vector.extract_strided_slice %get3A_1078 {offsets = [0, 0], sizes = [1536, 128], strides = [1, 1]} : vector<3072x128xf32> to vector<1536x128xf32>
    %get3A_1080 = arith.constant 0 : index
    %get3A_1081 = arith.constant 0 : index
    %get3A_1082 = vector.load %arg17[%get3A_1080, %get3A_1081] : memref<128x128xf32, #tpu.memory_space<vmem>>, vector<128x128xf32>
    %dot_general3A_1083 = arith.constant dense<0.000000e+00> : vector<1536x128xf32>
    %dot_general3A_1084 = tpu.matmul %slice3A_1079, %get3A_1082, %dot_general3A_1083 {dimension_numbers = #tpu.dot_dimension_numbers<[1], [1], [0], [0], [0, 0, 1, 0], [], []>, transpose_lhs_hint = false} : vector<1536x128xf32>, vector<128x128xf32>, vector<1536x128xf32> -> vector<1536x128xf32>
    %reshape3A = vector.shape_cast %dot_general3A_1084 : vector<1536x128xf32> to vector<64x24x128xf32>
    %reshape3A_1085 = vector.shape_cast %add3A_1075 : vector<64x128xf32> to vector<64x1x128xf32>
    %mul3A_1086 = vector.broadcast %reshape3A_1085 : vector<64x1x128xf32> to vector<64x24x128xf32>
    %mul3A_1087 = arith.mulf %reshape3A, %mul3A_1086 : vector<64x24x128xf32>
    %reduce_sum3A = arith.constant dense<0.000000e+00> : vector<64x24xf32>
    %reduce_sum3A_1088 = vector.multi_reduction <add>, %mul3A_1087, %reduce_sum3A [2] : vector<64x24x128xf32> to vector<64x24xf32>
    %reduce_max3A = arith.constant dense<0xFF800000> : vector<64xf32>
    %reduce_max3A_1089 = vector.multi_reduction <maximumf>, %reduce_sum3A_1088, %reduce_max3A [1] : vector<64x24xf32> to vector<64xf32>
    %broadcast_in_dim3A_1090 = vector.shape_cast %reduce_max3A_1089 : vector<64xf32> to vector<64x1xf32>
    %sub3A_1091 = vector.broadcast %broadcast_in_dim3A_1090 : vector<64x1xf32> to vector<64x24xf32>
    %sub3A_1092 = arith.subf %reduce_sum3A_1088, %sub3A_1091 : vector<64x24xf32>
    %exp3A = math.exp %sub3A_1092 : vector<64x24xf32>
    %reduce_sum3A_1093 = arith.constant dense<0.000000e+00> : vector<64xf32>
    %reduce_sum3A_1094 = vector.multi_reduction <add>, %exp3A, %reduce_sum3A_1093 [1] : vector<64x24xf32> to vector<64xf32>
    %broadcast_in_dim3A_1095 = vector.shape_cast %reduce_sum3A_1094 : vector<64xf32> to vector<64x1xf32>
    %div3A = vector.broadcast %broadcast_in_dim3A_1095 : vector<64x1xf32> to vector<64x24xf32>
    %div3A_1096 = arith.divf %exp3A, %div3A : vector<64x24xf32>
    %broadcast_in_dim3A_1097 = vector.shape_cast %div3A_1096 : vector<64x24xf32> to vector<64x24x1xf32>
    %mul3A_1098 = vector.broadcast %broadcast_in_dim3A_1097 : vector<64x24x1xf32> to vector<64x24x128xf32>
    %mul3A_1099 = arith.mulf %mul3A_1098, %reshape3A : vector<64x24x128xf32>
    %reduce_sum3A_1100 = arith.constant dense<0.000000e+00> : vector<64x128xf32>
    %reduce_sum3A_1101 = vector.multi_reduction <add>, %mul3A_1099, %reduce_sum3A_1100 [1] : vector<64x24x128xf32> to vector<64x128xf32>
    %slice3A_1102 = vector.extract_strided_slice %get3A_1078 {offsets = [1536, 0], sizes = [1536, 128], strides = [1, 1]} : vector<3072x128xf32> to vector<1536x128xf32>
    %get3A_1103 = arith.constant 0 : index
    %get3A_1104 = arith.constant 0 : index
    %get3A_1105 = vector.load %arg18[%get3A_1103, %get3A_1104] : memref<128x128xf32, #tpu.memory_space<vmem>>, vector<128x128xf32>
    %dot_general3A_1106 = arith.constant dense<0.000000e+00> : vector<1536x128xf32>
    %dot_general3A_1107 = tpu.matmul %slice3A_1102, %get3A_1105, %dot_general3A_1106 {dimension_numbers = #tpu.dot_dimension_numbers<[1], [1], [0], [0], [0, 0, 1, 0], [], []>, transpose_lhs_hint = false} : vector<1536x128xf32>, vector<128x128xf32>, vector<1536x128xf32> -> vector<1536x128xf32>
    %reshape3A_1108 = vector.shape_cast %dot_general3A_1107 : vector<1536x128xf32> to vector<64x24x128xf32>
    %reshape3A_1109 = vector.shape_cast %add3A_1075 : vector<64x128xf32> to vector<64x1x128xf32>
    %mul3A_1110 = vector.broadcast %reshape3A_1109 : vector<64x1x128xf32> to vector<64x24x128xf32>
    %mul3A_1111 = arith.mulf %reshape3A_1108, %mul3A_1110 : vector<64x24x128xf32>
    %reduce_sum3A_1112 = arith.constant dense<0.000000e+00> : vector<64x24xf32>
    %reduce_sum3A_1113 = vector.multi_reduction <add>, %mul3A_1111, %reduce_sum3A_1112 [2] : vector<64x24x128xf32> to vector<64x24xf32>
    %reduce_max3A_1114 = arith.constant dense<0xFF800000> : vector<64xf32>
    %reduce_max3A_1115 = vector.multi_reduction <maximumf>, %reduce_sum3A_1113, %reduce_max3A_1114 [1] : vector<64x24xf32> to vector<64xf32>
    %broadcast_in_dim3A_1116 = vector.shape_cast %reduce_max3A_1115 : vector<64xf32> to vector<64x1xf32>
    %sub3A_1117 = vector.broadcast %broadcast_in_dim3A_1116 : vector<64x1xf32> to vector<64x24xf32>
    %sub3A_1118 = arith.subf %reduce_sum3A_1113, %sub3A_1117 : vector<64x24xf32>
    %exp3A_1119 = math.exp %sub3A_1118 : vector<64x24xf32>
    %reduce_sum3A_1120 = arith.constant dense<0.000000e+00> : vector<64xf32>
    %reduce_sum3A_1121 = vector.multi_reduction <add>, %exp3A_1119, %reduce_sum3A_1120 [1] : vector<64x24xf32> to vector<64xf32>
    %broadcast_in_dim3A_1122 = vector.shape_cast %reduce_sum3A_1121 : vector<64xf32> to vector<64x1xf32>
    %div3A_1123 = vector.broadcast %broadcast_in_dim3A_1122 : vector<64x1xf32> to vector<64x24xf32>
    %div3A_1124 = arith.divf %exp3A_1119, %div3A_1123 : vector<64x24xf32>
    %broadcast_in_dim3A_1125 = vector.shape_cast %div3A_1124 : vector<64x24xf32> to vector<64x24x1xf32>
    %mul3A_1126 = vector.broadcast %broadcast_in_dim3A_1125 : vector<64x24x1xf32> to vector<64x24x128xf32>
    %mul3A_1127 = arith.mulf %mul3A_1126, %reshape3A_1108 : vector<64x24x128xf32>
    %reduce_sum3A_1128 = arith.constant dense<0.000000e+00> : vector<64x128xf32>
    %reduce_sum3A_1129 = vector.multi_reduction <add>, %mul3A_1127, %reduce_sum3A_1128 [1] : vector<64x24x128xf32> to vector<64x128xf32>
    %concatenate3A = tpu.concatenate %add3A_351, %add3A_712, %add3A_1073, %reduce_sum3A_1101, %reduce_sum3A_1129 in 1 : vector<64x128xf32>, vector<64x128xf32>, vector<64x128xf32>, vector<64x128xf32>, vector<64x128xf32> -> vector<64x640xf32>
    %get3A_1130 = arith.constant 0 : index
    %get3A_1131 = arith.constant 0 : index
    %get3A_1132 = vector.load %arg19[%get3A_1130, %get3A_1131] : memref<128x640xf32, #tpu.memory_space<vmem>>, vector<128x640xf32>
    %dot_general3A_1133 = arith.constant dense<0.000000e+00> : vector<64x128xf32>
    %dot_general3A_1134 = tpu.matmul %concatenate3A, %get3A_1132, %dot_general3A_1133 {dimension_numbers = #tpu.dot_dimension_numbers<[1], [1], [0], [0], [0, 0, 1, 0], [], []>, transpose_lhs_hint = false} : vector<64x640xf32>, vector<128x640xf32>, vector<64x128xf32> -> vector<64x128xf32>
    %get3A_1135 = arith.constant 0 : index
    %get3A_1136 = arith.constant 0 : index
    %get3A_1137 = vector.load %arg20[%get3A_1135, %get3A_1136] : memref<1x128xf32, #tpu.memory_space<vmem>>, vector<1x128xf32>
    %add3A_1138 = vector.broadcast %get3A_1137 : vector<1x128xf32> to vector<64x128xf32>
    %add3A_1139 = arith.addf %dot_general3A_1134, %add3A_1138 : vector<64x128xf32>
    %swap3A = arith.constant 0 : index
    %swap3A_1140 = arith.constant 0 : index
    %swap3A_1141 = vector.load %arg21[%swap3A, %swap3A_1140] : memref<64x128xf32, #tpu.memory_space<vmem>>, vector<64x128xf32>
    tpu.vector_store %arg21[%swap3A, %swap3A_1140], %add3A_1139 {strides = array<i32>} : memref<64x128xf32, #tpu.memory_space<vmem>>, vector<64x128xf32>,
    return
  }
  func.func @transform_0(%arg0: i32) -> (i32, i32) {
    %c0_i32 = arith.constant 0 : i32
    %c0_i32_0 = arith.constant 0 : i32
    %c0_i32_1 = arith.constant 0 : i32
    return %c0_i32, %c0_i32_0 : i32, i32
  }
  func.func @transform_1(%arg0: i32) -> (i32, i32) {
    %c0_i32 = arith.constant 0 : i32
    %c0_i32_0 = arith.constant 0 : i32
    %c0_i32_1 = arith.constant 0 : i32
    return %c0_i32, %c0_i32_0 : i32, i32
  }
  func.func @transform_2(%arg0: i32) -> (i32, i32) {
    %c0_i32 = arith.constant 0 : i32
    %c0_i32_0 = arith.constant 0 : i32
    %c0_i32_1 = arith.constant 0 : i32
    return %c0_i32, %c0_i32_0 : i32, i32
  }
  func.func @transform_3(%arg0: i32) -> (i32, i32) {
    %c15_i32 = arith.constant 15 : i32
    %c0_i32 = arith.constant 0 : i32
    %c0_i32_0 = arith.constant 0 : i32
    return %c15_i32, %c0_i32 : i32, i32
  }
  func.func @transform_4(%arg0: i32) -> (i32, i32) {
    %c0_i32 = arith.constant 0 : i32
    %c0_i32_0 = arith.constant 0 : i32
    %c0_i32_1 = arith.constant 0 : i32
    return %c0_i32, %c0_i32_0 : i32, i32
  }
  func.func @transform_5(%arg0: i32) -> (i32, i32) {
    %c0_i32 = arith.constant 0 : i32
    %c0_i32_0 = arith.constant 0 : i32
    %c0_i32_1 = arith.constant 0 : i32
    return %c0_i32, %c0_i32_0 : i32, i32
  }
  func.func @transform_6(%arg0: i32) -> (i32, i32) {
    %c0_i32 = arith.constant 0 : i32
    %c0_i32_0 = arith.constant 0 : i32
    %c0_i32_1 = arith.constant 0 : i32
    return %c0_i32, %c0_i32_0 : i32, i32
  }
  func.func @transform_7(%arg0: i32) -> (i32, i32) {
    %c0_i32 = arith.constant 0 : i32
    %c0_i32_0 = arith.constant 0 : i32
    %c0_i32_1 = arith.constant 0 : i32
    return %c0_i32, %c0_i32_0 : i32, i32
  }
  func.func @transform_8(%arg0: i32) -> (i32, i32) {
    %c0_i32 = arith.constant 0 : i32
    %c0_i32_0 = arith.constant 0 : i32
    %c0_i32_1 = arith.constant 0 : i32
    return %c0_i32, %c0_i32_0 : i32, i32
  }
  func.func @transform_9(%arg0: i32) -> (i32, i32) {
    %c0_i32 = arith.constant 0 : i32
    %c0_i32_0 = arith.constant 0 : i32
    %c0_i32_1 = arith.constant 0 : i32
    return %c0_i32, %c0_i32_0 : i32, i32
  }
  func.func @transform_10(%arg0: i32) -> (i32, i32) {
    %c0_i32 = arith.constant 0 : i32
    %c0_i32_0 = arith.constant 0 : i32
    %c0_i32_1 = arith.constant 0 : i32
    return %c0_i32, %c0_i32_0 : i32, i32
  }
  func.func @transform_11(%arg0: i32) -> (i32, i32) {
    %c0_i32 = arith.constant 0 : i32
    %c0_i32_0 = arith.constant 0 : i32
    %c0_i32_1 = arith.constant 0 : i32
    return %c0_i32, %c0_i32_0 : i32, i32
  }
  func.func @transform_12(%arg0: i32) -> (i32, i32) {
    %c0_i32 = arith.constant 0 : i32
    %c0_i32_0 = arith.constant 0 : i32
    %c0_i32_1 = arith.constant 0 : i32
    return %c0_i32, %c0_i32_0 : i32, i32
  }
  func.func @transform_13(%arg0: i32) -> (i32, i32) {
    %c0_i32 = arith.constant 0 : i32
    %c0_i32_0 = arith.constant 0 : i32
    %c0_i32_1 = arith.constant 0 : i32
    return %c0_i32, %c0_i32_0 : i32, i32
  }
  func.func @transform_14(%arg0: i32) -> (i32, i32) {
    %c0_i32 = arith.constant 0 : i32
    %c0_i32_0 = arith.constant 0 : i32
    %c0_i32_1 = arith.constant 0 : i32
    return %c0_i32, %c0_i32_0 : i32, i32
  }
  func.func @transform_15(%arg0: i32) -> (i32, i32) {
    %c0_i32 = arith.constant 0 : i32
    %c0_i32_0 = arith.constant 0 : i32
    %c0_i32_1 = arith.constant 0 : i32
    return %c0_i32, %c0_i32_0 : i32, i32
  }
  func.func @transform_16(%arg0: i32) -> (i32, i32) {
    %c0_i32 = arith.constant 0 : i32
    %c0_i32_0 = arith.constant 0 : i32
    %c0_i32_1 = arith.constant 0 : i32
    return %c0_i32, %c0_i32_0 : i32, i32
  }
  func.func @transform_17(%arg0: i32) -> (i32, i32) {
    %c0_i32 = arith.constant 0 : i32
    %c0_i32_0 = arith.constant 0 : i32
    %c0_i32_1 = arith.constant 0 : i32
    return %c0_i32, %c0_i32_0 : i32, i32
  }
  func.func @transform_18(%arg0: i32) -> (i32, i32) {
    %c0_i32 = arith.constant 0 : i32
    %c0_i32_0 = arith.constant 0 : i32
    %c0_i32_1 = arith.constant 0 : i32
    return %c0_i32, %c0_i32_0 : i32, i32
  }
  func.func @transform_19(%arg0: i32) -> (i32, i32) {
    %c0_i32 = arith.constant 0 : i32
    %c0_i32_0 = arith.constant 0 : i32
    %c0_i32_1 = arith.constant 0 : i32
    return %c0_i32, %c0_i32_0 : i32, i32
  }
  func.func @transform_20(%arg0: i32) -> (i32, i32) {
    %c0_i32 = arith.constant 0 : i32
    %c0_i32_0 = arith.constant 0 : i32
    %c0_i32_1 = arith.constant 0 : i32
    return %c0_i32, %c0_i32_0 : i32, i32
  }
}

</mosaic_0001>

<sc_bundles>
// kernel: kernel.5.cloned.1.call-start
scs
__scs_entry_jumppad:
0x0: {  	(pc) =	sbr.rel $0x88, $3  }
0x1: {  	(tag) =	ssettag $0x0;
	lr =	simm.s32 $0x1  }
0x2: {  	[smem:$0x3F82] =	sst lr;
	_ =	strace $0xD0000000  }
0x3: {  	_ = 	snop  }
0x4: {  	_ = 	snop  }
0x5: {  	_ = 	snop  }
0x6: {  	_ = 	snop  }
0x7: {  	_ = 	snop  }
__scs_overlays_trampoline_lowered:
0x8: {  	[smem:$0x3F91] =	sst s0  }
0x9: {  	[smem:$0x3F92] =	sst s1  }
0xa: {  	[smem:$0x3F93] =	sst s2  }
0xb: {  	[smem:$0x3F94] =	sst s3  }
0xc: {  	[smem:$0x3F95] =	sst s4  }
0xd: {  	[smem:$0x3F96] =	sst s5  }
0xe: {  	[smem:$0x3F97] =	sst s6  }
0xf: {  	[smem:$0x3F98] =	sst s7  }
0x10: {  	[smem:$0x3F99] =	sst s8  }
0x11: {  	[smem:$0x3F9A] =	sst s9;
	s0 =	simm.s32 @!p0 $0x0  }
0x12: {  	s1 =	sld [smem:$0x3F80];
	s0 =	simm.s32 @p0 $0x1  }
0x13: {  	[smem:$0x3F9B] =	sst s0;
	s0 =	simm.s32 @!p1 $0x0  }
0x14: {  	s2 =	sld [smem:$0x3F7F];
	s0 =	simm.s32 @p1 $0x1  }
0x15: {  	[smem:$0x3F9C] =	sst s0;
	s0 =	simm.s32 @!p2 $0x0  }
0x16: {  	s3 =	sld [smem:$0x3FDB];
	s0 =	simm.s32 @p2 $0x1  }
0x17: {  	s4 =	simm.s32 $0x1BF5;
	[smem:$0x3F9E] =	sst s0  }
0x18: {  	s0 =	sld [smem:$0x3F81];
	_ =	swait.ge [sflag:s4], $0x0  }
0x19: {  	s7 =	sld [smem:$0x3F82]  }
0x1a: {  	s8 =	sadd.s32 $0xFFFFE003, lr  }
0x1b: {  	s9 =	sadd.s32 $0xFFFFFEF7, lr;
	s5 =	simm.s32 $0xFFFFFFFF;
	p2 =	slt.u32 s8, $0xFFFFF086  }
0x1c: {  	p1 =	slt.u32 s9, $0xF7A;
	s5 =	simm.s32 @!p2 $0x0  }
0x1d: {  	s5 =	simm.s32 @p1 $0x1;
	p0 =	seq.s32 s7, s2  }
0x1e: {  	s7 =	smul.u32 @!p0 $0xF7A, s2;
	p2 =	seq.s32 @!p0 s5, $0x0  }
0x1f: {  	s9 =	smul.u32 $0xF7A, s1;
	s8 =	simm.s32 @!p0 $0x1BF5;
	p2 =	por !p2, p0  }
0x20: {  	[sflag:s8] =	ssyncset.s32 @!p0 $0xFFFFF086;
	s6 =	sadd.s32 @!p0 s3, s7;
	s7 =	simm.s32 @!p0 $0x108  }
0x21: {  	s3 =	sadd.s32 s3, s9;
	s6 =	sadd.s32 @!p0 $0x88, s6;
	s7 =	simm.s32 @p2 $0x1082  }
0x22: {  	[simem:s7], [sflag:s8] =	dma.local @!p0 [hbm:s6], $0xF7A  }
0x23: {  	s9 =	sor.u32 $0xD0000000, s2;
	s6 =	simm.s32 $0x108;
	_ =	swait.ge @!p0 [sflag:s8], $0x0  }
0x24: {  	s3 =	sadd.s32 $0x88, s3;
	s6 =	simm.s32 @!p1 $0x1082;
	[sflag:s4] =	ssyncset.s32 $0xFFFFF086  }
0x25: {  	[simem:s6], [sflag:s4] =	dma.local [hbm:s3], $0xF7A  }
0x26: {  	[smem:$0x3F82] =	sst s1;
	(tag) =	ssettag s2;
	_ =	strace s9  }
0x27: {  	s1 =	sld [smem:$0x3F92]  }
0x28: {  	s2 =	sld [smem:$0x3F93]  }
0x29: {  	s4 =	sld [smem:$0x3F95]  }
0x2a: {  	p0 =	seq.s32 s5, $0x0;
	s5 =	sld [smem:$0x3F96]  }
0x2b: {  	s6 =	sld [smem:$0x3F97]  }
0x2c: {  	s7 =	sld [smem:$0x3F98]  }
0x2d: {  	s3 =	simm.s32 $0x108;
	s8 =	sld [smem:$0x3F99]  }
0x2e: {  	s3 =	simm.s32 @!p0 $0x1082;
	s9 =	sld [smem:$0x3F9A]  }
0x2f: {  	lr =	sadd.s32 s0, s3;
	s0 =	sld [smem:$0x3F91]  }
0x30: {  	s3 =	sld [smem:$0x3F94]  }
0x31: {  	[smem:$0x3F9D] =	sst s10  }
0x32: {  	s10 =	sld [smem:$0x3F9B];
	_ =	sdelay $0x3  }
0x33: {  	p0 =	seq.s32 s10, $0x1;
	s10 =	sld [smem:$0x3F9D];
	_ =	sdelay $0x3  }
0x34: {  	[smem:$0x3F9D] =	sst s10  }
0x35: {  	s10 =	sld [smem:$0x3F9C];
	_ =	sdelay $0x3  }
0x36: {  	p1 =	seq.s32 s10, $0x1;
	s10 =	sld [smem:$0x3F9D];
	_ =	sdelay $0x3  }
0x37: {  	[smem:$0x3F9D] =	sst s10  }
0x38: {  	s10 =	sld [smem:$0x3F9E]  }
0x39: {  	_ = 	snop;
	(pc) =	sbr.ind lr, $3  }
0x3a: {  	_ = 	snop  }
0x3b: {  	_ = 	snop  }
0x3c: {  	p2 =	seq.s32 s10, $0x1;
	s10 =	sld [smem:$0x3F9D]  }
0x3d: {  	_ =	shalt  }
0x3e: {  	_ =	shalt  }
0x3f: {  	_ =	shalt  }
0x40: {  	_ =	shalt  }
0x41: {  	_ =	shalt  }
0x42: {  	_ =	shalt  }
0x43: {  	_ =	shalt  }
0x44: {  	_ =	shalt  }
0x45: {  	_ =	shalt  }
0x46: {  	_ =	shalt  }
0x47: {  	_ =	shalt  }
0x48: {  	_ =	shalt  }
0x49: {  	_ =	shalt  }
0x4a: {  	_ =	shalt  }
0x4b: {  	_ =	shalt  }
0x4c: {  	_ =	shalt  }
0x4d: {  	_ =	shalt  }
0x4e: {  	_ =	shalt  }
0x4f: {  	_ =	shalt  }
0x50: {  	_ =	shalt  }
0x51: {  	_ =	shalt  }
0x52: {  	_ =	shalt  }
0x53: {  	_ =	shalt  }
0x54: {  	_ =	shalt  }
0x55: {  	_ =	shalt  }
0x56: {  	_ =	shalt  }
0x57: {  	_ =	shalt  }
0x58: {  	_ =	shalt  }
0x59: {  	_ =	shalt  }
0x5a: {  	_ =	shalt  }
0x5b: {  	_ =	shalt  }
0x5c: {  	_ =	shalt  }
0x5d: {  	_ =	shalt  }
0x5e: {  	_ =	shalt  }
0x5f: {  	_ =	shalt  }
0x60: {  	_ =	shalt  }
0x61: {  	_ =	shalt  }
0x62: {  	_ =	shalt  }
0x63: {  	_ =	shalt  }
0x64: {  	_ =	shalt  }
0x65: {  	_ =	shalt  }
0x66: {  	_ =	shalt  }
0x67: {  	_ =	shalt  }
0x68: {  	_ =	shalt  }
0x69: {  	_ =	shalt  }
0x6a: {  	_ =	shalt  }
0x6b: {  	_ =	shalt  }
0x6c: {  	_ =	shalt  }
0x6d: {  	_ =	shalt  }
0x6e: {  	_ =	shalt  }
0x6f: {  	_ =	shalt  }
0x70: {  	_ =	shalt  }
0x71: {  	_ =	shalt  }
0x72: {  	_ =	shalt  }
0x73: {  	_ =	shalt  }
0x74: {  	_ =	shalt  }
0x75: {  	_ =	shalt  }
0x76: {  	_ =	shalt  }
0x77: {  	_ =	shalt  }
0x78: {  	_ =	shalt  }
0x79: {  	_ =	shalt  }
0x7a: {  	_ =	shalt  }
0x7b: {  	_ =	shalt  }
0x7c: {  	_ =	shalt  }
0x7d: {  	_ =	shalt  }
0x7e: {  	_ =	shalt  }
0x7f: {  	_ =	shalt  }
0x80: {  	_ =	shalt  }
0x81: {  	_ =	shalt  }
0x82: {  	_ =	shalt  }
0x83: {  	_ =	shalt  }
0x84: {  	_ =	shalt  }
0x85: {  	_ =	shalt  }
0x86: {  	_ =	shalt  }
0x87: {  	_ =	shalt  }
.Lfunc_end0:
.L_simem_size_0:
called_computation_lowered:
.L_overlay_start_0:
0x88: {  	s2 =	sld [smem:$0x3FD9]  }
0x89: {  	s3 =	sld [smem:$0x3FFE];
	_ =	sdelay $0x1  }
0x8a: {  	s1 =	srdreg.scid  }
0x8b: {  	s0 =	sand.u32 $0x1, s1  }
0x8c: {  	s17 =	sshll.u32 s0, $0xA;
	s2 =	sadd.s32 s3, s2  }
0x8d: {  	s2 =	sadd.s32 s2, s17  }
0x8e: {  	[smem:$0x3FA9] =	sst s2  }
0x8f: {  	_ = 	snop  }
0x90: {  	s2 =	sld [smem:$0x3FC2]  }
0x91: {  	s18 =	sld [smem:$0x3FC1]  }
0x92: {  	s4 =	sld [smem:$0x3FC0]  }
0x93: {  	s5 =	sld [smem:$0x3FBF]  }
0x94: {  	s6 =	sld [smem:$0x3FBE];
	(tm) =	ssettm $0x1  }
0x95: {  	s7 =	sld [smem:$0x3FFB];
	_ =	sdelay $0x3  }
0x96: {  	_ =	strace s7  }
0x97: {  	s7 =	sld [smem:$0x3FFC];
	_ =	sdelay $0x3  }
0x98: {  	_ =	strace s7  }
0x99: {  	s7 =	sld [smem:$0x3FFD];
	_ =	sdelay $0x3  }
0x9a: {  	_ =	strace s7  }
0x9b: {  	_ =	strace $0x8FFFFFFF  }
0x9c: {  	s19 =	sld [smem:$0x3FDB];
	_ =	sdelay $0x1  }
0x9d: {  	s8 =	simm.s32 $_scs_section_size  }
0x9e: {  	s9 =	simm.s32 $_size__tile_overlayer_lowered;
	s10 =	simm.s32 $_tile_overlayer_lowered  }
0x9f: {  	s22 =	simm.s32 $0x1BFF;
	s21 =	sshll.u32 s10, $0x1;
	s7 =	sadd.s32 s8, s19  }
0xa0: {  	s11 =	simm.s32 $0x0;
	s20 =	sshll.u32 s9, $0x1;
	s9 =	sadd.s32 s21, s7  }
0xa1: {  	[timem:s11], [sflag:s22] =	dma.local [hbm:s9], s20  }
0xa2: {  	_ =	swait.ge [sflag:s22], s20  }
0xa3: {  	s8 =	ssub.s32 $0x0, s20;
	[sflag:s22] =	ssyncset.done $0x0  }
0xa4: {  	[sflag:s22] =	ssyncadd.s32 s8;
	_ =	sdelay $0x1  }
0xa5: {  	s23 =	simm.s32 $0x1B8B  }
0xa6: {  	_ =	swait.ge [sflag:s23], $0x1  }
0xa7: {  	[sflag:s23] =	ssyncset.done $0x0  }
0xa8: {  	s25 =	simm.s32 $0x1B8E;
	s24 =	sld [smem:$0x3FFE];
	[sflag:s23] =	ssyncadd.s32 $0xFFFFFFFF  }
0xa9: {  	s26 =	simm.s32 $execute0_lowered;
	[smem:$0x3FD2] =	sst s25  }
0xaa: {  	s9 =	sshll.u32 s26, $0x1;
	_ =	strace $0x80000046;
	[dreg:$0x1] =	wrdreg $0xFFFFFFFF  }
0xab: {  	s28 =	simm.s32 $_size_execute0_lowered;
	s7 =	sadd.s32 s7, s9;
	[dreg:$0x0] =	wrdreg $0x0  }
0xac: {  	s9 =	sshll.u32 s28, $0x1;
	[dreg:$0x2] =	wrdreg s7  }
0xad: {  	[dreg:$0x3] =	wrdreg s9  }
0xae: {  	[dreg:$0x4] =	wrdreg $0xC0  }
0xaf: {  	_ =	task [dreg:s11], $0x5FFFF  }
0xb0: {  	[dreg:$0x1] =	wrdreg $0xFFFFFFFF  }
0xb1: {  	[dreg:$0x0] =	wrdreg $0x60  }
0xb2: {  	[dreg:$0x2] =	wrdreg s2  }
0xb3: {  	[dreg:$0x3] =	wrdreg s4  }
0xb4: {  	[dreg:$0x4] =	wrdreg s18  }
0xb5: {  	[dreg:$0x5] =	wrdreg s5  }
0xb6: {  	[dreg:$0x6] =	wrdreg s6  }
0xb7: {  	[dreg:$0x7] =	wrdreg s24  }
0xb8: {  	[dreg:$0x8] =	wrdreg $0x9  }
0xb9: {  	_ =	task.clear_ibuf [dreg:s11], $0x9FFFF;
	_ =	strace $0x90000046  }
0xba: {  	s29 =	simm.s32 $0x9;
	_ =	strace $0x80000048  }
0xbb: {  	_ =	swait.ge [sflag:s29], $0x1  }
0xbc: {  	[sflag:s29] =	ssyncadd.s32 $0xFFFFFFFF  }
0xbd: {  	_ =	strace $0x90000048  }
0xbe: {  	_ =	sfence  }
0xbf: {  	s30 =	sld [smem:$0x0];
	_ =	sdelay $0x2  }
0xc0: {  	s31 =	sshll.u32 s1, $0xD;
	s1 =	sshrl.u32 s1, $0x2  }
0xc1: {  	s3 =	sand.u32 $0x4000, s31;
	s1 =	sadd.s32 s1, s30  }
0xc2: {  	s0 =	sor.u32 s3, s0;
	s1 =	sshll.u32 s1, $0x11  }
0xc3: {  	s0 =	sor.u32 s1, s0  }
0xc4: {  	s0 =	sadd.s32 $0x8F2B, s0  }
0xc5: {  	[sflag:s0] =	ssyncadd.remote.s32 $0x1  }
0xc6: {  	_ =	sfence.sel $0xFFFF  }
0xc7: {  	[dreg:$0x0] =	wrdreg $0xFFFFFFFF;
	(pc) =	sbr.abs _section_cstart, $3  }
0xc8: {  	[dreg:$0x1] =	wrdreg $0xFFFFFFFF  }
0xc9: {  	_ =	task.clear_ibuf [dreg:s11], $0x2FFFF;
	_ =	strace $0x9FFFFFFF  }
0xca: {  	(tm) =	ssettm $0x7FFFFFFF  }
0xcb: {  	_ =	shalt  }
tec
execute0_lowered:
.L_overlay_start_1:
0x0: {  	(tag) =	ssettag $0x1  }
0x1: {  	s24 =	rddreg [dreg:$0x0]  }
0x2: {  	s23 =	rddreg [dreg:$0x1]  }
0x3: {  	s4 =	rddreg [dreg:$0x2]  }
0x4: {  	s3 =	rddreg [dreg:$0x3];
	s0 =	srdreg.scid  }
0x5: {  	s21 =	stileid.u32;
	s5 =	rddreg [dreg:$0x4]  }
0x6: {  	s2 =	simm.s32 $0x0;
	s0 =	sand.u32 $0x1, s0;
	s1 =	sshll.u32 s21, $0x1  }
0x7: {  	[smem:$0x7FF] =	sst s2;
	s1 =	sor.u32 s0, s1  }
0x8: {  	s6 =	rddreg [dreg:$0x5];
	_ =	strace $0x80000047;
	s8 =	smul.u32 $0x5000, s1  }
0x9: {  	s0 =	ssub.s32 $0x2, s0;
	s7 =	sshll.u32 s1, $0x8;
	s9 =	smul.u32 $0xA00, s1  }
0xa: {  	s26 =	smul.u32 $0xF000, s1;
	s7 =	sadd.s32 s7, s6;
	s6 =	sadd.s32 $0x4C00, s6  }
0xb: {  	s7 =	sadd.s32 $0x2C00, s7;
	s22 =	sshrl.u32 s8, $0x3;
	s25 =	sadd.s32 s6, s9  }
0xc: {  	s9 =	sshrl.u32 s26, $0x3;
	s26 =	sshrl.u32 s0, $0x1;
	[dreg:$0x7] =	wrdreg s7  }
0xd: {  	s8 =	simm.s32 $0xA0;
	s7 =	sadd.s32 s6, s22;
	[dreg:$0x8] =	wrdreg s25  }
0xe: {  	s0 =	ssub.s32 s0, s26;
	[dreg:$0x19] =	wrdreg s8;
	s26 =	simm.s32 $0x400  }
0xf: {  	s10 =	sadd.s32 $0x800, s7;
	[smem:$0x7FD] =	sst s26  }
0x10: {  	s11 =	sadd.s32 $0x14000, s7;
	[dreg:$0x9] =	wrdreg s10  }
0x11: {  	s9 =	sadd.s32 s6, s9;
	s12 =	sadd.s32 $0x14600, s7;
	[dreg:$0xa] =	wrdreg s11  }
0x12: {  	s13 =	sadd.s32 $0x28000, s9;
	[dreg:$0xb] =	wrdreg s12  }
0x13: {  	s31 =	simm.s32 $0x9;
	s14 =	sadd.s32 $0x28400, s9;
	[dreg:$0xc] =	wrdreg s13  }
0x14: {  	s28 =	simm.s32 $0x60;
	s15 =	sadd.s32 $0x28C00, s9;
	[dreg:$0xd] =	wrdreg s14  }
0x15: {  	s30 =	simm.s32 $0x40;
	s16 =	sadd.s32 $0x29400, s9;
	[dreg:$0xe] =	wrdreg s15  }
0x16: {  	p0 =	por $0x0, $0x0;
	s17 =	sadd.s32 $0x29C00, s9;
	[dreg:$0xf] =	wrdreg s16  }
0x17: {  	s1 =	smul.u32 $0x1800, s1;
	s18 =	sadd.s32 $0x64000, s9;
	[dreg:$0x10] =	wrdreg s17  }
0x18: {  	s29 =	simm.s32 $0x500;
	s19 =	sadd.s32 $0x64600, s9;
	[dreg:$0x11] =	wrdreg s18  }
0x19: {  	s1 =	sshrl.u32 s1, $0x3;
	s20 =	sadd.s32 $0x64E00, s9;
	[dreg:$0x12] =	wrdreg s19  }
0x1a: {  	s1 =	sadd.s32 s6, s1;
	s22 =	sadd.s32 $0x65600, s9;
	[dreg:$0x13] =	wrdreg s20  }
0x1b: {  	s8 =	simm.s32 $0x1;
	s25 =	sadd.s32 $0xA0000, s7;
	[dreg:$0x14] =	wrdreg s22  }
0x1c: {  	s7 =	sadd.s32 $0xA0800, s7;
	s6 =	sadd.s32 $0xB4000, s1;
	[dreg:$0x15] =	wrdreg s25  }
0x1d: {  	s1 =	sadd.s32 $0xBA000, s1;
	s0 =	smax.u32 s0, $0x1;
	[dreg:$0x16] =	wrdreg s7  }
0x1e: {  	s9 =	simm.s32 $0x100;
	s26 =	simm.s32 $0x580;
	[dreg:$0x17] =	wrdreg s6  }
0x1f: {  	[dreg:$0x18] =	wrdreg s1;
	s19 =	simm.s32 $0x80;
	s6 =	simm.s32 $0x800  }
0x20: {  	s18 =	simm.s32 $0x20;
	s11 =	simm.s32 $0x4800;
	s10 =	simm.s32 $0x8800  }
0x21: {  	[dreg:$0x1a] =	wrdreg s9;
	s9 =	simm.s32 $0xC800;
	s12 =	simm.s32 $0x140  }
0x22: {  	p1 =	sne.s32 s0, $0x1;
	s1 =	sadd.s32 $0xFFFFFFFF, s0;
	s0 =	rddreg [dreg:$0x7]  }
0x23: {  	s13 =	simm.s32 $0x180;
	s7 =	simm.s32 $0x5;
	[dreg:$0x1b] =	wrdreg s12  }
0x24: {  	s14 =	simm.s32 $0x200;
	s17 =	simm.s32 $0x2;
	[dreg:$0x1c] =	wrdreg s13  }
0x25: {  	s15 =	simm.s32 $0x280;
	s16 =	simm.s32 $0x6;
	[dreg:$0x1d] =	wrdreg s14  }
.Ltmp0:
0x26: {  	s20 =	simm.s32 $0x300;
	[dreg:$0x1e] =	wrdreg s15;
	(pc) =	sbr.rel @!p1 .LBB2_1-.Ltmp0, $4  }
0x27: {  	s22 =	simm.s32 $0x320;
	s25 =	simm.s32 $0x380;
	[dreg:$0x1f] =	wrdreg s20  }
0x28: {  	s15 =	simm.s32 $0x3;
	s14 =	simm.s32 $0x7;
	[smem:$0x7FB] =	sst s22  }
0x29: {  	s12 =	simm.s32 $0x4;
	[smem:$0x7FC] =	sst s25;
	s13 =	simm.s32 $0x8  }
0x2a: {  	s20 =	simm.s32 $0x30;
	s25 =	simm.s32 $0x5A0;
	s22 =	simm.s32 $0x5D0  }
0x2b: {  	[tilespmem:s2], [sflag:$0x9] =	stream.linear.gather [hbm4b:s0+s2], $0x600, $0x38;
	[tilespmem:$0x10800] =	vst v63  }
0x2c: {  	_ =	swait.ge [sflag:s31], $0x600  }
0x2d: {  	[sflag:s31] =	ssyncset.done $0x0  }
0x2e: {  	[sflag:s31] =	ssyncadd.s32 $0xFFFFFA00  }
0x2f: {  	[tilespmem:s6], [sflag:$0x1] =	stream.indirect.gather [hbm4b:s24+s19], $0x80, s2, s19, $0xb8;
	[tilespmem:$0x10800] =	vst v63  }
0x30: {  	_ = 	snop  }
0x31: {  	[tilespmem:s11], [sflag:$0x2] =	stream.indirect.gather [hbm4b:s24+s18], $0x80, s19, s18, $0xb8;
	[tilespmem:$0x10800] =	vst v63  }
0x32: {  	s0 =	rddreg [dreg:$0x19]  }
0x33: {  	[tilespmem:s10], [sflag:$0x3] =	stream.indirect.gather [hbm4b:s23+s28], $0x80, s0, s28, $0xb8;
	[tilespmem:$0x10800] =	vst v63  }
0x34: {  	s21 =	smov.u32 s1;
	s1 =	rddreg [dreg:$0x1a]  }
0x35: {  	[tilespmem:s9], [sflag:$0x4] =	stream.indirect.gather [hbm4b:s23+s30], $0x80, s1, s30, $0xb8;
	[tilespmem:$0x10800] =	vst v63  }
0x36: {  	_ =	swait.ge [sflag:s8], $0x4000  }
0x37: {  	[sflag:s8] =	ssyncset.done $0x0  }
0x38: {  	s1 =	rddreg [dreg:$0x8];
	[sflag:s8] =	ssyncadd.s32 $0xFFFFC000  }
0x39: {  	[hbm4b:s1+s2] =	stream.linear.scatter [tilespmem:s6], [sflag:$0x5], $0x4000, $0x38;
	[tilespmem:$0x10800] =	vst v63  }
0x3a: {  	_ =	swait.ge [sflag:s7], $0x4000  }
0x3b: {  	[sflag:s7] =	ssyncset.done $0x0  }
0x3c: {  	s1 =	rddreg [dreg:$0x1b];
	[sflag:s7] =	ssyncadd.s32 $0xFFFFC000  }
0x3d: {  	[tilespmem:s6], [sflag:$0x1] =	stream.indirect.gather [hbm4b:s4+s30], $0x80, s1, s30, $0xb8;
	[tilespmem:$0x10800] =	vst v63  }
0x3e: {  	_ =	swait.ge [sflag:s17], $0x1000  }
0x3f: {  	[sflag:s17] =	ssyncset.done $0x0  }
0x40: {  	s1 =	rddreg [dreg:$0x9];
	[sflag:s17] =	ssyncadd.s32 $0xFFFFF000  }
0x41: {  	[hbm4b:s1+s2] =	stream.linear.scatter [tilespmem:s11], [sflag:$0x6], $0x1000, $0x38;
	[tilespmem:$0x10800] =	vst v63  }
0x42: {  	_ =	swait.ge [sflag:s16], $0x1000  }
0x43: {  	[sflag:s16] =	ssyncset.done $0x0  }
0x44: {  	s1 =	rddreg [dreg:$0x1c];
	[sflag:s16] =	ssyncadd.s32 $0xFFFFF000  }
0x45: {  	[tilespmem:s11], [sflag:$0x2] =	stream.indirect.gather [hbm4b:s4+s19], $0x80, s1, s19, $0xb8;
	[tilespmem:$0x10800] =	vst v63  }
0x46: {  	_ =	swait.ge [sflag:s15], $0x3000  }
0x47: {  	[sflag:s15] =	ssyncset.done $0x0  }
0x48: {  	s1 =	rddreg [dreg:$0xa];
	[sflag:s15] =	ssyncadd.s32 $0xFFFFD000  }
0x49: {  	[hbm4b:s1+s2] =	stream.linear.scatter [tilespmem:s10], [sflag:$0x7], $0x3000, $0x38;
	[tilespmem:$0x10800] =	vst v63  }
0x4a: {  	_ =	swait.ge [sflag:s14], $0x3000  }
0x4b: {  	[sflag:s14] =	ssyncset.done $0x0  }
0x4c: {  	s1 =	rddreg [dreg:$0x1d];
	[sflag:s14] =	ssyncadd.s32 $0xFFFFD000  }
0x4d: {  	[tilespmem:s10], [sflag:$0x3] =	stream.indirect.gather [hbm4b:s4+s19], $0x80, s1, s19, $0xb8;
	[tilespmem:$0x10800] =	vst v63  }
0x4e: {  	_ =	swait.ge [sflag:s12], $0x2000  }
0x4f: {  	[sflag:s12] =	ssyncset.done $0x0  }
0x50: {  	s1 =	rddreg [dreg:$0xb];
	[sflag:s12] =	ssyncadd.s32 $0xFFFFE000  }
0x51: {  	[hbm4b:s1+s2] =	stream.linear.scatter [tilespmem:s9], [sflag:$0x8], $0x2000, $0x38;
	[tilespmem:$0x10800] =	vst v63  }
0x52: {  	_ =	swait.ge [sflag:s13], $0x2000  }
0x53: {  	[sflag:s13] =	ssyncset.done $0x0  }
0x54: {  	s1 =	rddreg [dreg:$0x1e];
	[sflag:s13] =	ssyncadd.s32 $0xFFFFE000  }
0x55: {  	[tilespmem:s9], [sflag:$0x4] =	stream.indirect.gather [hbm4b:s4+s19], $0x80, s1, s19, $0xb8;
	[tilespmem:$0x10800] =	vst v63  }
0x56: {  	_ =	swait.ge [sflag:s8], $0x2000  }
0x57: {  	[sflag:s8] =	ssyncset.done $0x0  }
0x58: {  	s1 =	rddreg [dreg:$0xc];
	[sflag:s8] =	ssyncadd.s32 $0xFFFFE000  }
0x59: {  	[hbm4b:s1+s2] =	stream.linear.scatter [tilespmem:s6], [sflag:$0x5], $0x2000, $0x38;
	[tilespmem:$0x10800] =	vst v63  }
0x5a: {  	_ =	swait.ge [sflag:s7], $0x2000  }
0x5b: {  	[sflag:s7] =	ssyncset.done $0x0  }
0x5c: {  	s1 =	rddreg [dreg:$0x1f];
	[sflag:s7] =	ssyncadd.s32 $0xFFFFE000  }
0x5d: {  	[tilespmem:s6], [sflag:$0x1] =	stream.indirect.gather [hbm4b:s4+s18], $0x80, s1, s18, $0xb8;
	[tilespmem:$0x10800] =	vst v63  }
0x5e: {  	_ =	swait.ge [sflag:s17], $0x4000  }
0x5f: {  	[sflag:s17] =	ssyncset.done $0x0  }
0x60: {  	s1 =	rddreg [dreg:$0xd];
	[sflag:s17] =	ssyncadd.s32 $0xFFFFC000  }
0x61: {  	[hbm4b:s1+s2] =	stream.linear.scatter [tilespmem:s11], [sflag:$0x6], $0x4000, $0x38;
	[tilespmem:$0x10800] =	vst v63  }
0x62: {  	_ =	swait.ge [sflag:s16], $0x4000  }
0x63: {  	s1 =	sld [smem:$0x7FB]  }
0x64: {  	[sflag:s16] =	ssyncset.done $0x0  }
0x65: {  	[sflag:s16] =	ssyncadd.s32 $0xFFFFC000  }
0x66: {  	[tilespmem:s11], [sflag:$0x2] =	stream.indirect.gather [hbm4b:s3+s28], $0x80, s1, s28, $0xb8;
	[tilespmem:$0x10800] =	vst v63  }
0x67: {  	_ =	swait.ge [sflag:s15], $0x4000  }
0x68: {  	[sflag:s15] =	ssyncset.done $0x0  }
0x69: {  	s1 =	rddreg [dreg:$0xe];
	[sflag:s15] =	ssyncadd.s32 $0xFFFFC000  }
0x6a: {  	[hbm4b:s1+s2] =	stream.linear.scatter [tilespmem:s10], [sflag:$0x7], $0x4000, $0x38;
	[tilespmem:$0x10800] =	vst v63  }
0x6b: {  	_ =	swait.ge [sflag:s14], $0x4000  }
0x6c: {  	s1 =	sld [smem:$0x7FC]  }
0x6d: {  	[sflag:s14] =	ssyncset.done $0x0  }
0x6e: {  	[sflag:s14] =	ssyncadd.s32 $0xFFFFC000  }
0x6f: {  	[tilespmem:s10], [sflag:$0x3] =	stream.indirect.gather [hbm4b:s3+s19], $0x80, s1, s19, $0xb8;
	[tilespmem:$0x10800] =	vst v63  }
0x70: {  	_ =	swait.ge [sflag:s12], $0x4000  }
0x71: {  	[sflag:s12] =	ssyncset.done $0x0  }
0x72: {  	s1 =	rddreg [dreg:$0xf];
	[sflag:s12] =	ssyncadd.s32 $0xFFFFC000  }
0x73: {  	[hbm4b:s1+s2] =	stream.linear.scatter [tilespmem:s9], [sflag:$0x8], $0x4000, $0x38;
	[tilespmem:$0x10800] =	vst v63  }
0x74: {  	_ =	swait.ge [sflag:s13], $0x4000  }
0x75: {  	s1 =	sld [smem:$0x7FD]  }
0x76: {  	[sflag:s13] =	ssyncset.done $0x0  }
0x77: {  	[sflag:s13] =	ssyncadd.s32 $0xFFFFC000  }
0x78: {  	[tilespmem:s9], [sflag:$0x4] =	stream.indirect.gather [hbm4b:s3+s19], $0x80, s1, s19, $0xb8;
	[tilespmem:$0x10800] =	vst v63  }
0x79: {  	_ =	swait.ge [sflag:s8], $0x1000  }
0x7a: {  	[sflag:s8] =	ssyncset.done $0x0  }
0x7b: {  	s1 =	rddreg [dreg:$0x10];
	[sflag:s8] =	ssyncadd.s32 $0xFFFFF000  }
0x7c: {  	[hbm4b:s1+s2] =	stream.linear.scatter [tilespmem:s6], [sflag:$0x5], $0x1000, $0x38;
	[tilespmem:$0x10800] =	vst v63  }
0x7d: {  	_ =	swait.ge [sflag:s7], $0x1000  }
0x7e: {  	[sflag:s7] =	ssyncset.done $0x0  }
0x7f: {  	s1 =	simm.s32 $0x480;
	[sflag:s7] =	ssyncadd.s32 $0xFFFFF000  }
0x80: {  	[tilespmem:s6], [sflag:$0x1] =	stream.indirect.gather [hbm4b:s3+s19], $0x80, s1, s19, $0xb8;
	[tilespmem:$0x10800] =	vst v63  }
0x81: {  	_ =	swait.ge [sflag:s17], $0x3000  }
0x82: {  	[sflag:s17] =	ssyncset.done $0x0  }
0x83: {  	s1 =	rddreg [dreg:$0x11];
	[sflag:s17] =	ssyncadd.s32 $0xFFFFD000  }
0x84: {  	[hbm4b:s1+s2] =	stream.linear.scatter [tilespmem:s11], [sflag:$0x6], $0x3000, $0x38;
	[tilespmem:$0x10800] =	vst v63  }
0x85: {  	_ =	swait.ge [sflag:s16], $0x3000  }
0x86: {  	[sflag:s16] =	ssyncset.done $0x0  }
0x87: {  	[sflag:s16] =	ssyncadd.s32 $0xFFFFD000  }
0x88: {  	[tilespmem:s11], [sflag:$0x2] =	stream.indirect.gather [hbm4b:s5+s19], $0x80, s29, s19, $0xb8;
	[tilespmem:$0x10800] =	vst v63  }
0x89: {  	_ =	swait.ge [sflag:s15], $0x4000  }
0x8a: {  	[sflag:s15] =	ssyncset.done $0x0  }
0x8b: {  	s1 =	rddreg [dreg:$0x12];
	[sflag:s15] =	ssyncadd.s32 $0xFFFFC000  }
0x8c: {  	[hbm4b:s1+s2] =	stream.linear.scatter [tilespmem:s10], [sflag:$0x7], $0x4000, $0x38;
	[tilespmem:$0x10800] =	vst v63  }
0x8d: {  	_ =	swait.ge [sflag:s14], $0x4000  }
0x8e: {  	[sflag:s14] =	ssyncset.done $0x0  }
0x8f: {  	[sflag:s14] =	ssyncadd.s32 $0xFFFFC000  }
0x90: {  	[tilespmem:s10], [sflag:$0x3] =	stream.indirect.gather [hbm4b:s5+s18], $0x80, s26, s18, $0xb8;
	[tilespmem:$0x10800] =	vst v63  }
0x91: {  	_ =	swait.ge [sflag:s12], $0x4000  }
0x92: {  	[sflag:s12] =	ssyncset.done $0x0  }
0x93: {  	s1 =	rddreg [dreg:$0x13];
	[sflag:s12] =	ssyncadd.s32 $0xFFFFC000  }
0x94: {  	[hbm4b:s1+s2] =	stream.linear.scatter [tilespmem:s9], [sflag:$0x8], $0x4000, $0x38;
	[tilespmem:$0x10800] =	vst v63  }
0x95: {  	_ =	swait.ge [sflag:s13], $0x4000  }
0x96: {  	[sflag:s13] =	ssyncset.done $0x0  }
0x97: {  	[sflag:s13] =	ssyncadd.s32 $0xFFFFC000  }
0x98: {  	[tilespmem:s9], [sflag:$0x4] =	stream.indirect.gather [hbm4b:s4+s20], $0x80, s25, s20, $0xb8;
	[tilespmem:$0x10800] =	vst v63  }
0x99: {  	_ =	swait.ge [sflag:s8], $0x4000  }
0x9a: {  	[sflag:s8] =	ssyncset.done $0x0  }
0x9b: {  	s1 =	rddreg [dreg:$0x14];
	[sflag:s8] =	ssyncadd.s32 $0xFFFFC000  }
0x9c: {  	[hbm4b:s1+s2] =	stream.linear.scatter [tilespmem:s6], [sflag:$0x5], $0x4000, $0x38;
	[tilespmem:$0x10800] =	vst v63  }
0x9d: {  	_ =	swait.ge [sflag:s7], $0x4000  }
0x9e: {  	[sflag:s7] =	ssyncset.done $0x0  }
0x9f: {  	[sflag:s7] =	ssyncadd.s32 $0xFFFFC000  }
0xa0: {  	[tilespmem:s6], [sflag:$0x1] =	stream.indirect.gather [hbm4b:s3+s20], $0x80, s22, s20, $0xb8;
	[tilespmem:$0x10800] =	vst v63  }
0xa1: {  	_ =	swait.ge [sflag:s17], $0x4000  }
0xa2: {  	[sflag:s17] =	ssyncset.done $0x0  }
0xa3: {  	s1 =	rddreg [dreg:$0x15];
	[sflag:s17] =	ssyncadd.s32 $0xFFFFC000  }
0xa4: {  	[hbm4b:s1+s2] =	stream.linear.scatter [tilespmem:s11], [sflag:$0x6], $0x4000, $0x38;
	[tilespmem:$0x10800] =	vst v63  }
0xa5: {  	_ =	swait.ge [sflag:s16], $0x4000  }
0xa6: {  	[sflag:s16] =	ssyncset.done $0x0  }
0xa7: {  	[sflag:s16] =	ssyncadd.s32 $0xFFFFC000  }
0xa8: {  	_ =	swait.ge [sflag:s15], $0x1000  }
0xa9: {  	[sflag:s15] =	ssyncset.done $0x0  }
0xaa: {  	s1 =	rddreg [dreg:$0x16];
	[sflag:s15] =	ssyncadd.s32 $0xFFFFF000  }
0xab: {  	[hbm4b:s1+s2] =	stream.linear.scatter [tilespmem:s10], [sflag:$0x7], $0x1000, $0x38;
	[tilespmem:$0x10800] =	vst v63  }
0xac: {  	_ =	swait.ge [sflag:s14], $0x1000  }
0xad: {  	[sflag:s14] =	ssyncset.done $0x0  }
0xae: {  	[sflag:s14] =	ssyncadd.s32 $0xFFFFF000  }
0xaf: {  	_ =	swait.ge [sflag:s12], $0x1800  }
0xb0: {  	[sflag:s12] =	ssyncset.done $0x0  }
0xb1: {  	s1 =	rddreg [dreg:$0x17];
	[sflag:s12] =	ssyncadd.s32 $0xFFFFE800  }
0xb2: {  	[hbm4b:s1+s2] =	stream.linear.scatter [tilespmem:s9], [sflag:$0x8], $0x1800, $0x38;
	[tilespmem:$0x10800] =	vst v63  }
0xb3: {  	_ =	swait.ge [sflag:s13], $0x1800  }
0xb4: {  	[sflag:s13] =	ssyncset.done $0x0  }
0xb5: {  	[sflag:s13] =	ssyncadd.s32 $0xFFFFE800  }
0xb6: {  	p1 =	sne.s32 s21, $0x1;
	_ =	swait.ge [sflag:s8], $0x1800  }
.Ltmp1:
0xb7: {  	[sflag:s8] =	ssyncset.done $0x0;
	(pc) =	sbr.rel @!p1 .LBB2_3-.Ltmp1, $4  }
0xb8: {  	s1 =	rddreg [dreg:$0x18];
	[sflag:s8] =	ssyncadd.s32 $0xFFFFE800  }
0xb9: {  	[hbm4b:s1+s2] =	stream.linear.scatter [tilespmem:s6], [sflag:$0x5], $0x1800, $0x38;
	[tilespmem:$0x10800] =	vst v63  }
0xba: {  	p0 =	por $0x1, $0x1;
	_ =	swait.ge [sflag:s7], $0x1800  }
0xbb: {  	s1 =	sadd.s32 $0xFFFFFFFF, s21;
	s0 =	rddreg [dreg:$0x7];
	[sflag:s7] =	ssyncset.done $0x0  }
.LBB2_4:
0xbc: {  	[sflag:s7] =	ssyncadd.s32 $0xFFFFE800  }
0xbd: {  	[tilespmem:s2], [sflag:$0x9] =	stream.linear.gather [hbm4b:s0+s2], $0x600, $0x38;
	[tilespmem:$0x10800] =	vst v63  }
0xbe: {  	_ =	swait.ge [sflag:s31], $0x600  }
0xbf: {  	[sflag:s31] =	ssyncset.done $0x0  }
0xc0: {  	[sflag:s31] =	ssyncadd.s32 $0xFFFFFA00  }
0xc1: {  	[tilespmem:s6], [sflag:$0x1] =	stream.indirect.gather [hbm4b:s24+s19], $0x80, s2, s19, $0xb8;
	[tilespmem:$0x10800] =	vst v63  }
0xc2: {  	_ = 	snop  }
0xc3: {  	[tilespmem:s11], [sflag:$0x2] =	stream.indirect.gather [hbm4b:s24+s18], $0x80, s19, s18, $0xb8;
	[tilespmem:$0x10800] =	vst v63  }
0xc4: {  	s0 =	rddreg [dreg:$0x19]  }
0xc5: {  	[tilespmem:s10], [sflag:$0x3] =	stream.indirect.gather [hbm4b:s23+s28], $0x80, s0, s28, $0xb8;
	[tilespmem:$0x10800] =	vst v63  }
0xc6: {  	s21 =	rddreg [dreg:$0x1a]  }
0xc7: {  	[tilespmem:s9], [sflag:$0x4] =	stream.indirect.gather [hbm4b:s23+s30], $0x80, s21, s30, $0xb8;
	[tilespmem:$0x10800] =	vst v63  }
0xc8: {  	_ =	swait.ge [sflag:s8], $0x4000  }
0xc9: {  	[sflag:s8] =	ssyncset.done $0x0  }
0xca: {  	s21 =	rddreg [dreg:$0x8];
	[sflag:s8] =	ssyncadd.s32 $0xFFFFC000  }
0xcb: {  	[hbm4b:s21+s2] =	stream.linear.scatter [tilespmem:s6], [sflag:$0x5], $0x4000, $0x38;
	[tilespmem:$0x10800] =	vst v63  }
0xcc: {  	_ =	swait.ge [sflag:s7], $0x4000  }
0xcd: {  	[sflag:s7] =	ssyncset.done $0x0  }
0xce: {  	s21 =	rddreg [dreg:$0x1b];
	[sflag:s7] =	ssyncadd.s32 $0xFFFFC000  }
0xcf: {  	[tilespmem:s6], [sflag:$0x1] =	stream.indirect.gather [hbm4b:s4+s30], $0x80, s21, s30, $0xb8;
	[tilespmem:$0x10800] =	vst v63  }
0xd0: {  	_ =	swait.ge [sflag:s17], $0x1000  }
0xd1: {  	[sflag:s17] =	ssyncset.done $0x0  }
0xd2: {  	s21 =	rddreg [dreg:$0x9];
	[sflag:s17] =	ssyncadd.s32 $0xFFFFF000  }
0xd3: {  	[hbm4b:s21+s2] =	stream.linear.scatter [tilespmem:s11], [sflag:$0x6], $0x1000, $0x38;
	[tilespmem:$0x10800] =	vst v63  }
0xd4: {  	_ =	swait.ge [sflag:s16], $0x1000  }
0xd5: {  	[sflag:s16] =	ssyncset.done $0x0  }
0xd6: {  	s21 =	rddreg [dreg:$0x1c];
	[sflag:s16] =	ssyncadd.s32 $0xFFFFF000  }
0xd7: {  	[tilespmem:s11], [sflag:$0x2] =	stream.indirect.gather [hbm4b:s4+s19], $0x80, s21, s19, $0xb8;
	[tilespmem:$0x10800] =	vst v63  }
0xd8: {  	_ =	swait.ge [sflag:s15], $0x3000  }
0xd9: {  	[sflag:s15] =	ssyncset.done $0x0  }
0xda: {  	s21 =	rddreg [dreg:$0xa];
	[sflag:s15] =	ssyncadd.s32 $0xFFFFD000  }
0xdb: {  	[hbm4b:s21+s2] =	stream.linear.scatter [tilespmem:s10], [sflag:$0x7], $0x3000, $0x38;
	[tilespmem:$0x10800] =	vst v63  }
0xdc: {  	_ =	swait.ge [sflag:s14], $0x3000  }
0xdd: {  	[sflag:s14] =	ssyncset.done $0x0  }
0xde: {  	s21 =	rddreg [dreg:$0x1d];
	[sflag:s14] =	ssyncadd.s32 $0xFFFFD000  }
0xdf: {  	[tilespmem:s10], [sflag:$0x3] =	stream.indirect.gather [hbm4b:s4+s19], $0x80, s21, s19, $0xb8;
	[tilespmem:$0x10800] =	vst v63  }
0xe0: {  	_ =	swait.ge [sflag:s12], $0x2000  }
0xe1: {  	[sflag:s12] =	ssyncset.done $0x0  }
0xe2: {  	s21 =	rddreg [dreg:$0xb];
	[sflag:s12] =	ssyncadd.s32 $0xFFFFE000  }
0xe3: {  	[hbm4b:s21+s2] =	stream.linear.scatter [tilespmem:s9], [sflag:$0x8], $0x2000, $0x38;
	[tilespmem:$0x10800] =	vst v63  }
0xe4: {  	_ =	swait.ge [sflag:s13], $0x2000  }
0xe5: {  	[sflag:s13] =	ssyncset.done $0x0  }
0xe6: {  	s21 =	rddreg [dreg:$0x1e];
	[sflag:s13] =	ssyncadd.s32 $0xFFFFE000  }
0xe7: {  	[tilespmem:s9], [sflag:$0x4] =	stream.indirect.gather [hbm4b:s4+s19], $0x80, s21, s19, $0xb8;
	[tilespmem:$0x10800] =	vst v63  }
0xe8: {  	_ =	swait.ge [sflag:s8], $0x2000  }
0xe9: {  	[sflag:s8] =	ssyncset.done $0x0  }
0xea: {  	s21 =	rddreg [dreg:$0xc];
	[sflag:s8] =	ssyncadd.s32 $0xFFFFE000  }
0xeb: {  	[hbm4b:s21+s2] =	stream.linear.scatter [tilespmem:s6], [sflag:$0x5], $0x2000, $0x38;
	[tilespmem:$0x10800] =	vst v63  }
0xec: {  	_ =	swait.ge [sflag:s7], $0x2000  }
0xed: {  	[sflag:s7] =	ssyncset.done $0x0  }
0xee: {  	s21 =	rddreg [dreg:$0x1f];
	[sflag:s7] =	ssyncadd.s32 $0xFFFFE000  }
0xef: {  	[tilespmem:s6], [sflag:$0x1] =	stream.indirect.gather [hbm4b:s4+s18], $0x80, s21, s18, $0xb8;
	[tilespmem:$0x10800] =	vst v63  }
0xf0: {  	_ =	swait.ge [sflag:s17], $0x4000  }
0xf1: {  	[sflag:s17] =	ssyncset.done $0x0  }
0xf2: {  	s21 =	rddreg [dreg:$0xd];
	[sflag:s17] =	ssyncadd.s32 $0xFFFFC000  }
0xf3: {  	[hbm4b:s21+s2] =	stream.linear.scatter [tilespmem:s11], [sflag:$0x6], $0x4000, $0x38;
	[tilespmem:$0x10800] =	vst v63  }
0xf4: {  	_ =	swait.ge [sflag:s16], $0x4000  }
0xf5: {  	s21 =	sld [smem:$0x7FB]  }
0xf6: {  	[sflag:s16] =	ssyncset.done $0x0  }
0xf7: {  	[sflag:s16] =	ssyncadd.s32 $0xFFFFC000  }
0xf8: {  	[tilespmem:s11], [sflag:$0x2] =	stream.indirect.gather [hbm4b:s3+s28], $0x80, s21, s28, $0xb8;
	[tilespmem:$0x10800] =	vst v63  }
0xf9: {  	_ =	swait.ge [sflag:s15], $0x4000  }
0xfa: {  	[sflag:s15] =	ssyncset.done $0x0  }
0xfb: {  	s21 =	rddreg [dreg:$0xe];
	[sflag:s15] =	ssyncadd.s32 $0xFFFFC000  }
0xfc: {  	[hbm4b:s21+s2] =	stream.linear.scatter [tilespmem:s10], [sflag:$0x7], $0x4000, $0x38;
	[tilespmem:$0x10800] =	vst v63  }
0xfd: {  	_ =	swait.ge [sflag:s14], $0x4000  }
0xfe: {  	s21 =	sld [smem:$0x7FC]  }
0xff: {  	[sflag:s14] =	ssyncset.done $0x0  }
0x100: {  	[sflag:s14] =	ssyncadd.s32 $0xFFFFC000  }
0x101: {  	[tilespmem:s10], [sflag:$0x3] =	stream.indirect.gather [hbm4b:s3+s19], $0x80, s21, s19, $0xb8;
	[tilespmem:$0x10800] =	vst v63  }
0x102: {  	_ =	swait.ge [sflag:s12], $0x4000  }
0x103: {  	[sflag:s12] =	ssyncset.done $0x0  }
0x104: {  	s21 =	rddreg [dreg:$0xf];
	[sflag:s12] =	ssyncadd.s32 $0xFFFFC000  }
0x105: {  	[hbm4b:s21+s2] =	stream.linear.scatter [tilespmem:s9], [sflag:$0x8], $0x4000, $0x38;
	[tilespmem:$0x10800] =	vst v63  }
0x106: {  	_ =	swait.ge [sflag:s13], $0x4000  }
0x107: {  	s21 =	sld [smem:$0x7FD]  }
0x108: {  	[sflag:s13] =	ssyncset.done $0x0  }
0x109: {  	[sflag:s13] =	ssyncadd.s32 $0xFFFFC000  }
0x10a: {  	[tilespmem:s9], [sflag:$0x4] =	stream.indirect.gather [hbm4b:s3+s19], $0x80, s21, s19, $0xb8;
	[tilespmem:$0x10800] =	vst v63  }
0x10b: {  	_ =	swait.ge [sflag:s8], $0x1000  }
0x10c: {  	[sflag:s8] =	ssyncset.done $0x0  }
0x10d: {  	s21 =	rddreg [dreg:$0x10];
	[sflag:s8] =	ssyncadd.s32 $0xFFFFF000  }
0x10e: {  	[hbm4b:s21+s2] =	stream.linear.scatter [tilespmem:s6], [sflag:$0x5], $0x1000, $0x38;
	[tilespmem:$0x10800] =	vst v63  }
0x10f: {  	_ =	swait.ge [sflag:s7], $0x1000  }
0x110: {  	[sflag:s7] =	ssyncset.done $0x0  }
0x111: {  	s21 =	simm.s32 $0x480;
	[sflag:s7] =	ssyncadd.s32 $0xFFFFF000  }
0x112: {  	[tilespmem:s6], [sflag:$0x1] =	stream.indirect.gather [hbm4b:s3+s19], $0x80, s21, s19, $0xb8;
	[tilespmem:$0x10800] =	vst v63  }
0x113: {  	_ =	swait.ge [sflag:s17], $0x3000  }
0x114: {  	[sflag:s17] =	ssyncset.done $0x0  }
0x115: {  	s21 =	rddreg [dreg:$0x11];
	[sflag:s17] =	ssyncadd.s32 $0xFFFFD000  }
0x116: {  	[hbm4b:s21+s2] =	stream.linear.scatter [tilespmem:s11], [sflag:$0x6], $0x3000, $0x38;
	[tilespmem:$0x10800] =	vst v63  }
0x117: {  	_ =	swait.ge [sflag:s16], $0x3000  }
0x118: {  	[sflag:s16] =	ssyncset.done $0x0  }
0x119: {  	[sflag:s16] =	ssyncadd.s32 $0xFFFFD000  }
0x11a: {  	[tilespmem:s11], [sflag:$0x2] =	stream.indirect.gather [hbm4b:s5+s19], $0x80, s29, s19, $0xb8;
	[tilespmem:$0x10800] =	vst v63  }
0x11b: {  	_ =	swait.ge [sflag:s15], $0x4000  }
0x11c: {  	[sflag:s15] =	ssyncset.done $0x0  }
0x11d: {  	s21 =	rddreg [dreg:$0x12];
	[sflag:s15] =	ssyncadd.s32 $0xFFFFC000  }
0x11e: {  	[hbm4b:s21+s2] =	stream.linear.scatter [tilespmem:s10], [sflag:$0x7], $0x4000, $0x38;
	[tilespmem:$0x10800] =	vst v63  }
0x11f: {  	_ =	swait.ge [sflag:s14], $0x4000  }
0x120: {  	[sflag:s14] =	ssyncset.done $0x0  }
0x121: {  	[sflag:s14] =	ssyncadd.s32 $0xFFFFC000  }
0x122: {  	[tilespmem:s10], [sflag:$0x3] =	stream.indirect.gather [hbm4b:s5+s18], $0x80, s26, s18, $0xb8;
	[tilespmem:$0x10800] =	vst v63  }
0x123: {  	_ =	swait.ge [sflag:s12], $0x4000  }
0x124: {  	[sflag:s12] =	ssyncset.done $0x0  }
0x125: {  	s21 =	rddreg [dreg:$0x13];
	[sflag:s12] =	ssyncadd.s32 $0xFFFFC000  }
0x126: {  	[hbm4b:s21+s2] =	stream.linear.scatter [tilespmem:s9], [sflag:$0x8], $0x4000, $0x38;
	[tilespmem:$0x10800] =	vst v63  }
0x127: {  	_ =	swait.ge [sflag:s13], $0x4000  }
0x128: {  	[sflag:s13] =	ssyncset.done $0x0  }
0x129: {  	[sflag:s13] =	ssyncadd.s32 $0xFFFFC000  }
0x12a: {  	[tilespmem:s9], [sflag:$0x4] =	stream.indirect.gather [hbm4b:s4+s20], $0x80, s25, s20, $0xb8;
	[tilespmem:$0x10800] =	vst v63  }
0x12b: {  	_ =	swait.ge [sflag:s8], $0x4000  }
0x12c: {  	[sflag:s8] =	ssyncset.done $0x0  }
0x12d: {  	s21 =	rddreg [dreg:$0x14];
	[sflag:s8] =	ssyncadd.s32 $0xFFFFC000  }
0x12e: {  	[hbm4b:s21+s2] =	stream.linear.scatter [tilespmem:s6], [sflag:$0x5], $0x4000, $0x38;
	[tilespmem:$0x10800] =	vst v63  }
0x12f: {  	_ =	swait.ge [sflag:s7], $0x4000  }
0x130: {  	[sflag:s7] =	ssyncset.done $0x0  }
0x131: {  	[sflag:s7] =	ssyncadd.s32 $0xFFFFC000  }
0x132: {  	[tilespmem:s6], [sflag:$0x1] =	stream.indirect.gather [hbm4b:s3+s20], $0x80, s22, s20, $0xb8;
	[tilespmem:$0x10800] =	vst v63  }
0x133: {  	_ =	swait.ge [sflag:s17], $0x4000  }
0x134: {  	[sflag:s17] =	ssyncset.done $0x0  }
0x135: {  	s21 =	rddreg [dreg:$0x15];
	[sflag:s17] =	ssyncadd.s32 $0xFFFFC000  }
0x136: {  	[hbm4b:s21+s2] =	stream.linear.scatter [tilespmem:s11], [sflag:$0x6], $0x4000, $0x38;
	[tilespmem:$0x10800] =	vst v63  }
0x137: {  	_ =	swait.ge [sflag:s16], $0x4000  }
0x138: {  	[sflag:s16] =	ssyncset.done $0x0  }
0x139: {  	[sflag:s16] =	ssyncadd.s32 $0xFFFFC000  }
0x13a: {  	_ =	swait.ge [sflag:s15], $0x1000  }
0x13b: {  	[sflag:s15] =	ssyncset.done $0x0  }
0x13c: {  	s21 =	rddreg [dreg:$0x16];
	[sflag:s15] =	ssyncadd.s32 $0xFFFFF000  }
0x13d: {  	[hbm4b:s21+s2] =	stream.linear.scatter [tilespmem:s10], [sflag:$0x7], $0x1000, $0x38;
	[tilespmem:$0x10800] =	vst v63  }
0x13e: {  	_ =	swait.ge [sflag:s14], $0x1000  }
0x13f: {  	[sflag:s14] =	ssyncset.done $0x0  }
0x140: {  	[sflag:s14] =	ssyncadd.s32 $0xFFFFF000  }
0x141: {  	_ =	swait.ge [sflag:s12], $0x1800  }
0x142: {  	[sflag:s12] =	ssyncset.done $0x0  }
0x143: {  	s21 =	rddreg [dreg:$0x17];
	[sflag:s12] =	ssyncadd.s32 $0xFFFFE800  }
0x144: {  	[hbm4b:s21+s2] =	stream.linear.scatter [tilespmem:s9], [sflag:$0x8], $0x1800, $0x38;
	[tilespmem:$0x10800] =	vst v63  }
0x145: {  	_ =	swait.ge [sflag:s13], $0x1800  }
0x146: {  	[sflag:s13] =	ssyncset.done $0x0  }
0x147: {  	[sflag:s13] =	ssyncadd.s32 $0xFFFFE800  }
0x148: {  	p1 =	sne.s32 s1, $0x1;
	_ =	swait.ge [sflag:s8], $0x1800  }
.Ltmp2:
0x149: {  	[sflag:s8] =	ssyncset.done $0x0;
	(pc) =	sbr.rel @p1 .LBB2_4-.Ltmp2, $4  }
0x14a: {  	s21 =	rddreg [dreg:$0x18];
	[sflag:s8] =	ssyncadd.s32 $0xFFFFE800  }
0x14b: {  	[hbm4b:s21+s2] =	stream.linear.scatter [tilespmem:s6], [sflag:$0x5], $0x1800, $0x38;
	[tilespmem:$0x10800] =	vst v63  }
0x14c: {  	_ =	swait.ge [sflag:s7], $0x1800  }
0x14d: {  	s1 =	sadd.s32 $0xFFFFFFFF, s1;
	s0 =	rddreg [dreg:$0x7];
	[sflag:s7] =	ssyncset.done $0x0  }
0x14e: {  	s22 =	simm.s32 $0x480;
	s29 =	simm.s32 $0x500  }
0x14f: {  	s26 =	simm.s32 $0x580;
	s25 =	simm.s32 $0x5A0;
	s21 =	stileid.u32  }
.LBB2_6:
0x150: {  	[sflag:s7] =	ssyncadd.s32 @p0 $0xFFFFE800  }
0x151: {  	[tilespmem:s2], [sflag:$0x9] =	stream.linear.gather [hbm4b:s0+s2], $0x600, $0x38;
	[tilespmem:$0x10800] =	vst v63  }
0x152: {  	_ =	swait.ge [sflag:s31], $0x600  }
0x153: {  	[sflag:s31] =	ssyncset.done $0x0  }
0x154: {  	[sflag:s31] =	ssyncadd.s32 $0xFFFFFA00  }
0x155: {  	[tilespmem:s6], [sflag:$0x1] =	stream.indirect.gather [hbm4b:s24+s19], $0x80, s2, s19, $0xb8;
	[tilespmem:$0x10800] =	vst v63  }
0x156: {  	_ = 	snop  }
0x157: {  	[tilespmem:s11], [sflag:$0x2] =	stream.indirect.gather [hbm4b:s24+s18], $0x80, s19, s18, $0xb8;
	[tilespmem:$0x10800] =	vst v63  }
0x158: {  	s31 =	rddreg [dreg:$0x19]  }
0x159: {  	[tilespmem:s10], [sflag:$0x3] =	stream.indirect.gather [hbm4b:s23+s28], $0x80, s31, s28, $0xb8;
	[tilespmem:$0x10800] =	vst v63  }
0x15a: {  	s1 =	rddreg [dreg:$0x1a]  }
0x15b: {  	[tilespmem:s9], [sflag:$0x4] =	stream.indirect.gather [hbm4b:s23+s30], $0x80, s1, s30, $0xb8;
	[tilespmem:$0x10800] =	vst v63  }
0x15c: {  	_ =	swait.ge [sflag:s8], $0x4000  }
0x15d: {  	[sflag:s8] =	ssyncset.done $0x0  }
0x15e: {  	s1 =	rddreg [dreg:$0x8];
	[sflag:s8] =	ssyncadd.s32 $0xFFFFC000  }
0x15f: {  	[hbm4b:s1+s2] =	stream.linear.scatter [tilespmem:s6], [sflag:$0x5], $0x4000, $0x38;
	[tilespmem:$0x10800] =	vst v63  }
0x160: {  	_ =	swait.ge [sflag:s7], $0x4000  }
0x161: {  	[sflag:s7] =	ssyncset.done $0x0  }
0x162: {  	s23 =	rddreg [dreg:$0x1b];
	[sflag:s7] =	ssyncadd.s32 $0xFFFFC000  }
0x163: {  	[tilespmem:s6], [sflag:$0x1] =	stream.indirect.gather [hbm4b:s4+s30], $0x80, s23, s30, $0xb8;
	[tilespmem:$0x10800] =	vst v63  }
0x164: {  	_ =	swait.ge [sflag:s17], $0x1000  }
0x165: {  	[sflag:s17] =	ssyncset.done $0x0  }
0x166: {  	s24 =	rddreg [dreg:$0x9];
	[sflag:s17] =	ssyncadd.s32 $0xFFFFF000  }
0x167: {  	[hbm4b:s24+s2] =	stream.linear.scatter [tilespmem:s11], [sflag:$0x6], $0x1000, $0x38;
	[tilespmem:$0x10800] =	vst v63  }
0x168: {  	_ =	swait.ge [sflag:s16], $0x1000  }
0x169: {  	[sflag:s16] =	ssyncset.done $0x0  }
0x16a: {  	s30 =	rddreg [dreg:$0x1c];
	[sflag:s16] =	ssyncadd.s32 $0xFFFFF000  }
0x16b: {  	[tilespmem:s11], [sflag:$0x2] =	stream.indirect.gather [hbm4b:s4+s19], $0x80, s30, s19, $0xb8;
	[tilespmem:$0x10800] =	vst v63  }
0x16c: {  	_ =	swait.ge [sflag:s15], $0x3000  }
0x16d: {  	[sflag:s15] =	ssyncset.done $0x0  }
0x16e: {  	s31 =	rddreg [dreg:$0xa];
	[sflag:s15] =	ssyncadd.s32 $0xFFFFD000  }
0x16f: {  	[hbm4b:s31+s2] =	stream.linear.scatter [tilespmem:s10], [sflag:$0x7], $0x3000, $0x38;
	[tilespmem:$0x10800] =	vst v63  }
0x170: {  	_ =	swait.ge [sflag:s14], $0x3000  }
0x171: {  	[sflag:s14] =	ssyncset.done $0x0  }
0x172: {  	s1 =	rddreg [dreg:$0x1d];
	[sflag:s14] =	ssyncadd.s32 $0xFFFFD000  }
0x173: {  	[tilespmem:s10], [sflag:$0x3] =	stream.indirect.gather [hbm4b:s4+s19], $0x80, s1, s19, $0xb8;
	[tilespmem:$0x10800] =	vst v63  }
0x174: {  	_ =	swait.ge [sflag:s12], $0x2000  }
0x175: {  	[sflag:s12] =	ssyncset.done $0x0  }
0x176: {  	s23 =	rddreg [dreg:$0xb];
	[sflag:s12] =	ssyncadd.s32 $0xFFFFE000  }
0x177: {  	[hbm4b:s23+s2] =	stream.linear.scatter [tilespmem:s9], [sflag:$0x8], $0x2000, $0x38;
	[tilespmem:$0x10800] =	vst v63  }
0x178: {  	_ =	swait.ge [sflag:s13], $0x2000  }
0x179: {  	[sflag:s13] =	ssyncset.done $0x0  }
0x17a: {  	s24 =	rddreg [dreg:$0x1e];
	[sflag:s13] =	ssyncadd.s32 $0xFFFFE000  }
0x17b: {  	[tilespmem:s9], [sflag:$0x4] =	stream.indirect.gather [hbm4b:s4+s19], $0x80, s24, s19, $0xb8;
	[tilespmem:$0x10800] =	vst v63  }
0x17c: {  	_ =	swait.ge [sflag:s8], $0x2000  }
0x17d: {  	[sflag:s8] =	ssyncset.done $0x0  }
0x17e: {  	s30 =	rddreg [dreg:$0xc];
	[sflag:s8] =	ssyncadd.s32 $0xFFFFE000  }
0x17f: {  	[hbm4b:s30+s2] =	stream.linear.scatter [tilespmem:s6], [sflag:$0x5], $0x2000, $0x38;
	[tilespmem:$0x10800] =	vst v63  }
0x180: {  	_ =	swait.ge [sflag:s7], $0x2000  }
0x181: {  	[sflag:s7] =	ssyncset.done $0x0  }
0x182: {  	s31 =	rddreg [dreg:$0x1f];
	[sflag:s7] =	ssyncadd.s32 $0xFFFFE000  }
0x183: {  	[tilespmem:s6], [sflag:$0x1] =	stream.indirect.gather [hbm4b:s4+s18], $0x80, s31, s18, $0xb8;
	[tilespmem:$0x10800] =	vst v63  }
0x184: {  	_ =	swait.ge [sflag:s17], $0x4000  }
0x185: {  	[sflag:s17] =	ssyncset.done $0x0  }
0x186: {  	s1 =	rddreg [dreg:$0xd];
	[sflag:s17] =	ssyncadd.s32 $0xFFFFC000  }
0x187: {  	[hbm4b:s1+s2] =	stream.linear.scatter [tilespmem:s11], [sflag:$0x6], $0x4000, $0x38;
	[tilespmem:$0x10800] =	vst v63  }
0x188: {  	_ =	swait.ge [sflag:s16], $0x4000  }
0x189: {  	s23 =	sld [smem:$0x7FB]  }
0x18a: {  	[sflag:s16] =	ssyncset.done $0x0  }
0x18b: {  	[sflag:s16] =	ssyncadd.s32 $0xFFFFC000  }
0x18c: {  	[tilespmem:s11], [sflag:$0x2] =	stream.indirect.gather [hbm4b:s3+s28], $0x80, s23, s28, $0xb8;
	[tilespmem:$0x10800] =	vst v63  }
0x18d: {  	_ =	swait.ge [sflag:s15], $0x4000  }
0x18e: {  	[sflag:s15] =	ssyncset.done $0x0  }
0x18f: {  	s24 =	rddreg [dreg:$0xe];
	[sflag:s15] =	ssyncadd.s32 $0xFFFFC000  }
0x190: {  	[hbm4b:s24+s2] =	stream.linear.scatter [tilespmem:s10], [sflag:$0x7], $0x4000, $0x38;
	[tilespmem:$0x10800] =	vst v63  }
0x191: {  	_ =	swait.ge [sflag:s14], $0x4000  }
0x192: {  	s28 =	sld [smem:$0x7FC]  }
0x193: {  	[sflag:s14] =	ssyncset.done $0x0  }
0x194: {  	[sflag:s14] =	ssyncadd.s32 $0xFFFFC000  }
0x195: {  	[tilespmem:s10], [sflag:$0x3] =	stream.indirect.gather [hbm4b:s3+s19], $0x80, s28, s19, $0xb8;
	[tilespmem:$0x10800] =	vst v63  }
0x196: {  	_ =	swait.ge [sflag:s12], $0x4000  }
0x197: {  	[sflag:s12] =	ssyncset.done $0x0  }
0x198: {  	s30 =	rddreg [dreg:$0xf];
	[sflag:s12] =	ssyncadd.s32 $0xFFFFC000  }
0x199: {  	[hbm4b:s30+s2] =	stream.linear.scatter [tilespmem:s9], [sflag:$0x8], $0x4000, $0x38;
	[tilespmem:$0x10800] =	vst v63  }
0x19a: {  	_ =	swait.ge [sflag:s13], $0x4000  }
0x19b: {  	s31 =	sld [smem:$0x7FD]  }
0x19c: {  	[sflag:s13] =	ssyncset.done $0x0  }
0x19d: {  	[sflag:s13] =	ssyncadd.s32 $0xFFFFC000  }
0x19e: {  	[tilespmem:s9], [sflag:$0x4] =	stream.indirect.gather [hbm4b:s3+s19], $0x80, s31, s19, $0xb8;
	[tilespmem:$0x10800] =	vst v63  }
0x19f: {  	_ =	swait.ge [sflag:s8], $0x1000  }
0x1a0: {  	[sflag:s8] =	ssyncset.done $0x0  }
0x1a1: {  	s1 =	rddreg [dreg:$0x10];
	[sflag:s8] =	ssyncadd.s32 $0xFFFFF000  }
0x1a2: {  	[hbm4b:s1+s2] =	stream.linear.scatter [tilespmem:s6], [sflag:$0x5], $0x1000, $0x38;
	[tilespmem:$0x10800] =	vst v63  }
0x1a3: {  	_ =	swait.ge [sflag:s7], $0x1000  }
0x1a4: {  	[sflag:s7] =	ssyncset.done $0x0  }
0x1a5: {  	[sflag:s7] =	ssyncadd.s32 $0xFFFFF000  }
0x1a6: {  	[tilespmem:s6], [sflag:$0x1] =	stream.indirect.gather [hbm4b:s3+s19], $0x80, s22, s19, $0xb8;
	[tilespmem:$0x10800] =	vst v63  }
0x1a7: {  	_ =	swait.ge [sflag:s17], $0x3000  }
0x1a8: {  	[sflag:s17] =	ssyncset.done $0x0  }
0x1a9: {  	s22 =	rddreg [dreg:$0x11];
	[sflag:s17] =	ssyncadd.s32 $0xFFFFD000  }
0x1aa: {  	[hbm4b:s22+s2] =	stream.linear.scatter [tilespmem:s11], [sflag:$0x6], $0x3000, $0x38;
	[tilespmem:$0x10800] =	vst v63  }
0x1ab: {  	_ =	swait.ge [sflag:s16], $0x3000  }
0x1ac: {  	[sflag:s16] =	ssyncset.done $0x0  }
0x1ad: {  	[sflag:s16] =	ssyncadd.s32 $0xFFFFD000  }
0x1ae: {  	[tilespmem:s11], [sflag:$0x2] =	stream.indirect.gather [hbm4b:s5+s19], $0x80, s29, s19, $0xb8;
	[tilespmem:$0x10800] =	vst v63  }
0x1af: {  	_ =	swait.ge [sflag:s15], $0x4000  }
0x1b0: {  	[sflag:s15] =	ssyncset.done $0x0  }
0x1b1: {  	s23 =	rddreg [dreg:$0x12];
	[sflag:s15] =	ssyncadd.s32 $0xFFFFC000  }
0x1b2: {  	[hbm4b:s23+s2] =	stream.linear.scatter [tilespmem:s10], [sflag:$0x7], $0x4000, $0x38;
	[tilespmem:$0x10800] =	vst v63  }
0x1b3: {  	_ =	swait.ge [sflag:s14], $0x4000  }
0x1b4: {  	[sflag:s14] =	ssyncset.done $0x0  }
0x1b5: {  	[sflag:s14] =	ssyncadd.s32 $0xFFFFC000  }
0x1b6: {  	[tilespmem:s10], [sflag:$0x3] =	stream.indirect.gather [hbm4b:s5+s18], $0x80, s26, s18, $0xb8;
	[tilespmem:$0x10800] =	vst v63  }
0x1b7: {  	_ =	swait.ge [sflag:s12], $0x4000  }
0x1b8: {  	[sflag:s12] =	ssyncset.done $0x0  }
0x1b9: {  	s24 =	rddreg [dreg:$0x13];
	[sflag:s12] =	ssyncadd.s32 $0xFFFFC000  }
0x1ba: {  	[hbm4b:s24+s2] =	stream.linear.scatter [tilespmem:s9], [sflag:$0x8], $0x4000, $0x38;
	[tilespmem:$0x10800] =	vst v63  }
0x1bb: {  	_ =	swait.ge [sflag:s13], $0x4000  }
0x1bc: {  	[sflag:s13] =	ssyncset.done $0x0  }
0x1bd: {  	[sflag:s13] =	ssyncadd.s32 $0xFFFFC000  }
0x1be: {  	[tilespmem:s9], [sflag:$0x4] =	stream.indirect.gather [hbm4b:s4+s20], $0x80, s25, s20, $0xb8;
	[tilespmem:$0x10800] =	vst v63  }
0x1bf: {  	_ =	swait.ge [sflag:s8], $0x4000  }
0x1c0: {  	[sflag:s8] =	ssyncset.done $0x0  }
0x1c1: {  	s25 =	rddreg [dreg:$0x14];
	[sflag:s8] =	ssyncadd.s32 $0xFFFFC000  }
0x1c2: {  	[hbm4b:s25+s2] =	stream.linear.scatter [tilespmem:s6], [sflag:$0x5], $0x4000, $0x38;
	[tilespmem:$0x10800] =	vst v63  }
0x1c3: {  	_ =	swait.ge [sflag:s7], $0x4000  }
0x1c4: {  	[sflag:s7] =	ssyncset.done $0x0  }
0x1c5: {  	s26 =	simm.s32 $0x5D0;
	[sflag:s7] =	ssyncadd.s32 $0xFFFFC000  }
0x1c6: {  	[tilespmem:s6], [sflag:$0x1] =	stream.indirect.gather [hbm4b:s3+s20], $0x80, s26, s20, $0xb8;
	[tilespmem:$0x10800] =	vst v63  }
0x1c7: {  	_ =	swait.ge [sflag:s17], $0x4000  }
0x1c8: {  	[sflag:s17] =	ssyncset.done $0x0  }
0x1c9: {  	s28 =	rddreg [dreg:$0x15];
	[sflag:s17] =	ssyncadd.s32 $0xFFFFC000  }
0x1ca: {  	[hbm4b:s28+s2] =	stream.linear.scatter [tilespmem:s11], [sflag:$0x6], $0x4000, $0x38;
	[tilespmem:$0x10800] =	vst v63  }
0x1cb: {  	_ =	swait.ge [sflag:s16], $0x4000  }
0x1cc: {  	[sflag:s16] =	ssyncset.done $0x0  }
0x1cd: {  	[sflag:s16] =	ssyncadd.s32 $0xFFFFC000  }
0x1ce: {  	_ =	swait.ge [sflag:s15], $0x1000  }
0x1cf: {  	[sflag:s15] =	ssyncset.done $0x0  }
0x1d0: {  	s29 =	rddreg [dreg:$0x16];
	[sflag:s15] =	ssyncadd.s32 $0xFFFFF000  }
0x1d1: {  	[hbm4b:s29+s2] =	stream.linear.scatter [tilespmem:s10], [sflag:$0x7], $0x1000, $0x38;
	[tilespmem:$0x10800] =	vst v63  }
0x1d2: {  	_ =	swait.ge [sflag:s14], $0x1000  }
0x1d3: {  	[sflag:s14] =	ssyncset.done $0x0  }
0x1d4: {  	[sflag:s14] =	ssyncadd.s32 $0xFFFFF000  }
0x1d5: {  	_ =	swait.ge [sflag:s12], $0x1800  }
0x1d6: {  	[sflag:s12] =	ssyncset.done $0x0  }
0x1d7: {  	s30 =	rddreg [dreg:$0x17];
	[sflag:s12] =	ssyncadd.s32 $0xFFFFE800  }
0x1d8: {  	[hbm4b:s30+s2] =	stream.linear.scatter [tilespmem:s9], [sflag:$0x8], $0x1800, $0x38;
	[tilespmem:$0x10800] =	vst v63  }
0x1d9: {  	_ =	swait.ge [sflag:s13], $0x1800  }
0x1da: {  	[sflag:s13] =	ssyncset.done $0x0  }
0x1db: {  	[sflag:s13] =	ssyncadd.s32 $0xFFFFE800  }
0x1dc: {  	_ =	swait.ge [sflag:s8], $0x1800  }
0x1dd: {  	[sflag:s8] =	ssyncset.done $0x0  }
0x1de: {  	s31 =	rddreg [dreg:$0x18];
	[sflag:s8] =	ssyncadd.s32 $0xFFFFE800  }
0x1df: {  	[hbm4b:s31+s2] =	stream.linear.scatter [tilespmem:s6], [sflag:$0x5], $0x1800, $0x38;
	[tilespmem:$0x10800] =	vst v63  }
0x1e0: {  	_ =	swait.ge [sflag:s7], $0x1800  }
0x1e1: {  	[sflag:s7] =	ssyncset.done $0x0  }
0x1e2: {  	[sflag:s7] =	ssyncadd.s32 $0xFFFFE800  }
0x1e3: {  	_ =	sfence.sel $0x180000  }
0x1e4: {  	[bflag:$0x0] =	sbarrier.arrive $0xFFFF  }
0x1e5: {  	_ =	strace $0x90000047  }
0x1e6: {  	[bflag:$0x2] =	sbarrier.arrive $0xFFFF  }
0x1e7: {  	p0 =	sne.s32 s21, $0x0;
	s0 =	rddreg [dreg:$0x6]  }
0x1e8: {  	s0 =	sadd.s32 @!p0 $0x100000, s0  }
0x1e9: {  	[sflag:s0] =	ssyncadd.tile.s32 @!p0 $0x1;
	_ =	shalt  }
.LBB2_1:
.Ltmp3:
0x1ea: {  	(pc) =	sbr.rel .LBB2_6-.Ltmp3, $3  }
0x1eb: {  	_ =	sdelay $0x1  }
0x1ec: {  	s22 =	simm.s32 $0x480  }
0x1ed: {  	s29 =	simm.s32 $0x500;
	s26 =	simm.s32 $0x580;
	s25 =	simm.s32 $0x5A0  }
.LBB2_3:
.Ltmp4:
0x1ee: {  	(pc) =	sbr.rel .LBB2_6-.Ltmp4, $3  }
0x1ef: {  	_ =	sdelay $0x1  }
0x1f0: {  	s22 =	simm.s32 $0x480;
	s29 =	simm.s32 $0x500  }
0x1f1: {  	s26 =	simm.s32 $0x580;
	s25 =	simm.s32 $0x5A0;
	s21 =	stileid.u32  }
.Lfunc_end2:
_tile_overlayer_lowered:
.L_overlay_start_2:
0x1f2: {  	(tag) =	ssettag $0x2  }
0x1f3: {  	s0 =	rddreg [dreg:$0x0];
	s2 =	stileid.u32  }
0x1f4: {  	s1 =	rddreg [dreg:$0x1];
	p0 =	sne.s32 s2, $0x0  }
0x1f5: {  	s3 =	rddreg [dreg:$0x2];
	[bflag:$0x3] =	sbarrier.arrive $0xFFFF;
	s2 =	simm.s32 @!p0 $0x1C09  }
0x1f6: {  	[timem:s3], [sflag:s2] =	dma.local @!p0 [hbm:s0], s1  }
0x1f7: {  	s0 =	simm.s32 @!p0 $0x9  }
0x1f8: {  	_ =	swait.ge @!p0 [sflag:s0], s1  }
0x1f9: {  	s1 =	ssub.s32 @!p0 $0x0, s1;
	[sflag:s0] =	ssyncset.done @!p0 $0x0  }
0x1fa: {  	[sflag:s0] =	ssyncadd.s32 @!p0 s1  }
0x1fb: {  	[bflag:$0x3] =	sbarrier.arrive $0xFFFF  }
0x1fc: {  	_ =	shalt  }

</sc_bundles>
